<compile_context>
chip_gen: v7x
topology: tpu7x:2x2x1
jax: 0.10.2.dev20260603
libtpu: 0.0.44.dev20260713+nightly
codegen_flags: <defaults>
</compile_context>

<pallas_src>
import functools

import jax
import jax.numpy as jnp
from jax import lax
from jax.experimental import pallas as pl
from jax.experimental.pallas import tpu as pltpu
from jax.experimental.pallas import tpu_sc as plsc

_N = 768
_D = 128
_K = 7
_F = _K + 1
_NW = 16
_NPW = _N // _NW
_NG = _NPW // 16


def _dense_body(x_ref, wq_ref, bq_ref, wk_ref, bk_ref, wv_ref, bv_ref,
                ws_ref, bs_ref, w1_ref, b1_ref, w2_ref, b2_ref,
                hw1b_ref, idx_ref, w2row_ref, b2v_ref):
    f32 = jnp.float32
    x = x_ref[...]
    q = jnp.dot(x, wq_ref[...], preferred_element_type=f32) + bq_ref[...]
    k = jnp.dot(x, wk_ref[...], preferred_element_type=f32) + bk_ref[...]
    v = jnp.dot(x, wv_ref[...], preferred_element_type=f32) + bv_ref[...]

    s = lax.dot_general(q, k, (((1,), (1,)), ((), ())),
                        preferred_element_type=f32)
    s = s / jnp.sqrt(f32(_D))
    row = lax.broadcasted_iota(jnp.int32, (_N, _N), 0)
    col = lax.broadcasted_iota(jnp.int32, (_N, _N), 1)
    diag = row == col
    s = jnp.where(diag, f32(-1e30), s)
    m = jnp.max(s, axis=1, keepdims=True)
    e = jnp.exp(s - m)
    ev = lax.dot_general(e, v, (((1,), (0,)), ((), ())),
                         preferred_element_type=f32)
    h = ev / jnp.sum(e, axis=1, keepdims=True)
    h = h + (jnp.dot(x, ws_ref[...], preferred_element_type=f32) + bs_ref[...])

    hh2 = h * h
    sq_col = jnp.sum(hh2, axis=1, keepdims=True)
    sq_row = jnp.transpose(sq_col, (1, 0))
    hh = lax.dot_general(h, h, (((1,), (1,)), ((), ())),
                         preferred_element_type=f32)
    d2 = (sq_col + sq_row) - 2.0 * hh
    inf = f32(jnp.inf)
    d2 = jnp.where(diag, inf, d2)

    big = jnp.int32(1 << 30)
    for t in range(_K):
        mn = jnp.min(d2, axis=1, keepdims=True)
        cand = jnp.where(d2 == mn, col, big)
        am = jnp.min(cand, axis=1, keepdims=True)
        d2 = jnp.where(col == am, inf, d2)
        idx_ref[pl.ds(t * _N, _N)] = jnp.transpose(am, (1, 0))[0]
    idx_ref[pl.ds(_K * _N, _N)] = lax.broadcasted_iota(jnp.int32, (1, _N), 1)[0]

    hw1b_ref[...] = jnp.dot(h, w1_ref[...],
                            preferred_element_type=f32) + b1_ref[...]
    w2row_ref[...] = jnp.transpose(w2_ref[...], (1, 0))[0]
    b2v_ref[...] = jnp.broadcast_to(b2_ref[...], (16,))


_dense_call = pl.pallas_call(
    _dense_body,
    out_shape=(
        jax.ShapeDtypeStruct((_N, _D), jnp.float32),
        jax.ShapeDtypeStruct((_F * _N,), jnp.int32),
        jax.ShapeDtypeStruct((_D,), jnp.float32),
        jax.ShapeDtypeStruct((16,), jnp.float32),
    ),
)


def _sc_body(hw1b_hbm, idx_hbm, w2_hbm, b2_hbm, out_hbm,
             idxv, rows, w2v, b2v, zloc, zall, outv, zsh, sem):
    w = lax.axis_index("s")
    base = w * _NPW

    handles = [
        pltpu.async_copy(idx_hbm.at[pl.ds(t * _N + base, _NPW)],
                         idxv.at[pl.ds(t * _NPW, _NPW)], sem)
        for t in range(_F)
    ]
    handles.append(pltpu.async_copy(w2_hbm, w2v, sem))
    handles.append(pltpu.async_copy(b2_hbm, b2v, sem))
    for h in handles:
        h.wait()
    pltpu.async_copy(hw1b_hbm.at[idxv], rows, sem).wait()

    lane = jnp.arange(16, dtype=jnp.int32)

    for g in range(_NG):
        def body(j, zacc, _g=g):
            n = _g * 16 + j
            dot = jnp.zeros((16,), jnp.float32)
            for c in range(_D // 16):
                acc = rows[n, pl.ds(c * 16, 16)]
                for t in range(1, _F):
                    acc = acc + rows[t * _NPW + n, pl.ds(c * 16, 16)]
                gch = jnp.maximum(acc * 0.125, 0.0)
                dot = dot + gch * w2v[pl.ds(c * 16, 16)]
            zn = jnp.sum(dot)
            return jnp.where(lane == j, zn, zacc)

        z16 = lax.fori_loop(0, 16, body, jnp.zeros((16,), jnp.float32))
        zloc[pl.ds(g * 16, 16)] = z16 + b2v[...]

    pltpu.sync_copy(zloc, zsh.at[pl.ds(base, _NPW)])
    plsc.subcore_barrier()
    pltpu.sync_copy(zsh, zall)

    for g in range(_NG):
        acc = jnp.zeros((16,), jnp.float32)
        for t in range(_F):
            nbr = idxv[pl.ds(t * _NPW + g * 16, 16)]
            acc = acc + plsc.load_gather(zall, [nbr])
        outv[pl.ds(g * 16, 16)] = acc * 0.125
    pltpu.sync_copy(outv, out_hbm.at[pl.ds(base, _NPW)])


@functools.cache
def _sc_call():
  return pl.kernel(
    _sc_body,
    out_type=jax.ShapeDtypeStruct((_N,), jnp.float32),
    mesh=plsc.VectorSubcoreMesh(core_axis_name="c", subcore_axis_name="s",
                                num_cores=1, num_subcores=_NW),
    compiler_params=pltpu.CompilerParams(needs_layout_passes=False),
    scratch_types=[
        pltpu.VMEM((_NPW * _F,), jnp.int32),
        pltpu.VMEM((_NPW * _F, _D), jnp.float32),
        pltpu.VMEM((_D,), jnp.float32),
        pltpu.VMEM((16,), jnp.float32),
        pltpu.VMEM((_NPW,), jnp.float32),
        pltpu.VMEM((_N,), jnp.float32),
        pltpu.VMEM((_NPW,), jnp.float32),
        pltpu.VMEM_SHARED((_N,), jnp.float32),
        pltpu.SemaphoreType.DMA,
    ],
  )


def kernel(x, Wq, bq, Wk, bk, Wv, bv, Wskip, bskip, W1, b1, W2, b2):
    hw1b, idx_flat, w2row, b2v = _dense_call(
        x, Wq, bq, Wk, bk, Wv, bv, Wskip, bskip, W1, b1, W2, b2)
    out = _sc_call()(hw1b, idx_flat, w2row, b2v)
    return out.reshape(_N, 1)

# --- scband reference (transcript-rebuilt; emitter-appended) ---
"""Pipeline reference for scband-graph-transformer-6339371729769 (READ-ONLY COPY).

The authoritative reference and input builder live on the scoring server;
editing this copy changes nothing except your own understanding.
"""

import jax, jax.numpy as jnp
import numpy as np

N = 768
D_IN = 128
D_H = 128
D_OUT = 1
K = 7


def setup_inputs(seed: int = 0) -> dict:
    key = jax.random.key(seed)
    ks = jax.random.split(key, 14)
    s_in = 1.0 / np.sqrt(D_IN)
    s_h = 1.0 / np.sqrt(D_H)
    inp = {
        "x": jax.random.normal(ks[0], (N, D_IN), dtype=jnp.float32),
        # TransformerConv params (heads=1, concat=False, root_weight=True)
        "Wq": jax.random.uniform(ks[1], (D_IN, D_H), minval=-s_in, maxval=s_in, dtype=jnp.float32),
        "bq": jnp.zeros((D_H,), jnp.float32),
        "Wk": jax.random.uniform(ks[2], (D_IN, D_H), minval=-s_in, maxval=s_in, dtype=jnp.float32),
        "bk": jnp.zeros((D_H,), jnp.float32),
        "Wv": jax.random.uniform(ks[3], (D_IN, D_H), minval=-s_in, maxval=s_in, dtype=jnp.float32),
        "bv": jnp.zeros((D_H,), jnp.float32),
        "Wskip": jax.random.uniform(ks[4], (D_IN, D_H), minval=-s_in, maxval=s_in, dtype=jnp.float32),
        "bskip": jnp.zeros((D_H,), jnp.float32),
        # GCN params: 2 layers (hidden -> hidden -> out)
        "W1": jax.random.uniform(ks[5], (D_H, D_H), minval=-s_h, maxval=s_h, dtype=jnp.float32),
        "b1": jnp.zeros((D_H,), jnp.float32),
        "W2": jax.random.uniform(ks[6], (D_H, D_OUT), minval=-s_h, maxval=s_h, dtype=jnp.float32),
        "b2": jnp.zeros((D_OUT,), jnp.float32),
    }
    return inp


def _transformer_conv_complete(x, Wq, bq, Wk, bk, Wv, bv, Wskip, bskip):
    # TransformerConv over a complete graph without self-loops (erdos_renyi p=1.0, undirected)
    n = x.shape[0]
    q = x @ Wq + bq
    k = x @ Wk + bk
    v = x @ Wv + bv
    scores = (q @ k.T) / jnp.sqrt(jnp.float32(D_H))
    eye = jnp.eye(n, dtype=bool)
    scores = jnp.where(eye, jnp.float32(-1e30), scores)  # no self edge
    attn = jax.nn.softmax(scores, axis=-1)  # softmax over source neighbors per dst node
    agg = attn @ v
    return agg + (x @ Wskip + bskip)  # root_weight skip connection


def _knn_edge_index(h, k):
    # KNNGraph(k, loop=False, flow='source_to_target'): edges neighbor(src) -> center(dst)
    n = h.shape[0]
    sq = jnp.sum(h * h, axis=1)
    d2 = sq[:, None] + sq[None, :] - 2.0 * (h @ h.T)
    d2 = jnp.where(jnp.eye(n, dtype=bool), jnp.inf, d2)
    _, idx = jax.lax.top_k(-d2, k)  # [n, k] nearest neighbors per node
    src = idx.reshape(-1)
    dst = jnp.repeat(jnp.arange(n), k)
    return src, dst


def _gcn_conv(x, src, dst, W, b):
    # GCNConv with add_self_loops=True and symmetric normalization
    n = x.shape[0]
    loop = jnp.arange(n)
    s = jnp.concatenate([src, loop])
    d = jnp.concatenate([dst, loop])
    deg = jnp.zeros((n,), x.dtype).at[d].add(1.0)
    dinv = jax.lax.rsqrt(deg)
    norm = dinv[s] * dinv[d]
    h = x @ W
    out = jnp.zeros((n, W.shape[1]), x.dtype).at[d].add(h[s] * norm[:, None])
    return out + b


def reference(x, Wq, bq, Wk, bk, Wv, bv, Wskip, bskip, W1, b1, W2, b2):
    h = _transformer_conv_complete(x, Wq, bq, Wk, bk, Wv, bv, Wskip, bskip)
    src, dst = _knn_edge_index(h, K)
    g = _gcn_conv(h, src, dst, W1, b1)
    g = jax.nn.relu(g)
    out = _gcn_conv(g, src, dst, W2, b2)
    return out

if __name__ == "__main__":
    import jax
    _d = setup_inputs()
    print(jax.jit(kernel)(*tuple(_d.values())))

</pallas_src>

<mosaic_0001>
#map = affine_map<(d0, d1) -> (0, 0)>
#map1 = affine_map<(d0, d1) -> (0)>
module attributes {stable_mosaic.version = 14 : i64} {
  func.func @_sc_body(%arg0: i32, %arg1: i32, %arg2: memref<768x128xf32, #tpu.memory_space<hbm>>, %arg3: memref<6144xi32, #tpu.memory_space<hbm>>, %arg4: memref<128xf32, #tpu.memory_space<hbm>>, %arg5: memref<16xf32, #tpu.memory_space<hbm>>, %arg6: memref<768xf32, #tpu.memory_space<hbm>>, %arg7: memref<384xi32, #tpu.memory_space<vmem>>, %arg8: memref<384x128xf32, #tpu.memory_space<vmem>>, %arg9: memref<128xf32, #tpu.memory_space<vmem>>, %arg10: memref<16xf32, #tpu.memory_space<vmem>>, %arg11: memref<48xf32, #tpu.memory_space<vmem>>, %arg12: memref<768xf32, #tpu.memory_space<vmem>>, %arg13: memref<48xf32, #tpu.memory_space<vmem>>, %arg14: memref<768xf32, #tpu.memory_space<vmem_shared>>, %arg15: memref<!tpu.dma_semaphore, #tpu.memory_space<semaphore_mem>>) attributes {dimension_semantics = [#tpu.dimension_semantics<core_parallel>, #tpu.dimension_semantics<subcore_parallel>], iteration_bounds = array<i64: 1, 16>, scalar_prefetch = 0 : i64, scratch_operands = 9 : i64, tpu.core_type = #tpu.core_type<sc_vector_subcore>, window_params = [{transform_indices = #map}, {transform_indices = #map1}, {transform_indices = #map1}, {transform_indices = #map1}, {transform_indices = #map1}]} {
    %mul3A = arith.constant 48 : i32
    %mul3A_0 = arith.muli %arg1, %mul3A : i32
    %add3A = arith.constant 0 : i32
    %add3A_1 = arith.addi %add3A, %mul3A_0 : i32
    %dma_start3A = arith.constant 0 : i32
    %dma_start3A_2 = tpu.memref_slice %arg7[%dma_start3A] : memref<384xi32, #tpu.memory_space<vmem>> -> memref<48xi32, #tpu.memory_space<vmem>>
    %dma_start3A_3 = tpu.memref_slice %arg3[%add3A_1] : memref<6144xi32, #tpu.memory_space<hbm>> -> memref<48xi32, #tpu.memory_space<hbm>>
    %dma_start3A_4 = arith.constant 0 : i32
    %dma_start3A_5 = tpu.memref_slice %arg7[%dma_start3A_4] : memref<384xi32, #tpu.memory_space<vmem>> -> memref<48xi32, #tpu.memory_space<vmem>>
    %dma_start3A_6 = tpu.memref_slice %arg3[%add3A_1] : memref<6144xi32, #tpu.memory_space<hbm>> -> memref<48xi32, #tpu.memory_space<hbm>>
    tpu.enqueue_dma source(%dma_start3A_6 : memref<48xi32, #tpu.memory_space<hbm>>) target(%dma_start3A_5 : memref<48xi32, #tpu.memory_space<vmem>>) target_semaphore(%arg15 : memref<!tpu.dma_semaphore, #tpu.memory_space<semaphore_mem>>)
    %add3A_7 = arith.constant 768 : i32
    %add3A_8 = arith.addi %add3A_7, %mul3A_0 : i32
    %dma_start3A_9 = arith.constant 48 : i32
    %dma_start3A_10 = tpu.memref_slice %arg7[%dma_start3A_9] : memref<384xi32, #tpu.memory_space<vmem>> -> memref<48xi32, #tpu.memory_space<vmem>>
    %dma_start3A_11 = tpu.memref_slice %arg3[%add3A_8] : memref<6144xi32, #tpu.memory_space<hbm>> -> memref<48xi32, #tpu.memory_space<hbm>>
    %dma_start3A_12 = arith.constant 48 : i32
    %dma_start3A_13 = tpu.memref_slice %arg7[%dma_start3A_12] : memref<384xi32, #tpu.memory_space<vmem>> -> memref<48xi32, #tpu.memory_space<vmem>>
    %dma_start3A_14 = tpu.memref_slice %arg3[%add3A_8] : memref<6144xi32, #tpu.memory_space<hbm>> -> memref<48xi32, #tpu.memory_space<hbm>>
    tpu.enqueue_dma source(%dma_start3A_14 : memref<48xi32, #tpu.memory_space<hbm>>) target(%dma_start3A_13 : memref<48xi32, #tpu.memory_space<vmem>>) target_semaphore(%arg15 : memref<!tpu.dma_semaphore, #tpu.memory_space<semaphore_mem>>)
    %add3A_15 = arith.constant 1536 : i32
    %add3A_16 = arith.addi %add3A_15, %mul3A_0 : i32
    %dma_start3A_17 = arith.constant 96 : i32
    %dma_start3A_18 = tpu.memref_slice %arg7[%dma_start3A_17] : memref<384xi32, #tpu.memory_space<vmem>> -> memref<48xi32, #tpu.memory_space<vmem>>
    %dma_start3A_19 = tpu.memref_slice %arg3[%add3A_16] : memref<6144xi32, #tpu.memory_space<hbm>> -> memref<48xi32, #tpu.memory_space<hbm>>
    %dma_start3A_20 = arith.constant 96 : i32
    %dma_start3A_21 = tpu.memref_slice %arg7[%dma_start3A_20] : memref<384xi32, #tpu.memory_space<vmem>> -> memref<48xi32, #tpu.memory_space<vmem>>
    %dma_start3A_22 = tpu.memref_slice %arg3[%add3A_16] : memref<6144xi32, #tpu.memory_space<hbm>> -> memref<48xi32, #tpu.memory_space<hbm>>
    tpu.enqueue_dma source(%dma_start3A_22 : memref<48xi32, #tpu.memory_space<hbm>>) target(%dma_start3A_21 : memref<48xi32, #tpu.memory_space<vmem>>) target_semaphore(%arg15 : memref<!tpu.dma_semaphore, #tpu.memory_space<semaphore_mem>>)
    %add3A_23 = arith.constant 2304 : i32
    %add3A_24 = arith.addi %add3A_23, %mul3A_0 : i32
    %dma_start3A_25 = arith.constant 144 : i32
    %dma_start3A_26 = tpu.memref_slice %arg7[%dma_start3A_25] : memref<384xi32, #tpu.memory_space<vmem>> -> memref<48xi32, #tpu.memory_space<vmem>>
    %dma_start3A_27 = tpu.memref_slice %arg3[%add3A_24] : memref<6144xi32, #tpu.memory_space<hbm>> -> memref<48xi32, #tpu.memory_space<hbm>>
    %dma_start3A_28 = arith.constant 144 : i32
    %dma_start3A_29 = tpu.memref_slice %arg7[%dma_start3A_28] : memref<384xi32, #tpu.memory_space<vmem>> -> memref<48xi32, #tpu.memory_space<vmem>>
    %dma_start3A_30 = tpu.memref_slice %arg3[%add3A_24] : memref<6144xi32, #tpu.memory_space<hbm>> -> memref<48xi32, #tpu.memory_space<hbm>>
    tpu.enqueue_dma source(%dma_start3A_30 : memref<48xi32, #tpu.memory_space<hbm>>) target(%dma_start3A_29 : memref<48xi32, #tpu.memory_space<vmem>>) target_semaphore(%arg15 : memref<!tpu.dma_semaphore, #tpu.memory_space<semaphore_mem>>)
    %add3A_31 = arith.constant 3072 : i32
    %add3A_32 = arith.addi %add3A_31, %mul3A_0 : i32
    %dma_start3A_33 = arith.constant 192 : i32
    %dma_start3A_34 = tpu.memref_slice %arg7[%dma_start3A_33] : memref<384xi32, #tpu.memory_space<vmem>> -> memref<48xi32, #tpu.memory_space<vmem>>
    %dma_start3A_35 = tpu.memref_slice %arg3[%add3A_32] : memref<6144xi32, #tpu.memory_space<hbm>> -> memref<48xi32, #tpu.memory_space<hbm>>
    %dma_start3A_36 = arith.constant 192 : i32
    %dma_start3A_37 = tpu.memref_slice %arg7[%dma_start3A_36] : memref<384xi32, #tpu.memory_space<vmem>> -> memref<48xi32, #tpu.memory_space<vmem>>
    %dma_start3A_38 = tpu.memref_slice %arg3[%add3A_32] : memref<6144xi32, #tpu.memory_space<hbm>> -> memref<48xi32, #tpu.memory_space<hbm>>
    tpu.enqueue_dma source(%dma_start3A_38 : memref<48xi32, #tpu.memory_space<hbm>>) target(%dma_start3A_37 : memref<48xi32, #tpu.memory_space<vmem>>) target_semaphore(%arg15 : memref<!tpu.dma_semaphore, #tpu.memory_space<semaphore_mem>>)
    %add3A_39 = arith.constant 3840 : i32
    %add3A_40 = arith.addi %add3A_39, %mul3A_0 : i32
    %dma_start3A_41 = arith.constant 240 : i32
    %dma_start3A_42 = tpu.memref_slice %arg7[%dma_start3A_41] : memref<384xi32, #tpu.memory_space<vmem>> -> memref<48xi32, #tpu.memory_space<vmem>>
    %dma_start3A_43 = tpu.memref_slice %arg3[%add3A_40] : memref<6144xi32, #tpu.memory_space<hbm>> -> memref<48xi32, #tpu.memory_space<hbm>>
    %dma_start3A_44 = arith.constant 240 : i32
    %dma_start3A_45 = tpu.memref_slice %arg7[%dma_start3A_44] : memref<384xi32, #tpu.memory_space<vmem>> -> memref<48xi32, #tpu.memory_space<vmem>>
    %dma_start3A_46 = tpu.memref_slice %arg3[%add3A_40] : memref<6144xi32, #tpu.memory_space<hbm>> -> memref<48xi32, #tpu.memory_space<hbm>>
    tpu.enqueue_dma source(%dma_start3A_46 : memref<48xi32, #tpu.memory_space<hbm>>) target(%dma_start3A_45 : memref<48xi32, #tpu.memory_space<vmem>>) target_semaphore(%arg15 : memref<!tpu.dma_semaphore, #tpu.memory_space<semaphore_mem>>)
    %add3A_47 = arith.constant 4608 : i32
    %add3A_48 = arith.addi %add3A_47, %mul3A_0 : i32
    %dma_start3A_49 = arith.constant 288 : i32
    %dma_start3A_50 = tpu.memref_slice %arg7[%dma_start3A_49] : memref<384xi32, #tpu.memory_space<vmem>> -> memref<48xi32, #tpu.memory_space<vmem>>
    %dma_start3A_51 = tpu.memref_slice %arg3[%add3A_48] : memref<6144xi32, #tpu.memory_space<hbm>> -> memref<48xi32, #tpu.memory_space<hbm>>
    %dma_start3A_52 = arith.constant 288 : i32
    %dma_start3A_53 = tpu.memref_slice %arg7[%dma_start3A_52] : memref<384xi32, #tpu.memory_space<vmem>> -> memref<48xi32, #tpu.memory_space<vmem>>
    %dma_start3A_54 = tpu.memref_slice %arg3[%add3A_48] : memref<6144xi32, #tpu.memory_space<hbm>> -> memref<48xi32, #tpu.memory_space<hbm>>
    tpu.enqueue_dma source(%dma_start3A_54 : memref<48xi32, #tpu.memory_space<hbm>>) target(%dma_start3A_53 : memref<48xi32, #tpu.memory_space<vmem>>) target_semaphore(%arg15 : memref<!tpu.dma_semaphore, #tpu.memory_space<semaphore_mem>>)
    %add3A_55 = arith.constant 5376 : i32
    %add3A_56 = arith.addi %add3A_55, %mul3A_0 : i32
    %dma_start3A_57 = arith.constant 336 : i32
    %dma_start3A_58 = tpu.memref_slice %arg7[%dma_start3A_57] : memref<384xi32, #tpu.memory_space<vmem>> -> memref<48xi32, #tpu.memory_space<vmem>>
    %dma_start3A_59 = tpu.memref_slice %arg3[%add3A_56] : memref<6144xi32, #tpu.memory_space<hbm>> -> memref<48xi32, #tpu.memory_space<hbm>>
    %dma_start3A_60 = arith.constant 336 : i32
    %dma_start3A_61 = tpu.memref_slice %arg7[%dma_start3A_60] : memref<384xi32, #tpu.memory_space<vmem>> -> memref<48xi32, #tpu.memory_space<vmem>>
    %dma_start3A_62 = tpu.memref_slice %arg3[%add3A_56] : memref<6144xi32, #tpu.memory_space<hbm>> -> memref<48xi32, #tpu.memory_space<hbm>>
    tpu.enqueue_dma source(%dma_start3A_62 : memref<48xi32, #tpu.memory_space<hbm>>) target(%dma_start3A_61 : memref<48xi32, #tpu.memory_space<vmem>>) target_semaphore(%arg15 : memref<!tpu.dma_semaphore, #tpu.memory_space<semaphore_mem>>)
    tpu.enqueue_dma source(%arg4 : memref<128xf32, #tpu.memory_space<hbm>>) target(%arg9 : memref<128xf32, #tpu.memory_space<vmem>>) target_semaphore(%arg15 : memref<!tpu.dma_semaphore, #tpu.memory_space<semaphore_mem>>)
    tpu.enqueue_dma source(%arg5 : memref<16xf32, #tpu.memory_space<hbm>>) target(%arg10 : memref<16xf32, #tpu.memory_space<vmem>>) target_semaphore(%arg15 : memref<!tpu.dma_semaphore, #tpu.memory_space<semaphore_mem>>)
    %dma_wait3A = arith.constant 0 : i32
    %dma_wait3A_63 = tpu.memref_slice %arg7[%dma_wait3A] : memref<384xi32, #tpu.memory_space<vmem>> -> memref<48xi32, #tpu.memory_space<vmem>>
    %dma_wait3A_64 = tpu.memref_slice %arg3[%add3A_1] : memref<6144xi32, #tpu.memory_space<hbm>> -> memref<48xi32, #tpu.memory_space<hbm>>
    %dma_wait3A_65 = arith.constant 0 : i32
    %dma_wait3A_66 = tpu.memref_slice %arg7[%dma_wait3A_65] : memref<384xi32, #tpu.memory_space<vmem>> -> memref<48xi32, #tpu.memory_space<vmem>>
    %dma_wait3A_67 = tpu.memref_slice %arg3[%add3A_1] : memref<6144xi32, #tpu.memory_space<hbm>> -> memref<48xi32, #tpu.memory_space<hbm>>
    tpu.wait_dma2 semaphore(%arg15 : memref<!tpu.dma_semaphore, #tpu.memory_space<semaphore_mem>>) src(%dma_wait3A_67 : memref<48xi32, #tpu.memory_space<hbm>>) dst(%dma_wait3A_66 : memref<48xi32, #tpu.memory_space<vmem>>)
    %dma_wait3A_68 = arith.constant 48 : i32
    %dma_wait3A_69 = tpu.memref_slice %arg7[%dma_wait3A_68] : memref<384xi32, #tpu.memory_space<vmem>> -> memref<48xi32, #tpu.memory_space<vmem>>
    %dma_wait3A_70 = tpu.memref_slice %arg3[%add3A_8] : memref<6144xi32, #tpu.memory_space<hbm>> -> memref<48xi32, #tpu.memory_space<hbm>>
    %dma_wait3A_71 = arith.constant 48 : i32
    %dma_wait3A_72 = tpu.memref_slice %arg7[%dma_wait3A_71] : memref<384xi32, #tpu.memory_space<vmem>> -> memref<48xi32, #tpu.memory_space<vmem>>
    %dma_wait3A_73 = tpu.memref_slice %arg3[%add3A_8] : memref<6144xi32, #tpu.memory_space<hbm>> -> memref<48xi32, #tpu.memory_space<hbm>>
    tpu.wait_dma2 semaphore(%arg15 : memref<!tpu.dma_semaphore, #tpu.memory_space<semaphore_mem>>) src(%dma_wait3A_73 : memref<48xi32, #tpu.memory_space<hbm>>) dst(%dma_wait3A_72 : memref<48xi32, #tpu.memory_space<vmem>>)
    %dma_wait3A_74 = arith.constant 96 : i32
    %dma_wait3A_75 = tpu.memref_slice %arg7[%dma_wait3A_74] : memref<384xi32, #tpu.memory_space<vmem>> -> memref<48xi32, #tpu.memory_space<vmem>>
    %dma_wait3A_76 = tpu.memref_slice %arg3[%add3A_16] : memref<6144xi32, #tpu.memory_space<hbm>> -> memref<48xi32, #tpu.memory_space<hbm>>
    %dma_wait3A_77 = arith.constant 96 : i32
    %dma_wait3A_78 = tpu.memref_slice %arg7[%dma_wait3A_77] : memref<384xi32, #tpu.memory_space<vmem>> -> memref<48xi32, #tpu.memory_space<vmem>>
    %dma_wait3A_79 = tpu.memref_slice %arg3[%add3A_16] : memref<6144xi32, #tpu.memory_space<hbm>> -> memref<48xi32, #tpu.memory_space<hbm>>
    tpu.wait_dma2 semaphore(%arg15 : memref<!tpu.dma_semaphore, #tpu.memory_space<semaphore_mem>>) src(%dma_wait3A_79 : memref<48xi32, #tpu.memory_space<hbm>>) dst(%dma_wait3A_78 : memref<48xi32, #tpu.memory_space<vmem>>)
    %dma_wait3A_80 = arith.constant 144 : i32
    %dma_wait3A_81 = tpu.memref_slice %arg7[%dma_wait3A_80] : memref<384xi32, #tpu.memory_space<vmem>> -> memref<48xi32, #tpu.memory_space<vmem>>
    %dma_wait3A_82 = tpu.memref_slice %arg3[%add3A_24] : memref<6144xi32, #tpu.memory_space<hbm>> -> memref<48xi32, #tpu.memory_space<hbm>>
    %dma_wait3A_83 = arith.constant 144 : i32
    %dma_wait3A_84 = tpu.memref_slice %arg7[%dma_wait3A_83] : memref<384xi32, #tpu.memory_space<vmem>> -> memref<48xi32, #tpu.memory_space<vmem>>
    %dma_wait3A_85 = tpu.memref_slice %arg3[%add3A_24] : memref<6144xi32, #tpu.memory_space<hbm>> -> memref<48xi32, #tpu.memory_space<hbm>>
    tpu.wait_dma2 semaphore(%arg15 : memref<!tpu.dma_semaphore, #tpu.memory_space<semaphore_mem>>) src(%dma_wait3A_85 : memref<48xi32, #tpu.memory_space<hbm>>) dst(%dma_wait3A_84 : memref<48xi32, #tpu.memory_space<vmem>>)
    %dma_wait3A_86 = arith.constant 192 : i32
    %dma_wait3A_87 = tpu.memref_slice %arg7[%dma_wait3A_86] : memref<384xi32, #tpu.memory_space<vmem>> -> memref<48xi32, #tpu.memory_space<vmem>>
    %dma_wait3A_88 = tpu.memref_slice %arg3[%add3A_32] : memref<6144xi32, #tpu.memory_space<hbm>> -> memref<48xi32, #tpu.memory_space<hbm>>
    %dma_wait3A_89 = arith.constant 192 : i32
    %dma_wait3A_90 = tpu.memref_slice %arg7[%dma_wait3A_89] : memref<384xi32, #tpu.memory_space<vmem>> -> memref<48xi32, #tpu.memory_space<vmem>>
    %dma_wait3A_91 = tpu.memref_slice %arg3[%add3A_32] : memref<6144xi32, #tpu.memory_space<hbm>> -> memref<48xi32, #tpu.memory_space<hbm>>
    tpu.wait_dma2 semaphore(%arg15 : memref<!tpu.dma_semaphore, #tpu.memory_space<semaphore_mem>>) src(%dma_wait3A_91 : memref<48xi32, #tpu.memory_space<hbm>>) dst(%dma_wait3A_90 : memref<48xi32, #tpu.memory_space<vmem>>)
    %dma_wait3A_92 = arith.constant 240 : i32
    %dma_wait3A_93 = tpu.memref_slice %arg7[%dma_wait3A_92] : memref<384xi32, #tpu.memory_space<vmem>> -> memref<48xi32, #tpu.memory_space<vmem>>
    %dma_wait3A_94 = tpu.memref_slice %arg3[%add3A_40] : memref<6144xi32, #tpu.memory_space<hbm>> -> memref<48xi32, #tpu.memory_space<hbm>>
    %dma_wait3A_95 = arith.constant 240 : i32
    %dma_wait3A_96 = tpu.memref_slice %arg7[%dma_wait3A_95] : memref<384xi32, #tpu.memory_space<vmem>> -> memref<48xi32, #tpu.memory_space<vmem>>
    %dma_wait3A_97 = tpu.memref_slice %arg3[%add3A_40] : memref<6144xi32, #tpu.memory_space<hbm>> -> memref<48xi32, #tpu.memory_space<hbm>>
    tpu.wait_dma2 semaphore(%arg15 : memref<!tpu.dma_semaphore, #tpu.memory_space<semaphore_mem>>) src(%dma_wait3A_97 : memref<48xi32, #tpu.memory_space<hbm>>) dst(%dma_wait3A_96 : memref<48xi32, #tpu.memory_space<vmem>>)
    %dma_wait3A_98 = arith.constant 288 : i32
    %dma_wait3A_99 = tpu.memref_slice %arg7[%dma_wait3A_98] : memref<384xi32, #tpu.memory_space<vmem>> -> memref<48xi32, #tpu.memory_space<vmem>>
    %dma_wait3A_100 = tpu.memref_slice %arg3[%add3A_48] : memref<6144xi32, #tpu.memory_space<hbm>> -> memref<48xi32, #tpu.memory_space<hbm>>
    %dma_wait3A_101 = arith.constant 288 : i32
    %dma_wait3A_102 = tpu.memref_slice %arg7[%dma_wait3A_101] : memref<384xi32, #tpu.memory_space<vmem>> -> memref<48xi32, #tpu.memory_space<vmem>>
    %dma_wait3A_103 = tpu.memref_slice %arg3[%add3A_48] : memref<6144xi32, #tpu.memory_space<hbm>> -> memref<48xi32, #tpu.memory_space<hbm>>
    tpu.wait_dma2 semaphore(%arg15 : memref<!tpu.dma_semaphore, #tpu.memory_space<semaphore_mem>>) src(%dma_wait3A_103 : memref<48xi32, #tpu.memory_space<hbm>>) dst(%dma_wait3A_102 : memref<48xi32, #tpu.memory_space<vmem>>)
    %dma_wait3A_104 = arith.constant 336 : i32
    %dma_wait3A_105 = tpu.memref_slice %arg7[%dma_wait3A_104] : memref<384xi32, #tpu.memory_space<vmem>> -> memref<48xi32, #tpu.memory_space<vmem>>
    %dma_wait3A_106 = tpu.memref_slice %arg3[%add3A_56] : memref<6144xi32, #tpu.memory_space<hbm>> -> memref<48xi32, #tpu.memory_space<hbm>>
    %dma_wait3A_107 = arith.constant 336 : i32
    %dma_wait3A_108 = tpu.memref_slice %arg7[%dma_wait3A_107] : memref<384xi32, #tpu.memory_space<vmem>> -> memref<48xi32, #tpu.memory_space<vmem>>
    %dma_wait3A_109 = tpu.memref_slice %arg3[%add3A_56] : memref<6144xi32, #tpu.memory_space<hbm>> -> memref<48xi32, #tpu.memory_space<hbm>>
    tpu.wait_dma2 semaphore(%arg15 : memref<!tpu.dma_semaphore, #tpu.memory_space<semaphore_mem>>) src(%dma_wait3A_109 : memref<48xi32, #tpu.memory_space<hbm>>) dst(%dma_wait3A_108 : memref<48xi32, #tpu.memory_space<vmem>>)
    tpu.wait_dma2 semaphore(%arg15 : memref<!tpu.dma_semaphore, #tpu.memory_space<semaphore_mem>>) src(%arg4 : memref<128xf32, #tpu.memory_space<hbm>>) dst(%arg9 : memref<128xf32, #tpu.memory_space<vmem>>)
    tpu.wait_dma2 semaphore(%arg15 : memref<!tpu.dma_semaphore, #tpu.memory_space<semaphore_mem>>) src(%arg5 : memref<16xf32, #tpu.memory_space<hbm>>) dst(%arg10 : memref<16xf32, #tpu.memory_space<vmem>>)
    %dma_start3A_110 = arith.constant 0 : i32
    %dma_start3A_111 = arith.constant 0 : i32
    %dma_start3A_112 = tpu.memref_slice %arg2[%dma_start3A_110, %dma_start3A_111] : memref<768x128xf32, #tpu.memory_space<hbm>> -> memref<768x128xf32, #tpu.memory_space<hbm>>
    tpu.enqueue_indirect_dma source(%dma_start3A_112 : memref<768x128xf32, #tpu.memory_space<hbm>>) target(%arg8 : memref<384x128xf32, #tpu.memory_space<vmem>>) offsets(%arg7 : memref<384xi32, #tpu.memory_space<vmem>>) semaphore(%arg15 : memref<!tpu.dma_semaphore, #tpu.memory_space<semaphore_mem>>)
    %dma_wait3A_113 = arith.constant 0 : i32
    %dma_wait3A_114 = arith.constant 0 : i32
    %dma_wait3A_115 = tpu.memref_slice %arg2[%dma_wait3A_113, %dma_wait3A_114] : memref<768x128xf32, #tpu.memory_space<hbm>> -> memref<768x128xf32, #tpu.memory_space<hbm>>
    tpu.wait_indirect_dma semaphore(%arg15 : memref<!tpu.dma_semaphore, #tpu.memory_space<semaphore_mem>>) src(%dma_wait3A_115 : memref<768x128xf32, #tpu.memory_space<hbm>>) dst(%arg8 : memref<384x128xf32, #tpu.memory_space<vmem>>)
    %iota3A = tpu.iota {dimensions = array<i32: 0>} : vector<16xi32>
    %broadcast_in_dim3A = arith.constant 0.000000e+00 : f32
    %broadcast_in_dim3A_116 = vector.broadcast %broadcast_in_dim3A : f32 to vector<16xf32>
    %scan3A = arith.constant 0 : i32
    %scan3A_117 = arith.constant 16 : i32
    %scan3A_118 = arith.addi %scan3A, %scan3A_117 : i32
    %scan3A_119 = arith.constant 1 : i32
    %scan3A_120 = scf.for %scan3A_267 = %scan3A to %scan3A_118 step %scan3A_119 iter_args(%scan3A_268 = %broadcast_in_dim3A_116) -> (vector<16xf32>)  : i32 {
      %add3A_269 = arith.constant 0 : i32
      %add3A_270 = arith.addi %add3A_269, %scan3A_267 : i32
      %broadcast_in_dim3A_271 = arith.constant 0.000000e+00 : f32
      %broadcast_in_dim3A_272 = vector.broadcast %broadcast_in_dim3A_271 : f32 to vector<16xf32>
      %get3A_273 = arith.index_cast %add3A_270 : i32 to index
      %get3A_274 = arith.constant 0 : index
      %get3A_275 = tpu.vector_load %arg8[%get3A_273, %get3A_274] {strides = array<i32>} : memref<384x128xf32, #tpu.memory_space<vmem>>, vector<16xf32>,
      %add3A_276 = arith.constant 48 : i32
      %add3A_277 = arith.addi %add3A_276, %add3A_270 : i32
      %get3A_278 = arith.index_cast %add3A_277 : i32 to index
      %get3A_279 = arith.constant 0 : index
      %get3A_280 = tpu.vector_load %arg8[%get3A_278, %get3A_279] {strides = array<i32>} : memref<384x128xf32, #tpu.memory_space<vmem>>, vector<16xf32>,
      %add3A_281 = arith.addf %get3A_275, %get3A_280 : vector<16xf32>
      %add3A_282 = arith.constant 96 : i32
      %add3A_283 = arith.addi %add3A_282, %add3A_270 : i32
      %get3A_284 = arith.index_cast %add3A_283 : i32 to index
      %get3A_285 = arith.constant 0 : index
      %get3A_286 = tpu.vector_load %arg8[%get3A_284, %get3A_285] {strides = array<i32>} : memref<384x128xf32, #tpu.memory_space<vmem>>, vector<16xf32>,
      %add3A_287 = arith.addf %add3A_281, %get3A_286 : vector<16xf32>
      %add3A_288 = arith.constant 144 : i32
      %add3A_289 = arith.addi %add3A_288, %add3A_270 : i32
      %get3A_290 = arith.index_cast %add3A_289 : i32 to index
      %get3A_291 = arith.constant 0 : index
      %get3A_292 = tpu.vector_load %arg8[%get3A_290, %get3A_291] {strides = array<i32>} : memref<384x128xf32, #tpu.memory_space<vmem>>, vector<16xf32>,
      %add3A_293 = arith.addf %add3A_287, %get3A_292 : vector<16xf32>
      %add3A_294 = arith.constant 192 : i32
      %add3A_295 = arith.addi %add3A_294, %add3A_270 : i32
      %get3A_296 = arith.index_cast %add3A_295 : i32 to index
      %get3A_297 = arith.constant 0 : index
      %get3A_298 = tpu.vector_load %arg8[%get3A_296, %get3A_297] {strides = array<i32>} : memref<384x128xf32, #tpu.memory_space<vmem>>, vector<16xf32>,
      %add3A_299 = arith.addf %add3A_293, %get3A_298 : vector<16xf32>
      %add3A_300 = arith.constant 240 : i32
      %add3A_301 = arith.addi %add3A_300, %add3A_270 : i32
      %get3A_302 = arith.index_cast %add3A_301 : i32 to index
      %get3A_303 = arith.constant 0 : index
      %get3A_304 = tpu.vector_load %arg8[%get3A_302, %get3A_303] {strides = array<i32>} : memref<384x128xf32, #tpu.memory_space<vmem>>, vector<16xf32>,
      %add3A_305 = arith.addf %add3A_299, %get3A_304 : vector<16xf32>
      %add3A_306 = arith.constant 288 : i32
      %add3A_307 = arith.addi %add3A_306, %add3A_270 : i32
      %get3A_308 = arith.index_cast %add3A_307 : i32 to index
      %get3A_309 = arith.constant 0 : index
      %get3A_310 = tpu.vector_load %arg8[%get3A_308, %get3A_309] {strides = array<i32>} : memref<384x128xf32, #tpu.memory_space<vmem>>, vector<16xf32>,
      %add3A_311 = arith.addf %add3A_305, %get3A_310 : vector<16xf32>
      %add3A_312 = arith.constant 336 : i32
      %add3A_313 = arith.addi %add3A_312, %add3A_270 : i32
      %get3A_314 = arith.index_cast %add3A_313 : i32 to index
      %get3A_315 = arith.constant 0 : index
      %get3A_316 = tpu.vector_load %arg8[%get3A_314, %get3A_315] {strides = array<i32>} : memref<384x128xf32, #tpu.memory_space<vmem>>, vector<16xf32>,
      %add3A_317 = arith.addf %add3A_311, %get3A_316 : vector<16xf32>
      %mul3A_318 = arith.constant 1.250000e-01 : f32
      %mul3A_319 = vector.broadcast %mul3A_318 : f32 to vector<16xf32>
      %mul3A_320 = arith.mulf %add3A_317, %mul3A_319 : vector<16xf32>
      %max3A = arith.constant 0.000000e+00 : f32
      %max3A_321 = vector.broadcast %max3A : f32 to vector<16xf32>
      %max3A_322 = arith.maximumf %mul3A_320, %max3A_321 : vector<16xf32>
      %get3A_323 = arith.constant 0 : index
      %get3A_324 = tpu.vector_load %arg9[%get3A_323] {strides = array<i32>} : memref<128xf32, #tpu.memory_space<vmem>>, vector<16xf32>,
      %mul3A_325 = arith.mulf %max3A_322, %get3A_324 : vector<16xf32>
      %add3A_326 = arith.addf %broadcast_in_dim3A_272, %mul3A_325 : vector<16xf32>
      %get3A_327 = arith.index_cast %add3A_270 : i32 to index
      %get3A_328 = arith.constant 16 : index
      %get3A_329 = tpu.vector_load %arg8[%get3A_327, %get3A_328] {strides = array<i32>} : memref<384x128xf32, #tpu.memory_space<vmem>>, vector<16xf32>,
      %add3A_330 = arith.constant 48 : i32
      %add3A_331 = arith.addi %add3A_330, %add3A_270 : i32
      %get3A_332 = arith.index_cast %add3A_331 : i32 to index
      %get3A_333 = arith.constant 16 : index
      %get3A_334 = tpu.vector_load %arg8[%get3A_332, %get3A_333] {strides = array<i32>} : memref<384x128xf32, #tpu.memory_space<vmem>>, vector<16xf32>,
      %add3A_335 = arith.addf %get3A_329, %get3A_334 : vector<16xf32>
      %add3A_336 = arith.constant 96 : i32
      %add3A_337 = arith.addi %add3A_336, %add3A_270 : i32
      %get3A_338 = arith.index_cast %add3A_337 : i32 to index
      %get3A_339 = arith.constant 16 : index
      %get3A_340 = tpu.vector_load %arg8[%get3A_338, %get3A_339] {strides = array<i32>} : memref<384x128xf32, #tpu.memory_space<vmem>>, vector<16xf32>,
      %add3A_341 = arith.addf %add3A_335, %get3A_340 : vector<16xf32>
      %add3A_342 = arith.constant 144 : i32
      %add3A_343 = arith.addi %add3A_342, %add3A_270 : i32
      %get3A_344 = arith.index_cast %add3A_343 : i32 to index
      %get3A_345 = arith.constant 16 : index
      %get3A_346 = tpu.vector_load %arg8[%get3A_344, %get3A_345] {strides = array<i32>} : memref<384x128xf32, #tpu.memory_space<vmem>>, vector<16xf32>,
      %add3A_347 = arith.addf %add3A_341, %get3A_346 : vector<16xf32>
      %add3A_348 = arith.constant 192 : i32
      %add3A_349 = arith.addi %add3A_348, %add3A_270 : i32
      %get3A_350 = arith.index_cast %add3A_349 : i32 to index
      %get3A_351 = arith.constant 16 : index
      %get3A_352 = tpu.vector_load %arg8[%get3A_350, %get3A_351] {strides = array<i32>} : memref<384x128xf32, #tpu.memory_space<vmem>>, vector<16xf32>,
      %add3A_353 = arith.addf %add3A_347, %get3A_352 : vector<16xf32>
      %add3A_354 = arith.constant 240 : i32
      %add3A_355 = arith.addi %add3A_354, %add3A_270 : i32
      %get3A_356 = arith.index_cast %add3A_355 : i32 to index
      %get3A_357 = arith.constant 16 : index
      %get3A_358 = tpu.vector_load %arg8[%get3A_356, %get3A_357] {strides = array<i32>} : memref<384x128xf32, #tpu.memory_space<vmem>>, vector<16xf32>,
      %add3A_359 = arith.addf %add3A_353, %get3A_358 : vector<16xf32>
      %add3A_360 = arith.constant 288 : i32
      %add3A_361 = arith.addi %add3A_360, %add3A_270 : i32
      %get3A_362 = arith.index_cast %add3A_361 : i32 to index
      %get3A_363 = arith.constant 16 : index
      %get3A_364 = tpu.vector_load %arg8[%get3A_362, %get3A_363] {strides = array<i32>} : memref<384x128xf32, #tpu.memory_space<vmem>>, vector<16xf32>,
      %add3A_365 = arith.addf %add3A_359, %get3A_364 : vector<16xf32>
      %add3A_366 = arith.constant 336 : i32
      %add3A_367 = arith.addi %add3A_366, %add3A_270 : i32
      %get3A_368 = arith.index_cast %add3A_367 : i32 to index
      %get3A_369 = arith.constant 16 : index
      %get3A_370 = tpu.vector_load %arg8[%get3A_368, %get3A_369] {strides = array<i32>} : memref<384x128xf32, #tpu.memory_space<vmem>>, vector<16xf32>,
      %add3A_371 = arith.addf %add3A_365, %get3A_370 : vector<16xf32>
      %mul3A_372 = arith.constant 1.250000e-01 : f32
      %mul3A_373 = vector.broadcast %mul3A_372 : f32 to vector<16xf32>
      %mul3A_374 = arith.mulf %add3A_371, %mul3A_373 : vector<16xf32>
      %max3A_375 = arith.constant 0.000000e+00 : f32
      %max3A_376 = vector.broadcast %max3A_375 : f32 to vector<16xf32>
      %max3A_377 = arith.maximumf %mul3A_374, %max3A_376 : vector<16xf32>
      %get3A_378 = arith.constant 16 : index
      %get3A_379 = tpu.vector_load %arg9[%get3A_378] {strides = array<i32>} : memref<128xf32, #tpu.memory_space<vmem>>, vector<16xf32>,
      %mul3A_380 = arith.mulf %max3A_377, %get3A_379 : vector<16xf32>
      %add3A_381 = arith.addf %add3A_326, %mul3A_380 : vector<16xf32>
      %get3A_382 = arith.index_cast %add3A_270 : i32 to index
      %get3A_383 = arith.constant 32 : index
      %get3A_384 = tpu.vector_load %arg8[%get3A_382, %get3A_383] {strides = array<i32>} : memref<384x128xf32, #tpu.memory_space<vmem>>, vector<16xf32>,
      %add3A_385 = arith.constant 48 : i32
      %add3A_386 = arith.addi %add3A_385, %add3A_270 : i32
      %get3A_387 = arith.index_cast %add3A_386 : i32 to index
      %get3A_388 = arith.constant 32 : index
      %get3A_389 = tpu.vector_load %arg8[%get3A_387, %get3A_388] {strides = array<i32>} : memref<384x128xf32, #tpu.memory_space<vmem>>, vector<16xf32>,
      %add3A_390 = arith.addf %get3A_384, %get3A_389 : vector<16xf32>
      %add3A_391 = arith.constant 96 : i32
      %add3A_392 = arith.addi %add3A_391, %add3A_270 : i32
      %get3A_393 = arith.index_cast %add3A_392 : i32 to index
      %get3A_394 = arith.constant 32 : index
      %get3A_395 = tpu.vector_load %arg8[%get3A_393, %get3A_394] {strides = array<i32>} : memref<384x128xf32, #tpu.memory_space<vmem>>, vector<16xf32>,
      %add3A_396 = arith.addf %add3A_390, %get3A_395 : vector<16xf32>
      %add3A_397 = arith.constant 144 : i32
      %add3A_398 = arith.addi %add3A_397, %add3A_270 : i32
      %get3A_399 = arith.index_cast %add3A_398 : i32 to index
      %get3A_400 = arith.constant 32 : index
      %get3A_401 = tpu.vector_load %arg8[%get3A_399, %get3A_400] {strides = array<i32>} : memref<384x128xf32, #tpu.memory_space<vmem>>, vector<16xf32>,
      %add3A_402 = arith.addf %add3A_396, %get3A_401 : vector<16xf32>
      %add3A_403 = arith.constant 192 : i32
      %add3A_404 = arith.addi %add3A_403, %add3A_270 : i32
      %get3A_405 = arith.index_cast %add3A_404 : i32 to index
      %get3A_406 = arith.constant 32 : index
      %get3A_407 = tpu.vector_load %arg8[%get3A_405, %get3A_406] {strides = array<i32>} : memref<384x128xf32, #tpu.memory_space<vmem>>, vector<16xf32>,
      %add3A_408 = arith.addf %add3A_402, %get3A_407 : vector<16xf32>
      %add3A_409 = arith.constant 240 : i32
      %add3A_410 = arith.addi %add3A_409, %add3A_270 : i32
      %get3A_411 = arith.index_cast %add3A_410 : i32 to index
      %get3A_412 = arith.constant 32 : index
      %get3A_413 = tpu.vector_load %arg8[%get3A_411, %get3A_412] {strides = array<i32>} : memref<384x128xf32, #tpu.memory_space<vmem>>, vector<16xf32>,
      %add3A_414 = arith.addf %add3A_408, %get3A_413 : vector<16xf32>
      %add3A_415 = arith.constant 288 : i32
      %add3A_416 = arith.addi %add3A_415, %add3A_270 : i32
      %get3A_417 = arith.index_cast %add3A_416 : i32 to index
      %get3A_418 = arith.constant 32 : index
      %get3A_419 = tpu.vector_load %arg8[%get3A_417, %get3A_418] {strides = array<i32>} : memref<384x128xf32, #tpu.memory_space<vmem>>, vector<16xf32>,
      %add3A_420 = arith.addf %add3A_414, %get3A_419 : vector<16xf32>
      %add3A_421 = arith.constant 336 : i32
      %add3A_422 = arith.addi %add3A_421, %add3A_270 : i32
      %get3A_423 = arith.index_cast %add3A_422 : i32 to index
      %get3A_424 = arith.constant 32 : index
      %get3A_425 = tpu.vector_load %arg8[%get3A_423, %get3A_424] {strides = array<i32>} : memref<384x128xf32, #tpu.memory_space<vmem>>, vector<16xf32>,
      %add3A_426 = arith.addf %add3A_420, %get3A_425 : vector<16xf32>
      %mul3A_427 = arith.constant 1.250000e-01 : f32
      %mul3A_428 = vector.broadcast %mul3A_427 : f32 to vector<16xf32>
      %mul3A_429 = arith.mulf %add3A_426, %mul3A_428 : vector<16xf32>
      %max3A_430 = arith.constant 0.000000e+00 : f32
      %max3A_431 = vector.broadcast %max3A_430 : f32 to vector<16xf32>
      %max3A_432 = arith.maximumf %mul3A_429, %max3A_431 : vector<16xf32>
      %get3A_433 = arith.constant 32 : index
      %get3A_434 = tpu.vector_load %arg9[%get3A_433] {strides = array<i32>} : memref<128xf32, #tpu.memory_space<vmem>>, vector<16xf32>,
      %mul3A_435 = arith.mulf %max3A_432, %get3A_434 : vector<16xf32>
      %add3A_436 = arith.addf %add3A_381, %mul3A_435 : vector<16xf32>
      %get3A_437 = arith.index_cast %add3A_270 : i32 to index
      %get3A_438 = arith.constant 48 : index
      %get3A_439 = tpu.vector_load %arg8[%get3A_437, %get3A_438] {strides = array<i32>} : memref<384x128xf32, #tpu.memory_space<vmem>>, vector<16xf32>,
      %add3A_440 = arith.constant 48 : i32
      %add3A_441 = arith.addi %add3A_440, %add3A_270 : i32
      %get3A_442 = arith.index_cast %add3A_441 : i32 to index
      %get3A_443 = arith.constant 48 : index
      %get3A_444 = tpu.vector_load %arg8[%get3A_442, %get3A_443] {strides = array<i32>} : memref<384x128xf32, #tpu.memory_space<vmem>>, vector<16xf32>,
      %add3A_445 = arith.addf %get3A_439, %get3A_444 : vector<16xf32>
      %add3A_446 = arith.constant 96 : i32
      %add3A_447 = arith.addi %add3A_446, %add3A_270 : i32
      %get3A_448 = arith.index_cast %add3A_447 : i32 to index
      %get3A_449 = arith.constant 48 : index
      %get3A_450 = tpu.vector_load %arg8[%get3A_448, %get3A_449] {strides = array<i32>} : memref<384x128xf32, #tpu.memory_space<vmem>>, vector<16xf32>,
      %add3A_451 = arith.addf %add3A_445, %get3A_450 : vector<16xf32>
      %add3A_452 = arith.constant 144 : i32
      %add3A_453 = arith.addi %add3A_452, %add3A_270 : i32
      %get3A_454 = arith.index_cast %add3A_453 : i32 to index
      %get3A_455 = arith.constant 48 : index
      %get3A_456 = tpu.vector_load %arg8[%get3A_454, %get3A_455] {strides = array<i32>} : memref<384x128xf32, #tpu.memory_space<vmem>>, vector<16xf32>,
      %add3A_457 = arith.addf %add3A_451, %get3A_456 : vector<16xf32>
      %add3A_458 = arith.constant 192 : i32
      %add3A_459 = arith.addi %add3A_458, %add3A_270 : i32
      %get3A_460 = arith.index_cast %add3A_459 : i32 to index
      %get3A_461 = arith.constant 48 : index
      %get3A_462 = tpu.vector_load %arg8[%get3A_460, %get3A_461] {strides = array<i32>} : memref<384x128xf32, #tpu.memory_space<vmem>>, vector<16xf32>,
      %add3A_463 = arith.addf %add3A_457, %get3A_462 : vector<16xf32>
      %add3A_464 = arith.constant 240 : i32
      %add3A_465 = arith.addi %add3A_464, %add3A_270 : i32
      %get3A_466 = arith.index_cast %add3A_465 : i32 to index
      %get3A_467 = arith.constant 48 : index
      %get3A_468 = tpu.vector_load %arg8[%get3A_466, %get3A_467] {strides = array<i32>} : memref<384x128xf32, #tpu.memory_space<vmem>>, vector<16xf32>,
      %add3A_469 = arith.addf %add3A_463, %get3A_468 : vector<16xf32>
      %add3A_470 = arith.constant 288 : i32
      %add3A_471 = arith.addi %add3A_470, %add3A_270 : i32
      %get3A_472 = arith.index_cast %add3A_471 : i32 to index
      %get3A_473 = arith.constant 48 : index
      %get3A_474 = tpu.vector_load %arg8[%get3A_472, %get3A_473] {strides = array<i32>} : memref<384x128xf32, #tpu.memory_space<vmem>>, vector<16xf32>,
      %add3A_475 = arith.addf %add3A_469, %get3A_474 : vector<16xf32>
      %add3A_476 = arith.constant 336 : i32
      %add3A_477 = arith.addi %add3A_476, %add3A_270 : i32
      %get3A_478 = arith.index_cast %add3A_477 : i32 to index
      %get3A_479 = arith.constant 48 : index
      %get3A_480 = tpu.vector_load %arg8[%get3A_478, %get3A_479] {strides = array<i32>} : memref<384x128xf32, #tpu.memory_space<vmem>>, vector<16xf32>,
      %add3A_481 = arith.addf %add3A_475, %get3A_480 : vector<16xf32>
      %mul3A_482 = arith.constant 1.250000e-01 : f32
      %mul3A_483 = vector.broadcast %mul3A_482 : f32 to vector<16xf32>
      %mul3A_484 = arith.mulf %add3A_481, %mul3A_483 : vector<16xf32>
      %max3A_485 = arith.constant 0.000000e+00 : f32
      %max3A_486 = vector.broadcast %max3A_485 : f32 to vector<16xf32>
      %max3A_487 = arith.maximumf %mul3A_484, %max3A_486 : vector<16xf32>
      %get3A_488 = arith.constant 48 : index
      %get3A_489 = tpu.vector_load %arg9[%get3A_488] {strides = array<i32>} : memref<128xf32, #tpu.memory_space<vmem>>, vector<16xf32>,
      %mul3A_490 = arith.mulf %max3A_487, %get3A_489 : vector<16xf32>
      %add3A_491 = arith.addf %add3A_436, %mul3A_490 : vector<16xf32>
      %get3A_492 = arith.index_cast %add3A_270 : i32 to index
      %get3A_493 = arith.constant 64 : index
      %get3A_494 = tpu.vector_load %arg8[%get3A_492, %get3A_493] {strides = array<i32>} : memref<384x128xf32, #tpu.memory_space<vmem>>, vector<16xf32>,
      %add3A_495 = arith.constant 48 : i32
      %add3A_496 = arith.addi %add3A_495, %add3A_270 : i32
      %get3A_497 = arith.index_cast %add3A_496 : i32 to index
      %get3A_498 = arith.constant 64 : index
      %get3A_499 = tpu.vector_load %arg8[%get3A_497, %get3A_498] {strides = array<i32>} : memref<384x128xf32, #tpu.memory_space<vmem>>, vector<16xf32>,
      %add3A_500 = arith.addf %get3A_494, %get3A_499 : vector<16xf32>
      %add3A_501 = arith.constant 96 : i32
      %add3A_502 = arith.addi %add3A_501, %add3A_270 : i32
      %get3A_503 = arith.index_cast %add3A_502 : i32 to index
      %get3A_504 = arith.constant 64 : index
      %get3A_505 = tpu.vector_load %arg8[%get3A_503, %get3A_504] {strides = array<i32>} : memref<384x128xf32, #tpu.memory_space<vmem>>, vector<16xf32>,
      %add3A_506 = arith.addf %add3A_500, %get3A_505 : vector<16xf32>
      %add3A_507 = arith.constant 144 : i32
      %add3A_508 = arith.addi %add3A_507, %add3A_270 : i32
      %get3A_509 = arith.index_cast %add3A_508 : i32 to index
      %get3A_510 = arith.constant 64 : index
      %get3A_511 = tpu.vector_load %arg8[%get3A_509, %get3A_510] {strides = array<i32>} : memref<384x128xf32, #tpu.memory_space<vmem>>, vector<16xf32>,
      %add3A_512 = arith.addf %add3A_506, %get3A_511 : vector<16xf32>
      %add3A_513 = arith.constant 192 : i32
      %add3A_514 = arith.addi %add3A_513, %add3A_270 : i32
      %get3A_515 = arith.index_cast %add3A_514 : i32 to index
      %get3A_516 = arith.constant 64 : index
      %get3A_517 = tpu.vector_load %arg8[%get3A_515, %get3A_516] {strides = array<i32>} : memref<384x128xf32, #tpu.memory_space<vmem>>, vector<16xf32>,
      %add3A_518 = arith.addf %add3A_512, %get3A_517 : vector<16xf32>
      %add3A_519 = arith.constant 240 : i32
      %add3A_520 = arith.addi %add3A_519, %add3A_270 : i32
      %get3A_521 = arith.index_cast %add3A_520 : i32 to index
      %get3A_522 = arith.constant 64 : index
      %get3A_523 = tpu.vector_load %arg8[%get3A_521, %get3A_522] {strides = array<i32>} : memref<384x128xf32, #tpu.memory_space<vmem>>, vector<16xf32>,
      %add3A_524 = arith.addf %add3A_518, %get3A_523 : vector<16xf32>
      %add3A_525 = arith.constant 288 : i32
      %add3A_526 = arith.addi %add3A_525, %add3A_270 : i32
      %get3A_527 = arith.index_cast %add3A_526 : i32 to index
      %get3A_528 = arith.constant 64 : index
      %get3A_529 = tpu.vector_load %arg8[%get3A_527, %get3A_528] {strides = array<i32>} : memref<384x128xf32, #tpu.memory_space<vmem>>, vector<16xf32>,
      %add3A_530 = arith.addf %add3A_524, %get3A_529 : vector<16xf32>
      %add3A_531 = arith.constant 336 : i32
      %add3A_532 = arith.addi %add3A_531, %add3A_270 : i32
      %get3A_533 = arith.index_cast %add3A_532 : i32 to index
      %get3A_534 = arith.constant 64 : index
      %get3A_535 = tpu.vector_load %arg8[%get3A_533, %get3A_534] {strides = array<i32>} : memref<384x128xf32, #tpu.memory_space<vmem>>, vector<16xf32>,
      %add3A_536 = arith.addf %add3A_530, %get3A_535 : vector<16xf32>
      %mul3A_537 = arith.constant 1.250000e-01 : f32
      %mul3A_538 = vector.broadcast %mul3A_537 : f32 to vector<16xf32>
      %mul3A_539 = arith.mulf %add3A_536, %mul3A_538 : vector<16xf32>
      %max3A_540 = arith.constant 0.000000e+00 : f32
      %max3A_541 = vector.broadcast %max3A_540 : f32 to vector<16xf32>
      %max3A_542 = arith.maximumf %mul3A_539, %max3A_541 : vector<16xf32>
      %get3A_543 = arith.constant 64 : index
      %get3A_544 = tpu.vector_load %arg9[%get3A_543] {strides = array<i32>} : memref<128xf32, #tpu.memory_space<vmem>>, vector<16xf32>,
      %mul3A_545 = arith.mulf %max3A_542, %get3A_544 : vector<16xf32>
      %add3A_546 = arith.addf %add3A_491, %mul3A_545 : vector<16xf32>
      %get3A_547 = arith.index_cast %add3A_270 : i32 to index
      %get3A_548 = arith.constant 80 : index
      %get3A_549 = tpu.vector_load %arg8[%get3A_547, %get3A_548] {strides = array<i32>} : memref<384x128xf32, #tpu.memory_space<vmem>>, vector<16xf32>,
      %add3A_550 = arith.constant 48 : i32
      %add3A_551 = arith.addi %add3A_550, %add3A_270 : i32
      %get3A_552 = arith.index_cast %add3A_551 : i32 to index
      %get3A_553 = arith.constant 80 : index
      %get3A_554 = tpu.vector_load %arg8[%get3A_552, %get3A_553] {strides = array<i32>} : memref<384x128xf32, #tpu.memory_space<vmem>>, vector<16xf32>,
      %add3A_555 = arith.addf %get3A_549, %get3A_554 : vector<16xf32>
      %add3A_556 = arith.constant 96 : i32
      %add3A_557 = arith.addi %add3A_556, %add3A_270 : i32
      %get3A_558 = arith.index_cast %add3A_557 : i32 to index
      %get3A_559 = arith.constant 80 : index
      %get3A_560 = tpu.vector_load %arg8[%get3A_558, %get3A_559] {strides = array<i32>} : memref<384x128xf32, #tpu.memory_space<vmem>>, vector<16xf32>,
      %add3A_561 = arith.addf %add3A_555, %get3A_560 : vector<16xf32>
      %add3A_562 = arith.constant 144 : i32
      %add3A_563 = arith.addi %add3A_562, %add3A_270 : i32
      %get3A_564 = arith.index_cast %add3A_563 : i32 to index
      %get3A_565 = arith.constant 80 : index
      %get3A_566 = tpu.vector_load %arg8[%get3A_564, %get3A_565] {strides = array<i32>} : memref<384x128xf32, #tpu.memory_space<vmem>>, vector<16xf32>,
      %add3A_567 = arith.addf %add3A_561, %get3A_566 : vector<16xf32>
      %add3A_568 = arith.constant 192 : i32
      %add3A_569 = arith.addi %add3A_568, %add3A_270 : i32
      %get3A_570 = arith.index_cast %add3A_569 : i32 to index
      %get3A_571 = arith.constant 80 : index
      %get3A_572 = tpu.vector_load %arg8[%get3A_570, %get3A_571] {strides = array<i32>} : memref<384x128xf32, #tpu.memory_space<vmem>>, vector<16xf32>,
      %add3A_573 = arith.addf %add3A_567, %get3A_572 : vector<16xf32>
      %add3A_574 = arith.constant 240 : i32
      %add3A_575 = arith.addi %add3A_574, %add3A_270 : i32
      %get3A_576 = arith.index_cast %add3A_575 : i32 to index
      %get3A_577 = arith.constant 80 : index
      %get3A_578 = tpu.vector_load %arg8[%get3A_576, %get3A_577] {strides = array<i32>} : memref<384x128xf32, #tpu.memory_space<vmem>>, vector<16xf32>,
      %add3A_579 = arith.addf %add3A_573, %get3A_578 : vector<16xf32>
      %add3A_580 = arith.constant 288 : i32
      %add3A_581 = arith.addi %add3A_580, %add3A_270 : i32
      %get3A_582 = arith.index_cast %add3A_581 : i32 to index
      %get3A_583 = arith.constant 80 : index
      %get3A_584 = tpu.vector_load %arg8[%get3A_582, %get3A_583] {strides = array<i32>} : memref<384x128xf32, #tpu.memory_space<vmem>>, vector<16xf32>,
      %add3A_585 = arith.addf %add3A_579, %get3A_584 : vector<16xf32>
      %add3A_586 = arith.constant 336 : i32
      %add3A_587 = arith.addi %add3A_586, %add3A_270 : i32
      %get3A_588 = arith.index_cast %add3A_587 : i32 to index
      %get3A_589 = arith.constant 80 : index
      %get3A_590 = tpu.vector_load %arg8[%get3A_588, %get3A_589] {strides = array<i32>} : memref<384x128xf32, #tpu.memory_space<vmem>>, vector<16xf32>,
      %add3A_591 = arith.addf %add3A_585, %get3A_590 : vector<16xf32>
      %mul3A_592 = arith.constant 1.250000e-01 : f32
      %mul3A_593 = vector.broadcast %mul3A_592 : f32 to vector<16xf32>
      %mul3A_594 = arith.mulf %add3A_591, %mul3A_593 : vector<16xf32>
      %max3A_595 = arith.constant 0.000000e+00 : f32
      %max3A_596 = vector.broadcast %max3A_595 : f32 to vector<16xf32>
      %max3A_597 = arith.maximumf %mul3A_594, %max3A_596 : vector<16xf32>
      %get3A_598 = arith.constant 80 : index
      %get3A_599 = tpu.vector_load %arg9[%get3A_598] {strides = array<i32>} : memref<128xf32, #tpu.memory_space<vmem>>, vector<16xf32>,
      %mul3A_600 = arith.mulf %max3A_597, %get3A_599 : vector<16xf32>
      %add3A_601 = arith.addf %add3A_546, %mul3A_600 : vector<16xf32>
      %get3A_602 = arith.index_cast %add3A_270 : i32 to index
      %get3A_603 = arith.constant 96 : index
      %get3A_604 = tpu.vector_load %arg8[%get3A_602, %get3A_603] {strides = array<i32>} : memref<384x128xf32, #tpu.memory_space<vmem>>, vector<16xf32>,
      %add3A_605 = arith.constant 48 : i32
      %add3A_606 = arith.addi %add3A_605, %add3A_270 : i32
      %get3A_607 = arith.index_cast %add3A_606 : i32 to index
      %get3A_608 = arith.constant 96 : index
      %get3A_609 = tpu.vector_load %arg8[%get3A_607, %get3A_608] {strides = array<i32>} : memref<384x128xf32, #tpu.memory_space<vmem>>, vector<16xf32>,
      %add3A_610 = arith.addf %get3A_604, %get3A_609 : vector<16xf32>
      %add3A_611 = arith.constant 96 : i32
      %add3A_612 = arith.addi %add3A_611, %add3A_270 : i32
      %get3A_613 = arith.index_cast %add3A_612 : i32 to index
      %get3A_614 = arith.constant 96 : index
      %get3A_615 = tpu.vector_load %arg8[%get3A_613, %get3A_614] {strides = array<i32>} : memref<384x128xf32, #tpu.memory_space<vmem>>, vector<16xf32>,
      %add3A_616 = arith.addf %add3A_610, %get3A_615 : vector<16xf32>
      %add3A_617 = arith.constant 144 : i32
      %add3A_618 = arith.addi %add3A_617, %add3A_270 : i32
      %get3A_619 = arith.index_cast %add3A_618 : i32 to index
      %get3A_620 = arith.constant 96 : index
      %get3A_621 = tpu.vector_load %arg8[%get3A_619, %get3A_620] {strides = array<i32>} : memref<384x128xf32, #tpu.memory_space<vmem>>, vector<16xf32>,
      %add3A_622 = arith.addf %add3A_616, %get3A_621 : vector<16xf32>
      %add3A_623 = arith.constant 192 : i32
      %add3A_624 = arith.addi %add3A_623, %add3A_270 : i32
      %get3A_625 = arith.index_cast %add3A_624 : i32 to index
      %get3A_626 = arith.constant 96 : index
      %get3A_627 = tpu.vector_load %arg8[%get3A_625, %get3A_626] {strides = array<i32>} : memref<384x128xf32, #tpu.memory_space<vmem>>, vector<16xf32>,
      %add3A_628 = arith.addf %add3A_622, %get3A_627 : vector<16xf32>
      %add3A_629 = arith.constant 240 : i32
      %add3A_630 = arith.addi %add3A_629, %add3A_270 : i32
      %get3A_631 = arith.index_cast %add3A_630 : i32 to index
      %get3A_632 = arith.constant 96 : index
      %get3A_633 = tpu.vector_load %arg8[%get3A_631, %get3A_632] {strides = array<i32>} : memref<384x128xf32, #tpu.memory_space<vmem>>, vector<16xf32>,
      %add3A_634 = arith.addf %add3A_628, %get3A_633 : vector<16xf32>
      %add3A_635 = arith.constant 288 : i32
      %add3A_636 = arith.addi %add3A_635, %add3A_270 : i32
      %get3A_637 = arith.index_cast %add3A_636 : i32 to index
      %get3A_638 = arith.constant 96 : index
      %get3A_639 = tpu.vector_load %arg8[%get3A_637, %get3A_638] {strides = array<i32>} : memref<384x128xf32, #tpu.memory_space<vmem>>, vector<16xf32>,
      %add3A_640 = arith.addf %add3A_634, %get3A_639 : vector<16xf32>
      %add3A_641 = arith.constant 336 : i32
      %add3A_642 = arith.addi %add3A_641, %add3A_270 : i32
      %get3A_643 = arith.index_cast %add3A_642 : i32 to index
      %get3A_644 = arith.constant 96 : index
      %get3A_645 = tpu.vector_load %arg8[%get3A_643, %get3A_644] {strides = array<i32>} : memref<384x128xf32, #tpu.memory_space<vmem>>, vector<16xf32>,
      %add3A_646 = arith.addf %add3A_640, %get3A_645 : vector<16xf32>
      %mul3A_647 = arith.constant 1.250000e-01 : f32
      %mul3A_648 = vector.broadcast %mul3A_647 : f32 to vector<16xf32>
      %mul3A_649 = arith.mulf %add3A_646, %mul3A_648 : vector<16xf32>
      %max3A_650 = arith.constant 0.000000e+00 : f32
      %max3A_651 = vector.broadcast %max3A_650 : f32 to vector<16xf32>
      %max3A_652 = arith.maximumf %mul3A_649, %max3A_651 : vector<16xf32>
      %get3A_653 = arith.constant 96 : index
      %get3A_654 = tpu.vector_load %arg9[%get3A_653] {strides = array<i32>} : memref<128xf32, #tpu.memory_space<vmem>>, vector<16xf32>,
      %mul3A_655 = arith.mulf %max3A_652, %get3A_654 : vector<16xf32>
      %add3A_656 = arith.addf %add3A_601, %mul3A_655 : vector<16xf32>
      %get3A_657 = arith.index_cast %add3A_270 : i32 to index
      %get3A_658 = arith.constant 112 : index
      %get3A_659 = tpu.vector_load %arg8[%get3A_657, %get3A_658] {strides = array<i32>} : memref<384x128xf32, #tpu.memory_space<vmem>>, vector<16xf32>,
      %add3A_660 = arith.constant 48 : i32
      %add3A_661 = arith.addi %add3A_660, %add3A_270 : i32
      %get3A_662 = arith.index_cast %add3A_661 : i32 to index
      %get3A_663 = arith.constant 112 : index
      %get3A_664 = tpu.vector_load %arg8[%get3A_662, %get3A_663] {strides = array<i32>} : memref<384x128xf32, #tpu.memory_space<vmem>>, vector<16xf32>,
      %add3A_665 = arith.addf %get3A_659, %get3A_664 : vector<16xf32>
      %add3A_666 = arith.constant 96 : i32
      %add3A_667 = arith.addi %add3A_666, %add3A_270 : i32
      %get3A_668 = arith.index_cast %add3A_667 : i32 to index
      %get3A_669 = arith.constant 112 : index
      %get3A_670 = tpu.vector_load %arg8[%get3A_668, %get3A_669] {strides = array<i32>} : memref<384x128xf32, #tpu.memory_space<vmem>>, vector<16xf32>,
      %add3A_671 = arith.addf %add3A_665, %get3A_670 : vector<16xf32>
      %add3A_672 = arith.constant 144 : i32
      %add3A_673 = arith.addi %add3A_672, %add3A_270 : i32
      %get3A_674 = arith.index_cast %add3A_673 : i32 to index
      %get3A_675 = arith.constant 112 : index
      %get3A_676 = tpu.vector_load %arg8[%get3A_674, %get3A_675] {strides = array<i32>} : memref<384x128xf32, #tpu.memory_space<vmem>>, vector<16xf32>,
      %add3A_677 = arith.addf %add3A_671, %get3A_676 : vector<16xf32>
      %add3A_678 = arith.constant 192 : i32
      %add3A_679 = arith.addi %add3A_678, %add3A_270 : i32
      %get3A_680 = arith.index_cast %add3A_679 : i32 to index
      %get3A_681 = arith.constant 112 : index
      %get3A_682 = tpu.vector_load %arg8[%get3A_680, %get3A_681] {strides = array<i32>} : memref<384x128xf32, #tpu.memory_space<vmem>>, vector<16xf32>,
      %add3A_683 = arith.addf %add3A_677, %get3A_682 : vector<16xf32>
      %add3A_684 = arith.constant 240 : i32
      %add3A_685 = arith.addi %add3A_684, %add3A_270 : i32
      %get3A_686 = arith.index_cast %add3A_685 : i32 to index
      %get3A_687 = arith.constant 112 : index
      %get3A_688 = tpu.vector_load %arg8[%get3A_686, %get3A_687] {strides = array<i32>} : memref<384x128xf32, #tpu.memory_space<vmem>>, vector<16xf32>,
      %add3A_689 = arith.addf %add3A_683, %get3A_688 : vector<16xf32>
      %add3A_690 = arith.constant 288 : i32
      %add3A_691 = arith.addi %add3A_690, %add3A_270 : i32
      %get3A_692 = arith.index_cast %add3A_691 : i32 to index
      %get3A_693 = arith.constant 112 : index
      %get3A_694 = tpu.vector_load %arg8[%get3A_692, %get3A_693] {strides = array<i32>} : memref<384x128xf32, #tpu.memory_space<vmem>>, vector<16xf32>,
      %add3A_695 = arith.addf %add3A_689, %get3A_694 : vector<16xf32>
      %add3A_696 = arith.constant 336 : i32
      %add3A_697 = arith.addi %add3A_696, %add3A_270 : i32
      %get3A_698 = arith.index_cast %add3A_697 : i32 to index
      %get3A_699 = arith.constant 112 : index
      %get3A_700 = tpu.vector_load %arg8[%get3A_698, %get3A_699] {strides = array<i32>} : memref<384x128xf32, #tpu.memory_space<vmem>>, vector<16xf32>,
      %add3A_701 = arith.addf %add3A_695, %get3A_700 : vector<16xf32>
      %mul3A_702 = arith.constant 1.250000e-01 : f32
      %mul3A_703 = vector.broadcast %mul3A_702 : f32 to vector<16xf32>
      %mul3A_704 = arith.mulf %add3A_701, %mul3A_703 : vector<16xf32>
      %max3A_705 = arith.constant 0.000000e+00 : f32
      %max3A_706 = vector.broadcast %max3A_705 : f32 to vector<16xf32>
      %max3A_707 = arith.maximumf %mul3A_704, %max3A_706 : vector<16xf32>
      %get3A_708 = arith.constant 112 : index
      %get3A_709 = tpu.vector_load %arg9[%get3A_708] {strides = array<i32>} : memref<128xf32, #tpu.memory_space<vmem>>, vector<16xf32>,
      %mul3A_710 = arith.mulf %max3A_707, %get3A_709 : vector<16xf32>
      %add3A_711 = arith.addf %add3A_656, %mul3A_710 : vector<16xf32>
      %reduce_sum3A = arith.constant true
      %reduce_sum3A_712 = vector.broadcast %reduce_sum3A : i1 to vector<16xi1>
      %reduce_sum3A_713 = tpu.scan <sum>, %add3A_711 masked %reduce_sum3A_712 : vector<16xf32>, vector<16xi1> -> vector<16xf32>
      %reduce_sum3A_714 = vector.extract %reduce_sum3A_713[15] : f32 from vector<16xf32>
      %eq3A = vector.broadcast %scan3A_267 : i32 to vector<16xi32>
      %eq3A_715 = arith.cmpi eq, %iota3A, %eq3A : vector<16xi32>
      %broadcast_in_dim3A_716 = vector.broadcast %reduce_sum3A_714 : f32 to vector<16xf32>
      %select_n3A = arith.select %eq3A_715, %broadcast_in_dim3A_716, %scan3A_268 : vector<16xi1>, vector<16xf32>
      scf.yield %select_n3A : vector<16xf32>
    }
    %scan3A_121 = arith.constant 16 : i32
    %get3A = arith.constant 0 : index
    %get3A_122 = tpu.vector_load %arg10[%get3A] {strides = array<i32>} : memref<16xf32, #tpu.memory_space<vmem>>, vector<16xf32>,
    %add3A_123 = arith.addf %scan3A_120, %get3A_122 : vector<16xf32>
    %swap3A = arith.constant 0 : index
    %swap3A_124 = tpu.vector_load %arg11[%swap3A] {strides = array<i32>} : memref<48xf32, #tpu.memory_space<vmem>>, vector<16xf32>,
    tpu.vector_store %arg11[%swap3A], %add3A_123 {strides = array<i32>} : memref<48xf32, #tpu.memory_space<vmem>>, vector<16xf32>,
    %broadcast_in_dim3A_125 = arith.constant 0.000000e+00 : f32
    %broadcast_in_dim3A_126 = vector.broadcast %broadcast_in_dim3A_125 : f32 to vector<16xf32>
    %scan3A_127 = arith.constant 0 : i32
    %scan3A_128 = arith.constant 16 : i32
    %scan3A_129 = arith.addi %scan3A_127, %scan3A_128 : i32
    %scan3A_130 = arith.constant 1 : i32
    %scan3A_131 = scf.for %scan3A_267 = %scan3A_127 to %scan3A_129 step %scan3A_130 iter_args(%scan3A_268 = %broadcast_in_dim3A_126) -> (vector<16xf32>)  : i32 {
      %add3A_269 = arith.constant 16 : i32
      %add3A_270 = arith.addi %add3A_269, %scan3A_267 : i32
      %broadcast_in_dim3A_271 = arith.constant 0.000000e+00 : f32
      %broadcast_in_dim3A_272 = vector.broadcast %broadcast_in_dim3A_271 : f32 to vector<16xf32>
      %get3A_273 = arith.index_cast %add3A_270 : i32 to index
      %get3A_274 = arith.constant 0 : index
      %get3A_275 = tpu.vector_load %arg8[%get3A_273, %get3A_274] {strides = array<i32>} : memref<384x128xf32, #tpu.memory_space<vmem>>, vector<16xf32>,
      %add3A_276 = arith.constant 48 : i32
      %add3A_277 = arith.addi %add3A_276, %add3A_270 : i32
      %get3A_278 = arith.index_cast %add3A_277 : i32 to index
      %get3A_279 = arith.constant 0 : index
      %get3A_280 = tpu.vector_load %arg8[%get3A_278, %get3A_279] {strides = array<i32>} : memref<384x128xf32, #tpu.memory_space<vmem>>, vector<16xf32>,
      %add3A_281 = arith.addf %get3A_275, %get3A_280 : vector<16xf32>
      %add3A_282 = arith.constant 96 : i32
      %add3A_283 = arith.addi %add3A_282, %add3A_270 : i32
      %get3A_284 = arith.index_cast %add3A_283 : i32 to index
      %get3A_285 = arith.constant 0 : index
      %get3A_286 = tpu.vector_load %arg8[%get3A_284, %get3A_285] {strides = array<i32>} : memref<384x128xf32, #tpu.memory_space<vmem>>, vector<16xf32>,
      %add3A_287 = arith.addf %add3A_281, %get3A_286 : vector<16xf32>
      %add3A_288 = arith.constant 144 : i32
      %add3A_289 = arith.addi %add3A_288, %add3A_270 : i32
      %get3A_290 = arith.index_cast %add3A_289 : i32 to index
      %get3A_291 = arith.constant 0 : index
      %get3A_292 = tpu.vector_load %arg8[%get3A_290, %get3A_291] {strides = array<i32>} : memref<384x128xf32, #tpu.memory_space<vmem>>, vector<16xf32>,
      %add3A_293 = arith.addf %add3A_287, %get3A_292 : vector<16xf32>
      %add3A_294 = arith.constant 192 : i32
      %add3A_295 = arith.addi %add3A_294, %add3A_270 : i32
      %get3A_296 = arith.index_cast %add3A_295 : i32 to index
      %get3A_297 = arith.constant 0 : index
      %get3A_298 = tpu.vector_load %arg8[%get3A_296, %get3A_297] {strides = array<i32>} : memref<384x128xf32, #tpu.memory_space<vmem>>, vector<16xf32>,
      %add3A_299 = arith.addf %add3A_293, %get3A_298 : vector<16xf32>
      %add3A_300 = arith.constant 240 : i32
      %add3A_301 = arith.addi %add3A_300, %add3A_270 : i32
      %get3A_302 = arith.index_cast %add3A_301 : i32 to index
      %get3A_303 = arith.constant 0 : index
      %get3A_304 = tpu.vector_load %arg8[%get3A_302, %get3A_303] {strides = array<i32>} : memref<384x128xf32, #tpu.memory_space<vmem>>, vector<16xf32>,
      %add3A_305 = arith.addf %add3A_299, %get3A_304 : vector<16xf32>
      %add3A_306 = arith.constant 288 : i32
      %add3A_307 = arith.addi %add3A_306, %add3A_270 : i32
      %get3A_308 = arith.index_cast %add3A_307 : i32 to index
      %get3A_309 = arith.constant 0 : index
      %get3A_310 = tpu.vector_load %arg8[%get3A_308, %get3A_309] {strides = array<i32>} : memref<384x128xf32, #tpu.memory_space<vmem>>, vector<16xf32>,
      %add3A_311 = arith.addf %add3A_305, %get3A_310 : vector<16xf32>
      %add3A_312 = arith.constant 336 : i32
      %add3A_313 = arith.addi %add3A_312, %add3A_270 : i32
      %get3A_314 = arith.index_cast %add3A_313 : i32 to index
      %get3A_315 = arith.constant 0 : index
      %get3A_316 = tpu.vector_load %arg8[%get3A_314, %get3A_315] {strides = array<i32>} : memref<384x128xf32, #tpu.memory_space<vmem>>, vector<16xf32>,
      %add3A_317 = arith.addf %add3A_311, %get3A_316 : vector<16xf32>
      %mul3A_318 = arith.constant 1.250000e-01 : f32
      %mul3A_319 = vector.broadcast %mul3A_318 : f32 to vector<16xf32>
      %mul3A_320 = arith.mulf %add3A_317, %mul3A_319 : vector<16xf32>
      %max3A = arith.constant 0.000000e+00 : f32
      %max3A_321 = vector.broadcast %max3A : f32 to vector<16xf32>
      %max3A_322 = arith.maximumf %mul3A_320, %max3A_321 : vector<16xf32>
      %get3A_323 = arith.constant 0 : index
      %get3A_324 = tpu.vector_load %arg9[%get3A_323] {strides = array<i32>} : memref<128xf32, #tpu.memory_space<vmem>>, vector<16xf32>,
      %mul3A_325 = arith.mulf %max3A_322, %get3A_324 : vector<16xf32>
      %add3A_326 = arith.addf %broadcast_in_dim3A_272, %mul3A_325 : vector<16xf32>
      %get3A_327 = arith.index_cast %add3A_270 : i32 to index
      %get3A_328 = arith.constant 16 : index
      %get3A_329 = tpu.vector_load %arg8[%get3A_327, %get3A_328] {strides = array<i32>} : memref<384x128xf32, #tpu.memory_space<vmem>>, vector<16xf32>,
      %add3A_330 = arith.constant 48 : i32
      %add3A_331 = arith.addi %add3A_330, %add3A_270 : i32
      %get3A_332 = arith.index_cast %add3A_331 : i32 to index
      %get3A_333 = arith.constant 16 : index
      %get3A_334 = tpu.vector_load %arg8[%get3A_332, %get3A_333] {strides = array<i32>} : memref<384x128xf32, #tpu.memory_space<vmem>>, vector<16xf32>,
      %add3A_335 = arith.addf %get3A_329, %get3A_334 : vector<16xf32>
      %add3A_336 = arith.constant 96 : i32
      %add3A_337 = arith.addi %add3A_336, %add3A_270 : i32
      %get3A_338 = arith.index_cast %add3A_337 : i32 to index
      %get3A_339 = arith.constant 16 : index
      %get3A_340 = tpu.vector_load %arg8[%get3A_338, %get3A_339] {strides = array<i32>} : memref<384x128xf32, #tpu.memory_space<vmem>>, vector<16xf32>,
      %add3A_341 = arith.addf %add3A_335, %get3A_340 : vector<16xf32>
      %add3A_342 = arith.constant 144 : i32
      %add3A_343 = arith.addi %add3A_342, %add3A_270 : i32
      %get3A_344 = arith.index_cast %add3A_343 : i32 to index
      %get3A_345 = arith.constant 16 : index
      %get3A_346 = tpu.vector_load %arg8[%get3A_344, %get3A_345] {strides = array<i32>} : memref<384x128xf32, #tpu.memory_space<vmem>>, vector<16xf32>,
      %add3A_347 = arith.addf %add3A_341, %get3A_346 : vector<16xf32>
      %add3A_348 = arith.constant 192 : i32
      %add3A_349 = arith.addi %add3A_348, %add3A_270 : i32
      %get3A_350 = arith.index_cast %add3A_349 : i32 to index
      %get3A_351 = arith.constant 16 : index
      %get3A_352 = tpu.vector_load %arg8[%get3A_350, %get3A_351] {strides = array<i32>} : memref<384x128xf32, #tpu.memory_space<vmem>>, vector<16xf32>,
      %add3A_353 = arith.addf %add3A_347, %get3A_352 : vector<16xf32>
      %add3A_354 = arith.constant 240 : i32
      %add3A_355 = arith.addi %add3A_354, %add3A_270 : i32
      %get3A_356 = arith.index_cast %add3A_355 : i32 to index
      %get3A_357 = arith.constant 16 : index
      %get3A_358 = tpu.vector_load %arg8[%get3A_356, %get3A_357] {strides = array<i32>} : memref<384x128xf32, #tpu.memory_space<vmem>>, vector<16xf32>,
      %add3A_359 = arith.addf %add3A_353, %get3A_358 : vector<16xf32>
      %add3A_360 = arith.constant 288 : i32
      %add3A_361 = arith.addi %add3A_360, %add3A_270 : i32
      %get3A_362 = arith.index_cast %add3A_361 : i32 to index
      %get3A_363 = arith.constant 16 : index
      %get3A_364 = tpu.vector_load %arg8[%get3A_362, %get3A_363] {strides = array<i32>} : memref<384x128xf32, #tpu.memory_space<vmem>>, vector<16xf32>,
      %add3A_365 = arith.addf %add3A_359, %get3A_364 : vector<16xf32>
      %add3A_366 = arith.constant 336 : i32
      %add3A_367 = arith.addi %add3A_366, %add3A_270 : i32
      %get3A_368 = arith.index_cast %add3A_367 : i32 to index
      %get3A_369 = arith.constant 16 : index
      %get3A_370 = tpu.vector_load %arg8[%get3A_368, %get3A_369] {strides = array<i32>} : memref<384x128xf32, #tpu.memory_space<vmem>>, vector<16xf32>,
      %add3A_371 = arith.addf %add3A_365, %get3A_370 : vector<16xf32>
      %mul3A_372 = arith.constant 1.250000e-01 : f32
      %mul3A_373 = vector.broadcast %mul3A_372 : f32 to vector<16xf32>
      %mul3A_374 = arith.mulf %add3A_371, %mul3A_373 : vector<16xf32>
      %max3A_375 = arith.constant 0.000000e+00 : f32
      %max3A_376 = vector.broadcast %max3A_375 : f32 to vector<16xf32>
      %max3A_377 = arith.maximumf %mul3A_374, %max3A_376 : vector<16xf32>
      %get3A_378 = arith.constant 16 : index
      %get3A_379 = tpu.vector_load %arg9[%get3A_378] {strides = array<i32>} : memref<128xf32, #tpu.memory_space<vmem>>, vector<16xf32>,
      %mul3A_380 = arith.mulf %max3A_377, %get3A_379 : vector<16xf32>
      %add3A_381 = arith.addf %add3A_326, %mul3A_380 : vector<16xf32>
      %get3A_382 = arith.index_cast %add3A_270 : i32 to index
      %get3A_383 = arith.constant 32 : index
      %get3A_384 = tpu.vector_load %arg8[%get3A_382, %get3A_383] {strides = array<i32>} : memref<384x128xf32, #tpu.memory_space<vmem>>, vector<16xf32>,
      %add3A_385 = arith.constant 48 : i32
      %add3A_386 = arith.addi %add3A_385, %add3A_270 : i32
      %get3A_387 = arith.index_cast %add3A_386 : i32 to index
      %get3A_388 = arith.constant 32 : index
      %get3A_389 = tpu.vector_load %arg8[%get3A_387, %get3A_388] {strides = array<i32>} : memref<384x128xf32, #tpu.memory_space<vmem>>, vector<16xf32>,
      %add3A_390 = arith.addf %get3A_384, %get3A_389 : vector<16xf32>
      %add3A_391 = arith.constant 96 : i32
      %add3A_392 = arith.addi %add3A_391, %add3A_270 : i32
      %get3A_393 = arith.index_cast %add3A_392 : i32 to index
      %get3A_394 = arith.constant 32 : index
      %get3A_395 = tpu.vector_load %arg8[%get3A_393, %get3A_394] {strides = array<i32>} : memref<384x128xf32, #tpu.memory_space<vmem>>, vector<16xf32>,
      %add3A_396 = arith.addf %add3A_390, %get3A_395 : vector<16xf32>
      %add3A_397 = arith.constant 144 : i32
      %add3A_398 = arith.addi %add3A_397, %add3A_270 : i32
      %get3A_399 = arith.index_cast %add3A_398 : i32 to index
      %get3A_400 = arith.constant 32 : index
      %get3A_401 = tpu.vector_load %arg8[%get3A_399, %get3A_400] {strides = array<i32>} : memref<384x128xf32, #tpu.memory_space<vmem>>, vector<16xf32>,
      %add3A_402 = arith.addf %add3A_396, %get3A_401 : vector<16xf32>
      %add3A_403 = arith.constant 192 : i32
      %add3A_404 = arith.addi %add3A_403, %add3A_270 : i32
      %get3A_405 = arith.index_cast %add3A_404 : i32 to index
      %get3A_406 = arith.constant 32 : index
      %get3A_407 = tpu.vector_load %arg8[%get3A_405, %get3A_406] {strides = array<i32>} : memref<384x128xf32, #tpu.memory_space<vmem>>, vector<16xf32>,
      %add3A_408 = arith.addf %add3A_402, %get3A_407 : vector<16xf32>
      %add3A_409 = arith.constant 240 : i32
      %add3A_410 = arith.addi %add3A_409, %add3A_270 : i32
      %get3A_411 = arith.index_cast %add3A_410 : i32 to index
      %get3A_412 = arith.constant 32 : index
      %get3A_413 = tpu.vector_load %arg8[%get3A_411, %get3A_412] {strides = array<i32>} : memref<384x128xf32, #tpu.memory_space<vmem>>, vector<16xf32>,
      %add3A_414 = arith.addf %add3A_408, %get3A_413 : vector<16xf32>
      %add3A_415 = arith.constant 288 : i32
      %add3A_416 = arith.addi %add3A_415, %add3A_270 : i32
      %get3A_417 = arith.index_cast %add3A_416 : i32 to index
      %get3A_418 = arith.constant 32 : index
      %get3A_419 = tpu.vector_load %arg8[%get3A_417, %get3A_418] {strides = array<i32>} : memref<384x128xf32, #tpu.memory_space<vmem>>, vector<16xf32>,
      %add3A_420 = arith.addf %add3A_414, %get3A_419 : vector<16xf32>
      %add3A_421 = arith.constant 336 : i32
      %add3A_422 = arith.addi %add3A_421, %add3A_270 : i32
      %get3A_423 = arith.index_cast %add3A_422 : i32 to index
      %get3A_424 = arith.constant 32 : index
      %get3A_425 = tpu.vector_load %arg8[%get3A_423, %get3A_424] {strides = array<i32>} : memref<384x128xf32, #tpu.memory_space<vmem>>, vector<16xf32>,
      %add3A_426 = arith.addf %add3A_420, %get3A_425 : vector<16xf32>
      %mul3A_427 = arith.constant 1.250000e-01 : f32
      %mul3A_428 = vector.broadcast %mul3A_427 : f32 to vector<16xf32>
      %mul3A_429 = arith.mulf %add3A_426, %mul3A_428 : vector<16xf32>
      %max3A_430 = arith.constant 0.000000e+00 : f32
      %max3A_431 = vector.broadcast %max3A_430 : f32 to vector<16xf32>
      %max3A_432 = arith.maximumf %mul3A_429, %max3A_431 : vector<16xf32>
      %get3A_433 = arith.constant 32 : index
      %get3A_434 = tpu.vector_load %arg9[%get3A_433] {strides = array<i32>} : memref<128xf32, #tpu.memory_space<vmem>>, vector<16xf32>,
      %mul3A_435 = arith.mulf %max3A_432, %get3A_434 : vector<16xf32>
      %add3A_436 = arith.addf %add3A_381, %mul3A_435 : vector<16xf32>
      %get3A_437 = arith.index_cast %add3A_270 : i32 to index
      %get3A_438 = arith.constant 48 : index
      %get3A_439 = tpu.vector_load %arg8[%get3A_437, %get3A_438] {strides = array<i32>} : memref<384x128xf32, #tpu.memory_space<vmem>>, vector<16xf32>,
      %add3A_440 = arith.constant 48 : i32
      %add3A_441 = arith.addi %add3A_440, %add3A_270 : i32
      %get3A_442 = arith.index_cast %add3A_441 : i32 to index
      %get3A_443 = arith.constant 48 : index
      %get3A_444 = tpu.vector_load %arg8[%get3A_442, %get3A_443] {strides = array<i32>} : memref<384x128xf32, #tpu.memory_space<vmem>>, vector<16xf32>,
      %add3A_445 = arith.addf %get3A_439, %get3A_444 : vector<16xf32>
      %add3A_446 = arith.constant 96 : i32
      %add3A_447 = arith.addi %add3A_446, %add3A_270 : i32
      %get3A_448 = arith.index_cast %add3A_447 : i32 to index
      %get3A_449 = arith.constant 48 : index
      %get3A_450 = tpu.vector_load %arg8[%get3A_448, %get3A_449] {strides = array<i32>} : memref<384x128xf32, #tpu.memory_space<vmem>>, vector<16xf32>,
      %add3A_451 = arith.addf %add3A_445, %get3A_450 : vector<16xf32>
      %add3A_452 = arith.constant 144 : i32
      %add3A_453 = arith.addi %add3A_452, %add3A_270 : i32
      %get3A_454 = arith.index_cast %add3A_453 : i32 to index
      %get3A_455 = arith.constant 48 : index
      %get3A_456 = tpu.vector_load %arg8[%get3A_454, %get3A_455] {strides = array<i32>} : memref<384x128xf32, #tpu.memory_space<vmem>>, vector<16xf32>,
      %add3A_457 = arith.addf %add3A_451, %get3A_456 : vector<16xf32>
      %add3A_458 = arith.constant 192 : i32
      %add3A_459 = arith.addi %add3A_458, %add3A_270 : i32
      %get3A_460 = arith.index_cast %add3A_459 : i32 to index
      %get3A_461 = arith.constant 48 : index
      %get3A_462 = tpu.vector_load %arg8[%get3A_460, %get3A_461] {strides = array<i32>} : memref<384x128xf32, #tpu.memory_space<vmem>>, vector<16xf32>,
      %add3A_463 = arith.addf %add3A_457, %get3A_462 : vector<16xf32>
      %add3A_464 = arith.constant 240 : i32
      %add3A_465 = arith.addi %add3A_464, %add3A_270 : i32
      %get3A_466 = arith.index_cast %add3A_465 : i32 to index
      %get3A_467 = arith.constant 48 : index
      %get3A_468 = tpu.vector_load %arg8[%get3A_466, %get3A_467] {strides = array<i32>} : memref<384x128xf32, #tpu.memory_space<vmem>>, vector<16xf32>,
      %add3A_469 = arith.addf %add3A_463, %get3A_468 : vector<16xf32>
      %add3A_470 = arith.constant 288 : i32
      %add3A_471 = arith.addi %add3A_470, %add3A_270 : i32
      %get3A_472 = arith.index_cast %add3A_471 : i32 to index
      %get3A_473 = arith.constant 48 : index
      %get3A_474 = tpu.vector_load %arg8[%get3A_472, %get3A_473] {strides = array<i32>} : memref<384x128xf32, #tpu.memory_space<vmem>>, vector<16xf32>,
      %add3A_475 = arith.addf %add3A_469, %get3A_474 : vector<16xf32>
      %add3A_476 = arith.constant 336 : i32
      %add3A_477 = arith.addi %add3A_476, %add3A_270 : i32
      %get3A_478 = arith.index_cast %add3A_477 : i32 to index
      %get3A_479 = arith.constant 48 : index
      %get3A_480 = tpu.vector_load %arg8[%get3A_478, %get3A_479] {strides = array<i32>} : memref<384x128xf32, #tpu.memory_space<vmem>>, vector<16xf32>,
      %add3A_481 = arith.addf %add3A_475, %get3A_480 : vector<16xf32>
      %mul3A_482 = arith.constant 1.250000e-01 : f32
      %mul3A_483 = vector.broadcast %mul3A_482 : f32 to vector<16xf32>
      %mul3A_484 = arith.mulf %add3A_481, %mul3A_483 : vector<16xf32>
      %max3A_485 = arith.constant 0.000000e+00 : f32
      %max3A_486 = vector.broadcast %max3A_485 : f32 to vector<16xf32>
      %max3A_487 = arith.maximumf %mul3A_484, %max3A_486 : vector<16xf32>
      %get3A_488 = arith.constant 48 : index
      %get3A_489 = tpu.vector_load %arg9[%get3A_488] {strides = array<i32>} : memref<128xf32, #tpu.memory_space<vmem>>, vector<16xf32>,
      %mul3A_490 = arith.mulf %max3A_487, %get3A_489 : vector<16xf32>
      %add3A_491 = arith.addf %add3A_436, %mul3A_490 : vector<16xf32>
      %get3A_492 = arith.index_cast %add3A_270 : i32 to index
      %get3A_493 = arith.constant 64 : index
      %get3A_494 = tpu.vector_load %arg8[%get3A_492, %get3A_493] {strides = array<i32>} : memref<384x128xf32, #tpu.memory_space<vmem>>, vector<16xf32>,
      %add3A_495 = arith.constant 48 : i32
      %add3A_496 = arith.addi %add3A_495, %add3A_270 : i32
      %get3A_497 = arith.index_cast %add3A_496 : i32 to index
      %get3A_498 = arith.constant 64 : index
      %get3A_499 = tpu.vector_load %arg8[%get3A_497, %get3A_498] {strides = array<i32>} : memref<384x128xf32, #tpu.memory_space<vmem>>, vector<16xf32>,
      %add3A_500 = arith.addf %get3A_494, %get3A_499 : vector<16xf32>
      %add3A_501 = arith.constant 96 : i32
      %add3A_502 = arith.addi %add3A_501, %add3A_270 : i32
      %get3A_503 = arith.index_cast %add3A_502 : i32 to index
      %get3A_504 = arith.constant 64 : index
      %get3A_505 = tpu.vector_load %arg8[%get3A_503, %get3A_504] {strides = array<i32>} : memref<384x128xf32, #tpu.memory_space<vmem>>, vector<16xf32>,
      %add3A_506 = arith.addf %add3A_500, %get3A_505 : vector<16xf32>
      %add3A_507 = arith.constant 144 : i32
      %add3A_508 = arith.addi %add3A_507, %add3A_270 : i32
      %get3A_509 = arith.index_cast %add3A_508 : i32 to index
      %get3A_510 = arith.constant 64 : index
      %get3A_511 = tpu.vector_load %arg8[%get3A_509, %get3A_510] {strides = array<i32>} : memref<384x128xf32, #tpu.memory_space<vmem>>, vector<16xf32>,
      %add3A_512 = arith.addf %add3A_506, %get3A_511 : vector<16xf32>
      %add3A_513 = arith.constant 192 : i32
      %add3A_514 = arith.addi %add3A_513, %add3A_270 : i32
      %get3A_515 = arith.index_cast %add3A_514 : i32 to index
      %get3A_516 = arith.constant 64 : index
      %get3A_517 = tpu.vector_load %arg8[%get3A_515, %get3A_516] {strides = array<i32>} : memref<384x128xf32, #tpu.memory_space<vmem>>, vector<16xf32>,
      %add3A_518 = arith.addf %add3A_512, %get3A_517 : vector<16xf32>
      %add3A_519 = arith.constant 240 : i32
      %add3A_520 = arith.addi %add3A_519, %add3A_270 : i32
      %get3A_521 = arith.index_cast %add3A_520 : i32 to index
      %get3A_522 = arith.constant 64 : index
      %get3A_523 = tpu.vector_load %arg8[%get3A_521, %get3A_522] {strides = array<i32>} : memref<384x128xf32, #tpu.memory_space<vmem>>, vector<16xf32>,
      %add3A_524 = arith.addf %add3A_518, %get3A_523 : vector<16xf32>
      %add3A_525 = arith.constant 288 : i32
      %add3A_526 = arith.addi %add3A_525, %add3A_270 : i32
      %get3A_527 = arith.index_cast %add3A_526 : i32 to index
      %get3A_528 = arith.constant 64 : index
      %get3A_529 = tpu.vector_load %arg8[%get3A_527, %get3A_528] {strides = array<i32>} : memref<384x128xf32, #tpu.memory_space<vmem>>, vector<16xf32>,
      %add3A_530 = arith.addf %add3A_524, %get3A_529 : vector<16xf32>
      %add3A_531 = arith.constant 336 : i32
      %add3A_532 = arith.addi %add3A_531, %add3A_270 : i32
      %get3A_533 = arith.index_cast %add3A_532 : i32 to index
      %get3A_534 = arith.constant 64 : index
      %get3A_535 = tpu.vector_load %arg8[%get3A_533, %get3A_534] {strides = array<i32>} : memref<384x128xf32, #tpu.memory_space<vmem>>, vector<16xf32>,
      %add3A_536 = arith.addf %add3A_530, %get3A_535 : vector<16xf32>
      %mul3A_537 = arith.constant 1.250000e-01 : f32
      %mul3A_538 = vector.broadcast %mul3A_537 : f32 to vector<16xf32>
      %mul3A_539 = arith.mulf %add3A_536, %mul3A_538 : vector<16xf32>
      %max3A_540 = arith.constant 0.000000e+00 : f32
      %max3A_541 = vector.broadcast %max3A_540 : f32 to vector<16xf32>
      %max3A_542 = arith.maximumf %mul3A_539, %max3A_541 : vector<16xf32>
      %get3A_543 = arith.constant 64 : index
      %get3A_544 = tpu.vector_load %arg9[%get3A_543] {strides = array<i32>} : memref<128xf32, #tpu.memory_space<vmem>>, vector<16xf32>,
      %mul3A_545 = arith.mulf %max3A_542, %get3A_544 : vector<16xf32>
      %add3A_546 = arith.addf %add3A_491, %mul3A_545 : vector<16xf32>
      %get3A_547 = arith.index_cast %add3A_270 : i32 to index
      %get3A_548 = arith.constant 80 : index
      %get3A_549 = tpu.vector_load %arg8[%get3A_547, %get3A_548] {strides = array<i32>} : memref<384x128xf32, #tpu.memory_space<vmem>>, vector<16xf32>,
      %add3A_550 = arith.constant 48 : i32
      %add3A_551 = arith.addi %add3A_550, %add3A_270 : i32
      %get3A_552 = arith.index_cast %add3A_551 : i32 to index
      %get3A_553 = arith.constant 80 : index
      %get3A_554 = tpu.vector_load %arg8[%get3A_552, %get3A_553] {strides = array<i32>} : memref<384x128xf32, #tpu.memory_space<vmem>>, vector<16xf32>,
      %add3A_555 = arith.addf %get3A_549, %get3A_554 : vector<16xf32>
      %add3A_556 = arith.constant 96 : i32
      %add3A_557 = arith.addi %add3A_556, %add3A_270 : i32
      %get3A_558 = arith.index_cast %add3A_557 : i32 to index
      %get3A_559 = arith.constant 80 : index
      %get3A_560 = tpu.vector_load %arg8[%get3A_558, %get3A_559] {strides = array<i32>} : memref<384x128xf32, #tpu.memory_space<vmem>>, vector<16xf32>,
      %add3A_561 = arith.addf %add3A_555, %get3A_560 : vector<16xf32>
      %add3A_562 = arith.constant 144 : i32
      %add3A_563 = arith.addi %add3A_562, %add3A_270 : i32
      %get3A_564 = arith.index_cast %add3A_563 : i32 to index
      %get3A_565 = arith.constant 80 : index
      %get3A_566 = tpu.vector_load %arg8[%get3A_564, %get3A_565] {strides = array<i32>} : memref<384x128xf32, #tpu.memory_space<vmem>>, vector<16xf32>,
      %add3A_567 = arith.addf %add3A_561, %get3A_566 : vector<16xf32>
      %add3A_568 = arith.constant 192 : i32
      %add3A_569 = arith.addi %add3A_568, %add3A_270 : i32
      %get3A_570 = arith.index_cast %add3A_569 : i32 to index
      %get3A_571 = arith.constant 80 : index
      %get3A_572 = tpu.vector_load %arg8[%get3A_570, %get3A_571] {strides = array<i32>} : memref<384x128xf32, #tpu.memory_space<vmem>>, vector<16xf32>,
      %add3A_573 = arith.addf %add3A_567, %get3A_572 : vector<16xf32>
      %add3A_574 = arith.constant 240 : i32
      %add3A_575 = arith.addi %add3A_574, %add3A_270 : i32
      %get3A_576 = arith.index_cast %add3A_575 : i32 to index
      %get3A_577 = arith.constant 80 : index
      %get3A_578 = tpu.vector_load %arg8[%get3A_576, %get3A_577] {strides = array<i32>} : memref<384x128xf32, #tpu.memory_space<vmem>>, vector<16xf32>,
      %add3A_579 = arith.addf %add3A_573, %get3A_578 : vector<16xf32>
      %add3A_580 = arith.constant 288 : i32
      %add3A_581 = arith.addi %add3A_580, %add3A_270 : i32
      %get3A_582 = arith.index_cast %add3A_581 : i32 to index
      %get3A_583 = arith.constant 80 : index
      %get3A_584 = tpu.vector_load %arg8[%get3A_582, %get3A_583] {strides = array<i32>} : memref<384x128xf32, #tpu.memory_space<vmem>>, vector<16xf32>,
      %add3A_585 = arith.addf %add3A_579, %get3A_584 : vector<16xf32>
      %add3A_586 = arith.constant 336 : i32
      %add3A_587 = arith.addi %add3A_586, %add3A_270 : i32
      %get3A_588 = arith.index_cast %add3A_587 : i32 to index
      %get3A_589 = arith.constant 80 : index
      %get3A_590 = tpu.vector_load %arg8[%get3A_588, %get3A_589] {strides = array<i32>} : memref<384x128xf32, #tpu.memory_space<vmem>>, vector<16xf32>,
      %add3A_591 = arith.addf %add3A_585, %get3A_590 : vector<16xf32>
      %mul3A_592 = arith.constant 1.250000e-01 : f32
      %mul3A_593 = vector.broadcast %mul3A_592 : f32 to vector<16xf32>
      %mul3A_594 = arith.mulf %add3A_591, %mul3A_593 : vector<16xf32>
      %max3A_595 = arith.constant 0.000000e+00 : f32
      %max3A_596 = vector.broadcast %max3A_595 : f32 to vector<16xf32>
      %max3A_597 = arith.maximumf %mul3A_594, %max3A_596 : vector<16xf32>
      %get3A_598 = arith.constant 80 : index
      %get3A_599 = tpu.vector_load %arg9[%get3A_598] {strides = array<i32>} : memref<128xf32, #tpu.memory_space<vmem>>, vector<16xf32>,
      %mul3A_600 = arith.mulf %max3A_597, %get3A_599 : vector<16xf32>
      %add3A_601 = arith.addf %add3A_546, %mul3A_600 : vector<16xf32>
      %get3A_602 = arith.index_cast %add3A_270 : i32 to index
      %get3A_603 = arith.constant 96 : index
      %get3A_604 = tpu.vector_load %arg8[%get3A_602, %get3A_603] {strides = array<i32>} : memref<384x128xf32, #tpu.memory_space<vmem>>, vector<16xf32>,
      %add3A_605 = arith.constant 48 : i32
      %add3A_606 = arith.addi %add3A_605, %add3A_270 : i32
      %get3A_607 = arith.index_cast %add3A_606 : i32 to index
      %get3A_608 = arith.constant 96 : index
      %get3A_609 = tpu.vector_load %arg8[%get3A_607, %get3A_608] {strides = array<i32>} : memref<384x128xf32, #tpu.memory_space<vmem>>, vector<16xf32>,
      %add3A_610 = arith.addf %get3A_604, %get3A_609 : vector<16xf32>
      %add3A_611 = arith.constant 96 : i32
      %add3A_612 = arith.addi %add3A_611, %add3A_270 : i32
      %get3A_613 = arith.index_cast %add3A_612 : i32 to index
      %get3A_614 = arith.constant 96 : index
      %get3A_615 = tpu.vector_load %arg8[%get3A_613, %get3A_614] {strides = array<i32>} : memref<384x128xf32, #tpu.memory_space<vmem>>, vector<16xf32>,
      %add3A_616 = arith.addf %add3A_610, %get3A_615 : vector<16xf32>
      %add3A_617 = arith.constant 144 : i32
      %add3A_618 = arith.addi %add3A_617, %add3A_270 : i32
      %get3A_619 = arith.index_cast %add3A_618 : i32 to index
      %get3A_620 = arith.constant 96 : index
      %get3A_621 = tpu.vector_load %arg8[%get3A_619, %get3A_620] {strides = array<i32>} : memref<384x128xf32, #tpu.memory_space<vmem>>, vector<16xf32>,
      %add3A_622 = arith.addf %add3A_616, %get3A_621 : vector<16xf32>
      %add3A_623 = arith.constant 192 : i32
      %add3A_624 = arith.addi %add3A_623, %add3A_270 : i32
      %get3A_625 = arith.index_cast %add3A_624 : i32 to index
      %get3A_626 = arith.constant 96 : index
      %get3A_627 = tpu.vector_load %arg8[%get3A_625, %get3A_626] {strides = array<i32>} : memref<384x128xf32, #tpu.memory_space<vmem>>, vector<16xf32>,
      %add3A_628 = arith.addf %add3A_622, %get3A_627 : vector<16xf32>
      %add3A_629 = arith.constant 240 : i32
      %add3A_630 = arith.addi %add3A_629, %add3A_270 : i32
      %get3A_631 = arith.index_cast %add3A_630 : i32 to index
      %get3A_632 = arith.constant 96 : index
      %get3A_633 = tpu.vector_load %arg8[%get3A_631, %get3A_632] {strides = array<i32>} : memref<384x128xf32, #tpu.memory_space<vmem>>, vector<16xf32>,
      %add3A_634 = arith.addf %add3A_628, %get3A_633 : vector<16xf32>
      %add3A_635 = arith.constant 288 : i32
      %add3A_636 = arith.addi %add3A_635, %add3A_270 : i32
      %get3A_637 = arith.index_cast %add3A_636 : i32 to index
      %get3A_638 = arith.constant 96 : index
      %get3A_639 = tpu.vector_load %arg8[%get3A_637, %get3A_638] {strides = array<i32>} : memref<384x128xf32, #tpu.memory_space<vmem>>, vector<16xf32>,
      %add3A_640 = arith.addf %add3A_634, %get3A_639 : vector<16xf32>
      %add3A_641 = arith.constant 336 : i32
      %add3A_642 = arith.addi %add3A_641, %add3A_270 : i32
      %get3A_643 = arith.index_cast %add3A_642 : i32 to index
      %get3A_644 = arith.constant 96 : index
      %get3A_645 = tpu.vector_load %arg8[%get3A_643, %get3A_644] {strides = array<i32>} : memref<384x128xf32, #tpu.memory_space<vmem>>, vector<16xf32>,
      %add3A_646 = arith.addf %add3A_640, %get3A_645 : vector<16xf32>
      %mul3A_647 = arith.constant 1.250000e-01 : f32
      %mul3A_648 = vector.broadcast %mul3A_647 : f32 to vector<16xf32>
      %mul3A_649 = arith.mulf %add3A_646, %mul3A_648 : vector<16xf32>
      %max3A_650 = arith.constant 0.000000e+00 : f32
      %max3A_651 = vector.broadcast %max3A_650 : f32 to vector<16xf32>
      %max3A_652 = arith.maximumf %mul3A_649, %max3A_651 : vector<16xf32>
      %get3A_653 = arith.constant 96 : index
      %get3A_654 = tpu.vector_load %arg9[%get3A_653] {strides = array<i32>} : memref<128xf32, #tpu.memory_space<vmem>>, vector<16xf32>,
      %mul3A_655 = arith.mulf %max3A_652, %get3A_654 : vector<16xf32>
      %add3A_656 = arith.addf %add3A_601, %mul3A_655 : vector<16xf32>
      %get3A_657 = arith.index_cast %add3A_270 : i32 to index
      %get3A_658 = arith.constant 112 : index
      %get3A_659 = tpu.vector_load %arg8[%get3A_657, %get3A_658] {strides = array<i32>} : memref<384x128xf32, #tpu.memory_space<vmem>>, vector<16xf32>,
      %add3A_660 = arith.constant 48 : i32
      %add3A_661 = arith.addi %add3A_660, %add3A_270 : i32
      %get3A_662 = arith.index_cast %add3A_661 : i32 to index
      %get3A_663 = arith.constant 112 : index
      %get3A_664 = tpu.vector_load %arg8[%get3A_662, %get3A_663] {strides = array<i32>} : memref<384x128xf32, #tpu.memory_space<vmem>>, vector<16xf32>,
      %add3A_665 = arith.addf %get3A_659, %get3A_664 : vector<16xf32>
      %add3A_666 = arith.constant 96 : i32
      %add3A_667 = arith.addi %add3A_666, %add3A_270 : i32
      %get3A_668 = arith.index_cast %add3A_667 : i32 to index
      %get3A_669 = arith.constant 112 : index
      %get3A_670 = tpu.vector_load %arg8[%get3A_668, %get3A_669] {strides = array<i32>} : memref<384x128xf32, #tpu.memory_space<vmem>>, vector<16xf32>,
      %add3A_671 = arith.addf %add3A_665, %get3A_670 : vector<16xf32>
      %add3A_672 = arith.constant 144 : i32
      %add3A_673 = arith.addi %add3A_672, %add3A_270 : i32
      %get3A_674 = arith.index_cast %add3A_673 : i32 to index
      %get3A_675 = arith.constant 112 : index
      %get3A_676 = tpu.vector_load %arg8[%get3A_674, %get3A_675] {strides = array<i32>} : memref<384x128xf32, #tpu.memory_space<vmem>>, vector<16xf32>,
      %add3A_677 = arith.addf %add3A_671, %get3A_676 : vector<16xf32>
      %add3A_678 = arith.constant 192 : i32
      %add3A_679 = arith.addi %add3A_678, %add3A_270 : i32
      %get3A_680 = arith.index_cast %add3A_679 : i32 to index
      %get3A_681 = arith.constant 112 : index
      %get3A_682 = tpu.vector_load %arg8[%get3A_680, %get3A_681] {strides = array<i32>} : memref<384x128xf32, #tpu.memory_space<vmem>>, vector<16xf32>,
      %add3A_683 = arith.addf %add3A_677, %get3A_682 : vector<16xf32>
      %add3A_684 = arith.constant 240 : i32
      %add3A_685 = arith.addi %add3A_684, %add3A_270 : i32
      %get3A_686 = arith.index_cast %add3A_685 : i32 to index
      %get3A_687 = arith.constant 112 : index
      %get3A_688 = tpu.vector_load %arg8[%get3A_686, %get3A_687] {strides = array<i32>} : memref<384x128xf32, #tpu.memory_space<vmem>>, vector<16xf32>,
      %add3A_689 = arith.addf %add3A_683, %get3A_688 : vector<16xf32>
      %add3A_690 = arith.constant 288 : i32
      %add3A_691 = arith.addi %add3A_690, %add3A_270 : i32
      %get3A_692 = arith.index_cast %add3A_691 : i32 to index
      %get3A_693 = arith.constant 112 : index
      %get3A_694 = tpu.vector_load %arg8[%get3A_692, %get3A_693] {strides = array<i32>} : memref<384x128xf32, #tpu.memory_space<vmem>>, vector<16xf32>,
      %add3A_695 = arith.addf %add3A_689, %get3A_694 : vector<16xf32>
      %add3A_696 = arith.constant 336 : i32
      %add3A_697 = arith.addi %add3A_696, %add3A_270 : i32
      %get3A_698 = arith.index_cast %add3A_697 : i32 to index
      %get3A_699 = arith.constant 112 : index
      %get3A_700 = tpu.vector_load %arg8[%get3A_698, %get3A_699] {strides = array<i32>} : memref<384x128xf32, #tpu.memory_space<vmem>>, vector<16xf32>,
      %add3A_701 = arith.addf %add3A_695, %get3A_700 : vector<16xf32>
      %mul3A_702 = arith.constant 1.250000e-01 : f32
      %mul3A_703 = vector.broadcast %mul3A_702 : f32 to vector<16xf32>
      %mul3A_704 = arith.mulf %add3A_701, %mul3A_703 : vector<16xf32>
      %max3A_705 = arith.constant 0.000000e+00 : f32
      %max3A_706 = vector.broadcast %max3A_705 : f32 to vector<16xf32>
      %max3A_707 = arith.maximumf %mul3A_704, %max3A_706 : vector<16xf32>
      %get3A_708 = arith.constant 112 : index
      %get3A_709 = tpu.vector_load %arg9[%get3A_708] {strides = array<i32>} : memref<128xf32, #tpu.memory_space<vmem>>, vector<16xf32>,
      %mul3A_710 = arith.mulf %max3A_707, %get3A_709 : vector<16xf32>
      %add3A_711 = arith.addf %add3A_656, %mul3A_710 : vector<16xf32>
      %reduce_sum3A = arith.constant true
      %reduce_sum3A_712 = vector.broadcast %reduce_sum3A : i1 to vector<16xi1>
      %reduce_sum3A_713 = tpu.scan <sum>, %add3A_711 masked %reduce_sum3A_712 : vector<16xf32>, vector<16xi1> -> vector<16xf32>
      %reduce_sum3A_714 = vector.extract %reduce_sum3A_713[15] : f32 from vector<16xf32>
      %eq3A = vector.broadcast %scan3A_267 : i32 to vector<16xi32>
      %eq3A_715 = arith.cmpi eq, %iota3A, %eq3A : vector<16xi32>
      %broadcast_in_dim3A_716 = vector.broadcast %reduce_sum3A_714 : f32 to vector<16xf32>
      %select_n3A = arith.select %eq3A_715, %broadcast_in_dim3A_716, %scan3A_268 : vector<16xi1>, vector<16xf32>
      scf.yield %select_n3A : vector<16xf32>
    }
    %scan3A_132 = arith.constant 16 : i32
    %get3A_133 = arith.constant 0 : index
    %get3A_134 = tpu.vector_load %arg10[%get3A_133] {strides = array<i32>} : memref<16xf32, #tpu.memory_space<vmem>>, vector<16xf32>,
    %add3A_135 = arith.addf %scan3A_131, %get3A_134 : vector<16xf32>
    %swap3A_136 = arith.constant 16 : index
    %swap3A_137 = tpu.vector_load %arg11[%swap3A_136] {strides = array<i32>} : memref<48xf32, #tpu.memory_space<vmem>>, vector<16xf32>,
    tpu.vector_store %arg11[%swap3A_136], %add3A_135 {strides = array<i32>} : memref<48xf32, #tpu.memory_space<vmem>>, vector<16xf32>,
    %broadcast_in_dim3A_138 = arith.constant 0.000000e+00 : f32
    %broadcast_in_dim3A_139 = vector.broadcast %broadcast_in_dim3A_138 : f32 to vector<16xf32>
    %scan3A_140 = arith.constant 0 : i32
    %scan3A_141 = arith.constant 16 : i32
    %scan3A_142 = arith.addi %scan3A_140, %scan3A_141 : i32
    %scan3A_143 = arith.constant 1 : i32
    %scan3A_144 = scf.for %scan3A_267 = %scan3A_140 to %scan3A_142 step %scan3A_143 iter_args(%scan3A_268 = %broadcast_in_dim3A_139) -> (vector<16xf32>)  : i32 {
      %add3A_269 = arith.constant 32 : i32
      %add3A_270 = arith.addi %add3A_269, %scan3A_267 : i32
      %broadcast_in_dim3A_271 = arith.constant 0.000000e+00 : f32
      %broadcast_in_dim3A_272 = vector.broadcast %broadcast_in_dim3A_271 : f32 to vector<16xf32>
      %get3A_273 = arith.index_cast %add3A_270 : i32 to index
      %get3A_274 = arith.constant 0 : index
      %get3A_275 = tpu.vector_load %arg8[%get3A_273, %get3A_274] {strides = array<i32>} : memref<384x128xf32, #tpu.memory_space<vmem>>, vector<16xf32>,
      %add3A_276 = arith.constant 48 : i32
      %add3A_277 = arith.addi %add3A_276, %add3A_270 : i32
      %get3A_278 = arith.index_cast %add3A_277 : i32 to index
      %get3A_279 = arith.constant 0 : index
      %get3A_280 = tpu.vector_load %arg8[%get3A_278, %get3A_279] {strides = array<i32>} : memref<384x128xf32, #tpu.memory_space<vmem>>, vector<16xf32>,
      %add3A_281 = arith.addf %get3A_275, %get3A_280 : vector<16xf32>
      %add3A_282 = arith.constant 96 : i32
      %add3A_283 = arith.addi %add3A_282, %add3A_270 : i32
      %get3A_284 = arith.index_cast %add3A_283 : i32 to index
      %get3A_285 = arith.constant 0 : index
      %get3A_286 = tpu.vector_load %arg8[%get3A_284, %get3A_285] {strides = array<i32>} : memref<384x128xf32, #tpu.memory_space<vmem>>, vector<16xf32>,
      %add3A_287 = arith.addf %add3A_281, %get3A_286 : vector<16xf32>
      %add3A_288 = arith.constant 144 : i32
      %add3A_289 = arith.addi %add3A_288, %add3A_270 : i32
      %get3A_290 = arith.index_cast %add3A_289 : i32 to index
      %get3A_291 = arith.constant 0 : index
      %get3A_292 = tpu.vector_load %arg8[%get3A_290, %get3A_291] {strides = array<i32>} : memref<384x128xf32, #tpu.memory_space<vmem>>, vector<16xf32>,
      %add3A_293 = arith.addf %add3A_287, %get3A_292 : vector<16xf32>
      %add3A_294 = arith.constant 192 : i32
      %add3A_295 = arith.addi %add3A_294, %add3A_270 : i32
      %get3A_296 = arith.index_cast %add3A_295 : i32 to index
      %get3A_297 = arith.constant 0 : index
      %get3A_298 = tpu.vector_load %arg8[%get3A_296, %get3A_297] {strides = array<i32>} : memref<384x128xf32, #tpu.memory_space<vmem>>, vector<16xf32>,
      %add3A_299 = arith.addf %add3A_293, %get3A_298 : vector<16xf32>
      %add3A_300 = arith.constant 240 : i32
      %add3A_301 = arith.addi %add3A_300, %add3A_270 : i32
      %get3A_302 = arith.index_cast %add3A_301 : i32 to index
      %get3A_303 = arith.constant 0 : index
      %get3A_304 = tpu.vector_load %arg8[%get3A_302, %get3A_303] {strides = array<i32>} : memref<384x128xf32, #tpu.memory_space<vmem>>, vector<16xf32>,
      %add3A_305 = arith.addf %add3A_299, %get3A_304 : vector<16xf32>
      %add3A_306 = arith.constant 288 : i32
      %add3A_307 = arith.addi %add3A_306, %add3A_270 : i32
      %get3A_308 = arith.index_cast %add3A_307 : i32 to index
      %get3A_309 = arith.constant 0 : index
      %get3A_310 = tpu.vector_load %arg8[%get3A_308, %get3A_309] {strides = array<i32>} : memref<384x128xf32, #tpu.memory_space<vmem>>, vector<16xf32>,
      %add3A_311 = arith.addf %add3A_305, %get3A_310 : vector<16xf32>
      %add3A_312 = arith.constant 336 : i32
      %add3A_313 = arith.addi %add3A_312, %add3A_270 : i32
      %get3A_314 = arith.index_cast %add3A_313 : i32 to index
      %get3A_315 = arith.constant 0 : index
      %get3A_316 = tpu.vector_load %arg8[%get3A_314, %get3A_315] {strides = array<i32>} : memref<384x128xf32, #tpu.memory_space<vmem>>, vector<16xf32>,
      %add3A_317 = arith.addf %add3A_311, %get3A_316 : vector<16xf32>
      %mul3A_318 = arith.constant 1.250000e-01 : f32
      %mul3A_319 = vector.broadcast %mul3A_318 : f32 to vector<16xf32>
      %mul3A_320 = arith.mulf %add3A_317, %mul3A_319 : vector<16xf32>
      %max3A = arith.constant 0.000000e+00 : f32
      %max3A_321 = vector.broadcast %max3A : f32 to vector<16xf32>
      %max3A_322 = arith.maximumf %mul3A_320, %max3A_321 : vector<16xf32>
      %get3A_323 = arith.constant 0 : index
      %get3A_324 = tpu.vector_load %arg9[%get3A_323] {strides = array<i32>} : memref<128xf32, #tpu.memory_space<vmem>>, vector<16xf32>,
      %mul3A_325 = arith.mulf %max3A_322, %get3A_324 : vector<16xf32>
      %add3A_326 = arith.addf %broadcast_in_dim3A_272, %mul3A_325 : vector<16xf32>
      %get3A_327 = arith.index_cast %add3A_270 : i32 to index
      %get3A_328 = arith.constant 16 : index
      %get3A_329 = tpu.vector_load %arg8[%get3A_327, %get3A_328] {strides = array<i32>} : memref<384x128xf32, #tpu.memory_space<vmem>>, vector<16xf32>,
      %add3A_330 = arith.constant 48 : i32
      %add3A_331 = arith.addi %add3A_330, %add3A_270 : i32
      %get3A_332 = arith.index_cast %add3A_331 : i32 to index
      %get3A_333 = arith.constant 16 : index
      %get3A_334 = tpu.vector_load %arg8[%get3A_332, %get3A_333] {strides = array<i32>} : memref<384x128xf32, #tpu.memory_space<vmem>>, vector<16xf32>,
      %add3A_335 = arith.addf %get3A_329, %get3A_334 : vector<16xf32>
      %add3A_336 = arith.constant 96 : i32
      %add3A_337 = arith.addi %add3A_336, %add3A_270 : i32
      %get3A_338 = arith.index_cast %add3A_337 : i32 to index
      %get3A_339 = arith.constant 16 : index
      %get3A_340 = tpu.vector_load %arg8[%get3A_338, %get3A_339] {strides = array<i32>} : memref<384x128xf32, #tpu.memory_space<vmem>>, vector<16xf32>,
      %add3A_341 = arith.addf %add3A_335, %get3A_340 : vector<16xf32>
      %add3A_342 = arith.constant 144 : i32
      %add3A_343 = arith.addi %add3A_342, %add3A_270 : i32
      %get3A_344 = arith.index_cast %add3A_343 : i32 to index
      %get3A_345 = arith.constant 16 : index
      %get3A_346 = tpu.vector_load %arg8[%get3A_344, %get3A_345] {strides = array<i32>} : memref<384x128xf32, #tpu.memory_space<vmem>>, vector<16xf32>,
      %add3A_347 = arith.addf %add3A_341, %get3A_346 : vector<16xf32>
      %add3A_348 = arith.constant 192 : i32
      %add3A_349 = arith.addi %add3A_348, %add3A_270 : i32
      %get3A_350 = arith.index_cast %add3A_349 : i32 to index
      %get3A_351 = arith.constant 16 : index
      %get3A_352 = tpu.vector_load %arg8[%get3A_350, %get3A_351] {strides = array<i32>} : memref<384x128xf32, #tpu.memory_space<vmem>>, vector<16xf32>,
      %add3A_353 = arith.addf %add3A_347, %get3A_352 : vector<16xf32>
      %add3A_354 = arith.constant 240 : i32
      %add3A_355 = arith.addi %add3A_354, %add3A_270 : i32
      %get3A_356 = arith.index_cast %add3A_355 : i32 to index
      %get3A_357 = arith.constant 16 : index
      %get3A_358 = tpu.vector_load %arg8[%get3A_356, %get3A_357] {strides = array<i32>} : memref<384x128xf32, #tpu.memory_space<vmem>>, vector<16xf32>,
      %add3A_359 = arith.addf %add3A_353, %get3A_358 : vector<16xf32>
      %add3A_360 = arith.constant 288 : i32
      %add3A_361 = arith.addi %add3A_360, %add3A_270 : i32
      %get3A_362 = arith.index_cast %add3A_361 : i32 to index
      %get3A_363 = arith.constant 16 : index
      %get3A_364 = tpu.vector_load %arg8[%get3A_362, %get3A_363] {strides = array<i32>} : memref<384x128xf32, #tpu.memory_space<vmem>>, vector<16xf32>,
      %add3A_365 = arith.addf %add3A_359, %get3A_364 : vector<16xf32>
      %add3A_366 = arith.constant 336 : i32
      %add3A_367 = arith.addi %add3A_366, %add3A_270 : i32
      %get3A_368 = arith.index_cast %add3A_367 : i32 to index
      %get3A_369 = arith.constant 16 : index
      %get3A_370 = tpu.vector_load %arg8[%get3A_368, %get3A_369] {strides = array<i32>} : memref<384x128xf32, #tpu.memory_space<vmem>>, vector<16xf32>,
      %add3A_371 = arith.addf %add3A_365, %get3A_370 : vector<16xf32>
      %mul3A_372 = arith.constant 1.250000e-01 : f32
      %mul3A_373 = vector.broadcast %mul3A_372 : f32 to vector<16xf32>
      %mul3A_374 = arith.mulf %add3A_371, %mul3A_373 : vector<16xf32>
      %max3A_375 = arith.constant 0.000000e+00 : f32
      %max3A_376 = vector.broadcast %max3A_375 : f32 to vector<16xf32>
      %max3A_377 = arith.maximumf %mul3A_374, %max3A_376 : vector<16xf32>
      %get3A_378 = arith.constant 16 : index
      %get3A_379 = tpu.vector_load %arg9[%get3A_378] {strides = array<i32>} : memref<128xf32, #tpu.memory_space<vmem>>, vector<16xf32>,
      %mul3A_380 = arith.mulf %max3A_377, %get3A_379 : vector<16xf32>
      %add3A_381 = arith.addf %add3A_326, %mul3A_380 : vector<16xf32>
      %get3A_382 = arith.index_cast %add3A_270 : i32 to index
      %get3A_383 = arith.constant 32 : index
      %get3A_384 = tpu.vector_load %arg8[%get3A_382, %get3A_383] {strides = array<i32>} : memref<384x128xf32, #tpu.memory_space<vmem>>, vector<16xf32>,
      %add3A_385 = arith.constant 48 : i32
      %add3A_386 = arith.addi %add3A_385, %add3A_270 : i32
      %get3A_387 = arith.index_cast %add3A_386 : i32 to index
      %get3A_388 = arith.constant 32 : index
      %get3A_389 = tpu.vector_load %arg8[%get3A_387, %get3A_388] {strides = array<i32>} : memref<384x128xf32, #tpu.memory_space<vmem>>, vector<16xf32>,
      %add3A_390 = arith.addf %get3A_384, %get3A_389 : vector<16xf32>
      %add3A_391 = arith.constant 96 : i32
      %add3A_392 = arith.addi %add3A_391, %add3A_270 : i32
      %get3A_393 = arith.index_cast %add3A_392 : i32 to index
      %get3A_394 = arith.constant 32 : index
      %get3A_395 = tpu.vector_load %arg8[%get3A_393, %get3A_394] {strides = array<i32>} : memref<384x128xf32, #tpu.memory_space<vmem>>, vector<16xf32>,
      %add3A_396 = arith.addf %add3A_390, %get3A_395 : vector<16xf32>
      %add3A_397 = arith.constant 144 : i32
      %add3A_398 = arith.addi %add3A_397, %add3A_270 : i32
      %get3A_399 = arith.index_cast %add3A_398 : i32 to index
      %get3A_400 = arith.constant 32 : index
      %get3A_401 = tpu.vector_load %arg8[%get3A_399, %get3A_400] {strides = array<i32>} : memref<384x128xf32, #tpu.memory_space<vmem>>, vector<16xf32>,
      %add3A_402 = arith.addf %add3A_396, %get3A_401 : vector<16xf32>
      %add3A_403 = arith.constant 192 : i32
      %add3A_404 = arith.addi %add3A_403, %add3A_270 : i32
      %get3A_405 = arith.index_cast %add3A_404 : i32 to index
      %get3A_406 = arith.constant 32 : index
      %get3A_407 = tpu.vector_load %arg8[%get3A_405, %get3A_406] {strides = array<i32>} : memref<384x128xf32, #tpu.memory_space<vmem>>, vector<16xf32>,
      %add3A_408 = arith.addf %add3A_402, %get3A_407 : vector<16xf32>
      %add3A_409 = arith.constant 240 : i32
      %add3A_410 = arith.addi %add3A_409, %add3A_270 : i32
      %get3A_411 = arith.index_cast %add3A_410 : i32 to index
      %get3A_412 = arith.constant 32 : index
      %get3A_413 = tpu.vector_load %arg8[%get3A_411, %get3A_412] {strides = array<i32>} : memref<384x128xf32, #tpu.memory_space<vmem>>, vector<16xf32>,
      %add3A_414 = arith.addf %add3A_408, %get3A_413 : vector<16xf32>
      %add3A_415 = arith.constant 288 : i32
      %add3A_416 = arith.addi %add3A_415, %add3A_270 : i32
      %get3A_417 = arith.index_cast %add3A_416 : i32 to index
      %get3A_418 = arith.constant 32 : index
      %get3A_419 = tpu.vector_load %arg8[%get3A_417, %get3A_418] {strides = array<i32>} : memref<384x128xf32, #tpu.memory_space<vmem>>, vector<16xf32>,
      %add3A_420 = arith.addf %add3A_414, %get3A_419 : vector<16xf32>
      %add3A_421 = arith.constant 336 : i32
      %add3A_422 = arith.addi %add3A_421, %add3A_270 : i32
      %get3A_423 = arith.index_cast %add3A_422 : i32 to index
      %get3A_424 = arith.constant 32 : index
      %get3A_425 = tpu.vector_load %arg8[%get3A_423, %get3A_424] {strides = array<i32>} : memref<384x128xf32, #tpu.memory_space<vmem>>, vector<16xf32>,
      %add3A_426 = arith.addf %add3A_420, %get3A_425 : vector<16xf32>
      %mul3A_427 = arith.constant 1.250000e-01 : f32
      %mul3A_428 = vector.broadcast %mul3A_427 : f32 to vector<16xf32>
      %mul3A_429 = arith.mulf %add3A_426, %mul3A_428 : vector<16xf32>
      %max3A_430 = arith.constant 0.000000e+00 : f32
      %max3A_431 = vector.broadcast %max3A_430 : f32 to vector<16xf32>
      %max3A_432 = arith.maximumf %mul3A_429, %max3A_431 : vector<16xf32>
      %get3A_433 = arith.constant 32 : index
      %get3A_434 = tpu.vector_load %arg9[%get3A_433] {strides = array<i32>} : memref<128xf32, #tpu.memory_space<vmem>>, vector<16xf32>,
      %mul3A_435 = arith.mulf %max3A_432, %get3A_434 : vector<16xf32>
      %add3A_436 = arith.addf %add3A_381, %mul3A_435 : vector<16xf32>
      %get3A_437 = arith.index_cast %add3A_270 : i32 to index
      %get3A_438 = arith.constant 48 : index
      %get3A_439 = tpu.vector_load %arg8[%get3A_437, %get3A_438] {strides = array<i32>} : memref<384x128xf32, #tpu.memory_space<vmem>>, vector<16xf32>,
      %add3A_440 = arith.constant 48 : i32
      %add3A_441 = arith.addi %add3A_440, %add3A_270 : i32
      %get3A_442 = arith.index_cast %add3A_441 : i32 to index
      %get3A_443 = arith.constant 48 : index
      %get3A_444 = tpu.vector_load %arg8[%get3A_442, %get3A_443] {strides = array<i32>} : memref<384x128xf32, #tpu.memory_space<vmem>>, vector<16xf32>,
      %add3A_445 = arith.addf %get3A_439, %get3A_444 : vector<16xf32>
      %add3A_446 = arith.constant 96 : i32
      %add3A_447 = arith.addi %add3A_446, %add3A_270 : i32
      %get3A_448 = arith.index_cast %add3A_447 : i32 to index
      %get3A_449 = arith.constant 48 : index
      %get3A_450 = tpu.vector_load %arg8[%get3A_448, %get3A_449] {strides = array<i32>} : memref<384x128xf32, #tpu.memory_space<vmem>>, vector<16xf32>,
      %add3A_451 = arith.addf %add3A_445, %get3A_450 : vector<16xf32>
      %add3A_452 = arith.constant 144 : i32
      %add3A_453 = arith.addi %add3A_452, %add3A_270 : i32
      %get3A_454 = arith.index_cast %add3A_453 : i32 to index
      %get3A_455 = arith.constant 48 : index
      %get3A_456 = tpu.vector_load %arg8[%get3A_454, %get3A_455] {strides = array<i32>} : memref<384x128xf32, #tpu.memory_space<vmem>>, vector<16xf32>,
      %add3A_457 = arith.addf %add3A_451, %get3A_456 : vector<16xf32>
      %add3A_458 = arith.constant 192 : i32
      %add3A_459 = arith.addi %add3A_458, %add3A_270 : i32
      %get3A_460 = arith.index_cast %add3A_459 : i32 to index
      %get3A_461 = arith.constant 48 : index
      %get3A_462 = tpu.vector_load %arg8[%get3A_460, %get3A_461] {strides = array<i32>} : memref<384x128xf32, #tpu.memory_space<vmem>>, vector<16xf32>,
      %add3A_463 = arith.addf %add3A_457, %get3A_462 : vector<16xf32>
      %add3A_464 = arith.constant 240 : i32
      %add3A_465 = arith.addi %add3A_464, %add3A_270 : i32
      %get3A_466 = arith.index_cast %add3A_465 : i32 to index
      %get3A_467 = arith.constant 48 : index
      %get3A_468 = tpu.vector_load %arg8[%get3A_466, %get3A_467] {strides = array<i32>} : memref<384x128xf32, #tpu.memory_space<vmem>>, vector<16xf32>,
      %add3A_469 = arith.addf %add3A_463, %get3A_468 : vector<16xf32>
      %add3A_470 = arith.constant 288 : i32
      %add3A_471 = arith.addi %add3A_470, %add3A_270 : i32
      %get3A_472 = arith.index_cast %add3A_471 : i32 to index
      %get3A_473 = arith.constant 48 : index
      %get3A_474 = tpu.vector_load %arg8[%get3A_472, %get3A_473] {strides = array<i32>} : memref<384x128xf32, #tpu.memory_space<vmem>>, vector<16xf32>,
      %add3A_475 = arith.addf %add3A_469, %get3A_474 : vector<16xf32>
      %add3A_476 = arith.constant 336 : i32
      %add3A_477 = arith.addi %add3A_476, %add3A_270 : i32
      %get3A_478 = arith.index_cast %add3A_477 : i32 to index
      %get3A_479 = arith.constant 48 : index
      %get3A_480 = tpu.vector_load %arg8[%get3A_478, %get3A_479] {strides = array<i32>} : memref<384x128xf32, #tpu.memory_space<vmem>>, vector<16xf32>,
      %add3A_481 = arith.addf %add3A_475, %get3A_480 : vector<16xf32>
      %mul3A_482 = arith.constant 1.250000e-01 : f32
      %mul3A_483 = vector.broadcast %mul3A_482 : f32 to vector<16xf32>
      %mul3A_484 = arith.mulf %add3A_481, %mul3A_483 : vector<16xf32>
      %max3A_485 = arith.constant 0.000000e+00 : f32
      %max3A_486 = vector.broadcast %max3A_485 : f32 to vector<16xf32>
      %max3A_487 = arith.maximumf %mul3A_484, %max3A_486 : vector<16xf32>
      %get3A_488 = arith.constant 48 : index
      %get3A_489 = tpu.vector_load %arg9[%get3A_488] {strides = array<i32>} : memref<128xf32, #tpu.memory_space<vmem>>, vector<16xf32>,
      %mul3A_490 = arith.mulf %max3A_487, %get3A_489 : vector<16xf32>
      %add3A_491 = arith.addf %add3A_436, %mul3A_490 : vector<16xf32>
      %get3A_492 = arith.index_cast %add3A_270 : i32 to index
      %get3A_493 = arith.constant 64 : index
      %get3A_494 = tpu.vector_load %arg8[%get3A_492, %get3A_493] {strides = array<i32>} : memref<384x128xf32, #tpu.memory_space<vmem>>, vector<16xf32>,
      %add3A_495 = arith.constant 48 : i32
      %add3A_496 = arith.addi %add3A_495, %add3A_270 : i32
      %get3A_497 = arith.index_cast %add3A_496 : i32 to index
      %get3A_498 = arith.constant 64 : index
      %get3A_499 = tpu.vector_load %arg8[%get3A_497, %get3A_498] {strides = array<i32>} : memref<384x128xf32, #tpu.memory_space<vmem>>, vector<16xf32>,
      %add3A_500 = arith.addf %get3A_494, %get3A_499 : vector<16xf32>
      %add3A_501 = arith.constant 96 : i32
      %add3A_502 = arith.addi %add3A_501, %add3A_270 : i32
      %get3A_503 = arith.index_cast %add3A_502 : i32 to index
      %get3A_504 = arith.constant 64 : index
      %get3A_505 = tpu.vector_load %arg8[%get3A_503, %get3A_504] {strides = array<i32>} : memref<384x128xf32, #tpu.memory_space<vmem>>, vector<16xf32>,
      %add3A_506 = arith.addf %add3A_500, %get3A_505 : vector<16xf32>
      %add3A_507 = arith.constant 144 : i32
      %add3A_508 = arith.addi %add3A_507, %add3A_270 : i32
      %get3A_509 = arith.index_cast %add3A_508 : i32 to index
      %get3A_510 = arith.constant 64 : index
      %get3A_511 = tpu.vector_load %arg8[%get3A_509, %get3A_510] {strides = array<i32>} : memref<384x128xf32, #tpu.memory_space<vmem>>, vector<16xf32>,
      %add3A_512 = arith.addf %add3A_506, %get3A_511 : vector<16xf32>
      %add3A_513 = arith.constant 192 : i32
      %add3A_514 = arith.addi %add3A_513, %add3A_270 : i32
      %get3A_515 = arith.index_cast %add3A_514 : i32 to index
      %get3A_516 = arith.constant 64 : index
      %get3A_517 = tpu.vector_load %arg8[%get3A_515, %get3A_516] {strides = array<i32>} : memref<384x128xf32, #tpu.memory_space<vmem>>, vector<16xf32>,
      %add3A_518 = arith.addf %add3A_512, %get3A_517 : vector<16xf32>
      %add3A_519 = arith.constant 240 : i32
      %add3A_520 = arith.addi %add3A_519, %add3A_270 : i32
      %get3A_521 = arith.index_cast %add3A_520 : i32 to index
      %get3A_522 = arith.constant 64 : index
      %get3A_523 = tpu.vector_load %arg8[%get3A_521, %get3A_522] {strides = array<i32>} : memref<384x128xf32, #tpu.memory_space<vmem>>, vector<16xf32>,
      %add3A_524 = arith.addf %add3A_518, %get3A_523 : vector<16xf32>
      %add3A_525 = arith.constant 288 : i32
      %add3A_526 = arith.addi %add3A_525, %add3A_270 : i32
      %get3A_527 = arith.index_cast %add3A_526 : i32 to index
      %get3A_528 = arith.constant 64 : index
      %get3A_529 = tpu.vector_load %arg8[%get3A_527, %get3A_528] {strides = array<i32>} : memref<384x128xf32, #tpu.memory_space<vmem>>, vector<16xf32>,
      %add3A_530 = arith.addf %add3A_524, %get3A_529 : vector<16xf32>
      %add3A_531 = arith.constant 336 : i32
      %add3A_532 = arith.addi %add3A_531, %add3A_270 : i32
      %get3A_533 = arith.index_cast %add3A_532 : i32 to index
      %get3A_534 = arith.constant 64 : index
      %get3A_535 = tpu.vector_load %arg8[%get3A_533, %get3A_534] {strides = array<i32>} : memref<384x128xf32, #tpu.memory_space<vmem>>, vector<16xf32>,
      %add3A_536 = arith.addf %add3A_530, %get3A_535 : vector<16xf32>
      %mul3A_537 = arith.constant 1.250000e-01 : f32
      %mul3A_538 = vector.broadcast %mul3A_537 : f32 to vector<16xf32>
      %mul3A_539 = arith.mulf %add3A_536, %mul3A_538 : vector<16xf32>
      %max3A_540 = arith.constant 0.000000e+00 : f32
      %max3A_541 = vector.broadcast %max3A_540 : f32 to vector<16xf32>
      %max3A_542 = arith.maximumf %mul3A_539, %max3A_541 : vector<16xf32>
      %get3A_543 = arith.constant 64 : index
      %get3A_544 = tpu.vector_load %arg9[%get3A_543] {strides = array<i32>} : memref<128xf32, #tpu.memory_space<vmem>>, vector<16xf32>,
      %mul3A_545 = arith.mulf %max3A_542, %get3A_544 : vector<16xf32>
      %add3A_546 = arith.addf %add3A_491, %mul3A_545 : vector<16xf32>
      %get3A_547 = arith.index_cast %add3A_270 : i32 to index
      %get3A_548 = arith.constant 80 : index
      %get3A_549 = tpu.vector_load %arg8[%get3A_547, %get3A_548] {strides = array<i32>} : memref<384x128xf32, #tpu.memory_space<vmem>>, vector<16xf32>,
      %add3A_550 = arith.constant 48 : i32
      %add3A_551 = arith.addi %add3A_550, %add3A_270 : i32
      %get3A_552 = arith.index_cast %add3A_551 : i32 to index
      %get3A_553 = arith.constant 80 : index
      %get3A_554 = tpu.vector_load %arg8[%get3A_552, %get3A_553] {strides = array<i32>} : memref<384x128xf32, #tpu.memory_space<vmem>>, vector<16xf32>,
      %add3A_555 = arith.addf %get3A_549, %get3A_554 : vector<16xf32>
      %add3A_556 = arith.constant 96 : i32
      %add3A_557 = arith.addi %add3A_556, %add3A_270 : i32
      %get3A_558 = arith.index_cast %add3A_557 : i32 to index
      %get3A_559 = arith.constant 80 : index
      %get3A_560 = tpu.vector_load %arg8[%get3A_558, %get3A_559] {strides = array<i32>} : memref<384x128xf32, #tpu.memory_space<vmem>>, vector<16xf32>,
      %add3A_561 = arith.addf %add3A_555, %get3A_560 : vector<16xf32>
      %add3A_562 = arith.constant 144 : i32
      %add3A_563 = arith.addi %add3A_562, %add3A_270 : i32
      %get3A_564 = arith.index_cast %add3A_563 : i32 to index
      %get3A_565 = arith.constant 80 : index
      %get3A_566 = tpu.vector_load %arg8[%get3A_564, %get3A_565] {strides = array<i32>} : memref<384x128xf32, #tpu.memory_space<vmem>>, vector<16xf32>,
      %add3A_567 = arith.addf %add3A_561, %get3A_566 : vector<16xf32>
      %add3A_568 = arith.constant 192 : i32
      %add3A_569 = arith.addi %add3A_568, %add3A_270 : i32
      %get3A_570 = arith.index_cast %add3A_569 : i32 to index
      %get3A_571 = arith.constant 80 : index
      %get3A_572 = tpu.vector_load %arg8[%get3A_570, %get3A_571] {strides = array<i32>} : memref<384x128xf32, #tpu.memory_space<vmem>>, vector<16xf32>,
      %add3A_573 = arith.addf %add3A_567, %get3A_572 : vector<16xf32>
      %add3A_574 = arith.constant 240 : i32
      %add3A_575 = arith.addi %add3A_574, %add3A_270 : i32
      %get3A_576 = arith.index_cast %add3A_575 : i32 to index
      %get3A_577 = arith.constant 80 : index
      %get3A_578 = tpu.vector_load %arg8[%get3A_576, %get3A_577] {strides = array<i32>} : memref<384x128xf32, #tpu.memory_space<vmem>>, vector<16xf32>,
      %add3A_579 = arith.addf %add3A_573, %get3A_578 : vector<16xf32>
      %add3A_580 = arith.constant 288 : i32
      %add3A_581 = arith.addi %add3A_580, %add3A_270 : i32
      %get3A_582 = arith.index_cast %add3A_581 : i32 to index
      %get3A_583 = arith.constant 80 : index
      %get3A_584 = tpu.vector_load %arg8[%get3A_582, %get3A_583] {strides = array<i32>} : memref<384x128xf32, #tpu.memory_space<vmem>>, vector<16xf32>,
      %add3A_585 = arith.addf %add3A_579, %get3A_584 : vector<16xf32>
      %add3A_586 = arith.constant 336 : i32
      %add3A_587 = arith.addi %add3A_586, %add3A_270 : i32
      %get3A_588 = arith.index_cast %add3A_587 : i32 to index
      %get3A_589 = arith.constant 80 : index
      %get3A_590 = tpu.vector_load %arg8[%get3A_588, %get3A_589] {strides = array<i32>} : memref<384x128xf32, #tpu.memory_space<vmem>>, vector<16xf32>,
      %add3A_591 = arith.addf %add3A_585, %get3A_590 : vector<16xf32>
      %mul3A_592 = arith.constant 1.250000e-01 : f32
      %mul3A_593 = vector.broadcast %mul3A_592 : f32 to vector<16xf32>
      %mul3A_594 = arith.mulf %add3A_591, %mul3A_593 : vector<16xf32>
      %max3A_595 = arith.constant 0.000000e+00 : f32
      %max3A_596 = vector.broadcast %max3A_595 : f32 to vector<16xf32>
      %max3A_597 = arith.maximumf %mul3A_594, %max3A_596 : vector<16xf32>
      %get3A_598 = arith.constant 80 : index
      %get3A_599 = tpu.vector_load %arg9[%get3A_598] {strides = array<i32>} : memref<128xf32, #tpu.memory_space<vmem>>, vector<16xf32>,
      %mul3A_600 = arith.mulf %max3A_597, %get3A_599 : vector<16xf32>
      %add3A_601 = arith.addf %add3A_546, %mul3A_600 : vector<16xf32>
      %get3A_602 = arith.index_cast %add3A_270 : i32 to index
      %get3A_603 = arith.constant 96 : index
      %get3A_604 = tpu.vector_load %arg8[%get3A_602, %get3A_603] {strides = array<i32>} : memref<384x128xf32, #tpu.memory_space<vmem>>, vector<16xf32>,
      %add3A_605 = arith.constant 48 : i32
      %add3A_606 = arith.addi %add3A_605, %add3A_270 : i32
      %get3A_607 = arith.index_cast %add3A_606 : i32 to index
      %get3A_608 = arith.constant 96 : index
      %get3A_609 = tpu.vector_load %arg8[%get3A_607, %get3A_608] {strides = array<i32>} : memref<384x128xf32, #tpu.memory_space<vmem>>, vector<16xf32>,
      %add3A_610 = arith.addf %get3A_604, %get3A_609 : vector<16xf32>
      %add3A_611 = arith.constant 96 : i32
      %add3A_612 = arith.addi %add3A_611, %add3A_270 : i32
      %get3A_613 = arith.index_cast %add3A_612 : i32 to index
      %get3A_614 = arith.constant 96 : index
      %get3A_615 = tpu.vector_load %arg8[%get3A_613, %get3A_614] {strides = array<i32>} : memref<384x128xf32, #tpu.memory_space<vmem>>, vector<16xf32>,
      %add3A_616 = arith.addf %add3A_610, %get3A_615 : vector<16xf32>
      %add3A_617 = arith.constant 144 : i32
      %add3A_618 = arith.addi %add3A_617, %add3A_270 : i32
      %get3A_619 = arith.index_cast %add3A_618 : i32 to index
      %get3A_620 = arith.constant 96 : index
      %get3A_621 = tpu.vector_load %arg8[%get3A_619, %get3A_620] {strides = array<i32>} : memref<384x128xf32, #tpu.memory_space<vmem>>, vector<16xf32>,
      %add3A_622 = arith.addf %add3A_616, %get3A_621 : vector<16xf32>
      %add3A_623 = arith.constant 192 : i32
      %add3A_624 = arith.addi %add3A_623, %add3A_270 : i32
      %get3A_625 = arith.index_cast %add3A_624 : i32 to index
      %get3A_626 = arith.constant 96 : index
      %get3A_627 = tpu.vector_load %arg8[%get3A_625, %get3A_626] {strides = array<i32>} : memref<384x128xf32, #tpu.memory_space<vmem>>, vector<16xf32>,
      %add3A_628 = arith.addf %add3A_622, %get3A_627 : vector<16xf32>
      %add3A_629 = arith.constant 240 : i32
      %add3A_630 = arith.addi %add3A_629, %add3A_270 : i32
      %get3A_631 = arith.index_cast %add3A_630 : i32 to index
      %get3A_632 = arith.constant 96 : index
      %get3A_633 = tpu.vector_load %arg8[%get3A_631, %get3A_632] {strides = array<i32>} : memref<384x128xf32, #tpu.memory_space<vmem>>, vector<16xf32>,
      %add3A_634 = arith.addf %add3A_628, %get3A_633 : vector<16xf32>
      %add3A_635 = arith.constant 288 : i32
      %add3A_636 = arith.addi %add3A_635, %add3A_270 : i32
      %get3A_637 = arith.index_cast %add3A_636 : i32 to index
      %get3A_638 = arith.constant 96 : index
      %get3A_639 = tpu.vector_load %arg8[%get3A_637, %get3A_638] {strides = array<i32>} : memref<384x128xf32, #tpu.memory_space<vmem>>, vector<16xf32>,
      %add3A_640 = arith.addf %add3A_634, %get3A_639 : vector<16xf32>
      %add3A_641 = arith.constant 336 : i32
      %add3A_642 = arith.addi %add3A_641, %add3A_270 : i32
      %get3A_643 = arith.index_cast %add3A_642 : i32 to index
      %get3A_644 = arith.constant 96 : index
      %get3A_645 = tpu.vector_load %arg8[%get3A_643, %get3A_644] {strides = array<i32>} : memref<384x128xf32, #tpu.memory_space<vmem>>, vector<16xf32>,
      %add3A_646 = arith.addf %add3A_640, %get3A_645 : vector<16xf32>
      %mul3A_647 = arith.constant 1.250000e-01 : f32
      %mul3A_648 = vector.broadcast %mul3A_647 : f32 to vector<16xf32>
      %mul3A_649 = arith.mulf %add3A_646, %mul3A_648 : vector<16xf32>
      %max3A_650 = arith.constant 0.000000e+00 : f32
      %max3A_651 = vector.broadcast %max3A_650 : f32 to vector<16xf32>
      %max3A_652 = arith.maximumf %mul3A_649, %max3A_651 : vector<16xf32>
      %get3A_653 = arith.constant 96 : index
      %get3A_654 = tpu.vector_load %arg9[%get3A_653] {strides = array<i32>} : memref<128xf32, #tpu.memory_space<vmem>>, vector<16xf32>,
      %mul3A_655 = arith.mulf %max3A_652, %get3A_654 : vector<16xf32>
      %add3A_656 = arith.addf %add3A_601, %mul3A_655 : vector<16xf32>
      %get3A_657 = arith.index_cast %add3A_270 : i32 to index
      %get3A_658 = arith.constant 112 : index
      %get3A_659 = tpu.vector_load %arg8[%get3A_657, %get3A_658] {strides = array<i32>} : memref<384x128xf32, #tpu.memory_space<vmem>>, vector<16xf32>,
      %add3A_660 = arith.constant 48 : i32
      %add3A_661 = arith.addi %add3A_660, %add3A_270 : i32
      %get3A_662 = arith.index_cast %add3A_661 : i32 to index
      %get3A_663 = arith.constant 112 : index
      %get3A_664 = tpu.vector_load %arg8[%get3A_662, %get3A_663] {strides = array<i32>} : memref<384x128xf32, #tpu.memory_space<vmem>>, vector<16xf32>,
      %add3A_665 = arith.addf %get3A_659, %get3A_664 : vector<16xf32>
      %add3A_666 = arith.constant 96 : i32
      %add3A_667 = arith.addi %add3A_666, %add3A_270 : i32
      %get3A_668 = arith.index_cast %add3A_667 : i32 to index
      %get3A_669 = arith.constant 112 : index
      %get3A_670 = tpu.vector_load %arg8[%get3A_668, %get3A_669] {strides = array<i32>} : memref<384x128xf32, #tpu.memory_space<vmem>>, vector<16xf32>,
      %add3A_671 = arith.addf %add3A_665, %get3A_670 : vector<16xf32>
      %add3A_672 = arith.constant 144 : i32
      %add3A_673 = arith.addi %add3A_672, %add3A_270 : i32
      %get3A_674 = arith.index_cast %add3A_673 : i32 to index
      %get3A_675 = arith.constant 112 : index
      %get3A_676 = tpu.vector_load %arg8[%get3A_674, %get3A_675] {strides = array<i32>} : memref<384x128xf32, #tpu.memory_space<vmem>>, vector<16xf32>,
      %add3A_677 = arith.addf %add3A_671, %get3A_676 : vector<16xf32>
      %add3A_678 = arith.constant 192 : i32
      %add3A_679 = arith.addi %add3A_678, %add3A_270 : i32
      %get3A_680 = arith.index_cast %add3A_679 : i32 to index
      %get3A_681 = arith.constant 112 : index
      %get3A_682 = tpu.vector_load %arg8[%get3A_680, %get3A_681] {strides = array<i32>} : memref<384x128xf32, #tpu.memory_space<vmem>>, vector<16xf32>,
      %add3A_683 = arith.addf %add3A_677, %get3A_682 : vector<16xf32>
      %add3A_684 = arith.constant 240 : i32
      %add3A_685 = arith.addi %add3A_684, %add3A_270 : i32
      %get3A_686 = arith.index_cast %add3A_685 : i32 to index
      %get3A_687 = arith.constant 112 : index
      %get3A_688 = tpu.vector_load %arg8[%get3A_686, %get3A_687] {strides = array<i32>} : memref<384x128xf32, #tpu.memory_space<vmem>>, vector<16xf32>,
      %add3A_689 = arith.addf %add3A_683, %get3A_688 : vector<16xf32>
      %add3A_690 = arith.constant 288 : i32
      %add3A_691 = arith.addi %add3A_690, %add3A_270 : i32
      %get3A_692 = arith.index_cast %add3A_691 : i32 to index
      %get3A_693 = arith.constant 112 : index
      %get3A_694 = tpu.vector_load %arg8[%get3A_692, %get3A_693] {strides = array<i32>} : memref<384x128xf32, #tpu.memory_space<vmem>>, vector<16xf32>,
      %add3A_695 = arith.addf %add3A_689, %get3A_694 : vector<16xf32>
      %add3A_696 = arith.constant 336 : i32
      %add3A_697 = arith.addi %add3A_696, %add3A_270 : i32
      %get3A_698 = arith.index_cast %add3A_697 : i32 to index
      %get3A_699 = arith.constant 112 : index
      %get3A_700 = tpu.vector_load %arg8[%get3A_698, %get3A_699] {strides = array<i32>} : memref<384x128xf32, #tpu.memory_space<vmem>>, vector<16xf32>,
      %add3A_701 = arith.addf %add3A_695, %get3A_700 : vector<16xf32>
      %mul3A_702 = arith.constant 1.250000e-01 : f32
      %mul3A_703 = vector.broadcast %mul3A_702 : f32 to vector<16xf32>
      %mul3A_704 = arith.mulf %add3A_701, %mul3A_703 : vector<16xf32>
      %max3A_705 = arith.constant 0.000000e+00 : f32
      %max3A_706 = vector.broadcast %max3A_705 : f32 to vector<16xf32>
      %max3A_707 = arith.maximumf %mul3A_704, %max3A_706 : vector<16xf32>
      %get3A_708 = arith.constant 112 : index
      %get3A_709 = tpu.vector_load %arg9[%get3A_708] {strides = array<i32>} : memref<128xf32, #tpu.memory_space<vmem>>, vector<16xf32>,
      %mul3A_710 = arith.mulf %max3A_707, %get3A_709 : vector<16xf32>
      %add3A_711 = arith.addf %add3A_656, %mul3A_710 : vector<16xf32>
      %reduce_sum3A = arith.constant true
      %reduce_sum3A_712 = vector.broadcast %reduce_sum3A : i1 to vector<16xi1>
      %reduce_sum3A_713 = tpu.scan <sum>, %add3A_711 masked %reduce_sum3A_712 : vector<16xf32>, vector<16xi1> -> vector<16xf32>
      %reduce_sum3A_714 = vector.extract %reduce_sum3A_713[15] : f32 from vector<16xf32>
      %eq3A = vector.broadcast %scan3A_267 : i32 to vector<16xi32>
      %eq3A_715 = arith.cmpi eq, %iota3A, %eq3A : vector<16xi32>
      %broadcast_in_dim3A_716 = vector.broadcast %reduce_sum3A_714 : f32 to vector<16xf32>
      %select_n3A = arith.select %eq3A_715, %broadcast_in_dim3A_716, %scan3A_268 : vector<16xi1>, vector<16xf32>
      scf.yield %select_n3A : vector<16xf32>
    }
    %scan3A_145 = arith.constant 16 : i32
    %get3A_146 = arith.constant 0 : index
    %get3A_147 = tpu.vector_load %arg10[%get3A_146] {strides = array<i32>} : memref<16xf32, #tpu.memory_space<vmem>>, vector<16xf32>,
    %add3A_148 = arith.addf %scan3A_144, %get3A_147 : vector<16xf32>
    %swap3A_149 = arith.constant 32 : index
    %swap3A_150 = tpu.vector_load %arg11[%swap3A_149] {strides = array<i32>} : memref<48xf32, #tpu.memory_space<vmem>>, vector<16xf32>,
    tpu.vector_store %arg11[%swap3A_149], %add3A_148 {strides = array<i32>} : memref<48xf32, #tpu.memory_space<vmem>>, vector<16xf32>,
    "tpu.region"() ({
      %run_scoped3A = tpu.sem_alloc : memref<!tpu.dma_semaphore, #tpu.memory_space<semaphore_mem>>
      %dma_start3A_267 = tpu.memref_slice %arg14[%mul3A_0] : memref<768xf32, #tpu.memory_space<vmem_shared>> -> memref<48xf32, #tpu.memory_space<vmem_shared>>
      %dma_start3A_268 = tpu.memref_slice %arg14[%mul3A_0] : memref<768xf32, #tpu.memory_space<vmem_shared>> -> memref<48xf32, #tpu.memory_space<vmem_shared>>
      tpu.enqueue_dma source(%arg11 : memref<48xf32, #tpu.memory_space<vmem>>) target(%dma_start3A_268 : memref<48xf32, #tpu.memory_space<vmem_shared>>) target_semaphore(%run_scoped3A : memref<!tpu.dma_semaphore, #tpu.memory_space<semaphore_mem>>)
      %dma_wait3A_269 = tpu.memref_slice %arg14[%mul3A_0] : memref<768xf32, #tpu.memory_space<vmem_shared>> -> memref<48xf32, #tpu.memory_space<vmem_shared>>
      %dma_wait3A_270 = tpu.memref_slice %arg14[%mul3A_0] : memref<768xf32, #tpu.memory_space<vmem_shared>> -> memref<48xf32, #tpu.memory_space<vmem_shared>>
      tpu.wait_dma2 semaphore(%run_scoped3A : memref<!tpu.dma_semaphore, #tpu.memory_space<semaphore_mem>>) src(%arg11 : memref<48xf32, #tpu.memory_space<vmem>>) dst(%dma_wait3A_270 : memref<48xf32, #tpu.memory_space<vmem_shared>>)
      tpu.yield
    }) : () -> ()
    %barrier3A = arith.constant 0 : index
    tpu.barrier barrier_id(%barrier3A)
    "tpu.region"() ({
      %run_scoped3A = tpu.sem_alloc : memref<!tpu.dma_semaphore, #tpu.memory_space<semaphore_mem>>
      tpu.enqueue_dma source(%arg14 : memref<768xf32, #tpu.memory_space<vmem_shared>>) target(%arg12 : memref<768xf32, #tpu.memory_space<vmem>>) target_semaphore(%run_scoped3A : memref<!tpu.dma_semaphore, #tpu.memory_space<semaphore_mem>>)
      tpu.wait_dma2 semaphore(%run_scoped3A : memref<!tpu.dma_semaphore, #tpu.memory_space<semaphore_mem>>) src(%arg14 : memref<768xf32, #tpu.memory_space<vmem_shared>>) dst(%arg12 : memref<768xf32, #tpu.memory_space<vmem>>)
      tpu.yield
    }) : () -> ()
    %broadcast_in_dim3A_151 = arith.constant 0.000000e+00 : f32
    %broadcast_in_dim3A_152 = vector.broadcast %broadcast_in_dim3A_151 : f32 to vector<16xf32>
    %get3A_153 = arith.constant 0 : index
    %get3A_154 = tpu.vector_load %arg7[%get3A_153] {strides = array<i32>} : memref<384xi32, #tpu.memory_space<vmem>>, vector<16xi32>,
    %gather3A = tpu.vector_load_idx %arg12[%get3A_154] : memref<768xf32, #tpu.memory_space<vmem>>[vector<16xi32>], vector<16xf32>,
    %add3A_155 = arith.addf %broadcast_in_dim3A_152, %gather3A : vector<16xf32>
    %get3A_156 = arith.constant 48 : index
    %get3A_157 = tpu.vector_load %arg7[%get3A_156] {strides = array<i32>} : memref<384xi32, #tpu.memory_space<vmem>>, vector<16xi32>,
    %gather3A_158 = tpu.vector_load_idx %arg12[%get3A_157] : memref<768xf32, #tpu.memory_space<vmem>>[vector<16xi32>], vector<16xf32>,
    %add3A_159 = arith.addf %add3A_155, %gather3A_158 : vector<16xf32>
    %get3A_160 = arith.constant 96 : index
    %get3A_161 = tpu.vector_load %arg7[%get3A_160] {strides = array<i32>} : memref<384xi32, #tpu.memory_space<vmem>>, vector<16xi32>,
    %gather3A_162 = tpu.vector_load_idx %arg12[%get3A_161] : memref<768xf32, #tpu.memory_space<vmem>>[vector<16xi32>], vector<16xf32>,
    %add3A_163 = arith.addf %add3A_159, %gather3A_162 : vector<16xf32>
    %get3A_164 = arith.constant 144 : index
    %get3A_165 = tpu.vector_load %arg7[%get3A_164] {strides = array<i32>} : memref<384xi32, #tpu.memory_space<vmem>>, vector<16xi32>,
    %gather3A_166 = tpu.vector_load_idx %arg12[%get3A_165] : memref<768xf32, #tpu.memory_space<vmem>>[vector<16xi32>], vector<16xf32>,
    %add3A_167 = arith.addf %add3A_163, %gather3A_166 : vector<16xf32>
    %get3A_168 = arith.constant 192 : index
    %get3A_169 = tpu.vector_load %arg7[%get3A_168] {strides = array<i32>} : memref<384xi32, #tpu.memory_space<vmem>>, vector<16xi32>,
    %gather3A_170 = tpu.vector_load_idx %arg12[%get3A_169] : memref<768xf32, #tpu.memory_space<vmem>>[vector<16xi32>], vector<16xf32>,
    %add3A_171 = arith.addf %add3A_167, %gather3A_170 : vector<16xf32>
    %get3A_172 = arith.constant 240 : index
    %get3A_173 = tpu.vector_load %arg7[%get3A_172] {strides = array<i32>} : memref<384xi32, #tpu.memory_space<vmem>>, vector<16xi32>,
    %gather3A_174 = tpu.vector_load_idx %arg12[%get3A_173] : memref<768xf32, #tpu.memory_space<vmem>>[vector<16xi32>], vector<16xf32>,
    %add3A_175 = arith.addf %add3A_171, %gather3A_174 : vector<16xf32>
    %get3A_176 = arith.constant 288 : index
    %get3A_177 = tpu.vector_load %arg7[%get3A_176] {strides = array<i32>} : memref<384xi32, #tpu.memory_space<vmem>>, vector<16xi32>,
    %gather3A_178 = tpu.vector_load_idx %arg12[%get3A_177] : memref<768xf32, #tpu.memory_space<vmem>>[vector<16xi32>], vector<16xf32>,
    %add3A_179 = arith.addf %add3A_175, %gather3A_178 : vector<16xf32>
    %get3A_180 = arith.constant 336 : index
    %get3A_181 = tpu.vector_load %arg7[%get3A_180] {strides = array<i32>} : memref<384xi32, #tpu.memory_space<vmem>>, vector<16xi32>,
    %gather3A_182 = tpu.vector_load_idx %arg12[%get3A_181] : memref<768xf32, #tpu.memory_space<vmem>>[vector<16xi32>], vector<16xf32>,
    %add3A_183 = arith.addf %add3A_179, %gather3A_182 : vector<16xf32>
    %mul3A_184 = arith.constant 1.250000e-01 : f32
    %mul3A_185 = vector.broadcast %mul3A_184 : f32 to vector<16xf32>
    %mul3A_186 = arith.mulf %add3A_183, %mul3A_185 : vector<16xf32>
    %swap3A_187 = arith.constant 0 : index
    %swap3A_188 = tpu.vector_load %arg13[%swap3A_187] {strides = array<i32>} : memref<48xf32, #tpu.memory_space<vmem>>, vector<16xf32>,
    tpu.vector_store %arg13[%swap3A_187], %mul3A_186 {strides = array<i32>} : memref<48xf32, #tpu.memory_space<vmem>>, vector<16xf32>,
    %broadcast_in_dim3A_189 = arith.constant 0.000000e+00 : f32
    %broadcast_in_dim3A_190 = vector.broadcast %broadcast_in_dim3A_189 : f32 to vector<16xf32>
    %get3A_191 = arith.constant 16 : index
    %get3A_192 = tpu.vector_load %arg7[%get3A_191] {strides = array<i32>} : memref<384xi32, #tpu.memory_space<vmem>>, vector<16xi32>,
    %gather3A_193 = tpu.vector_load_idx %arg12[%get3A_192] : memref<768xf32, #tpu.memory_space<vmem>>[vector<16xi32>], vector<16xf32>,
    %add3A_194 = arith.addf %broadcast_in_dim3A_190, %gather3A_193 : vector<16xf32>
    %get3A_195 = arith.constant 64 : index
    %get3A_196 = tpu.vector_load %arg7[%get3A_195] {strides = array<i32>} : memref<384xi32, #tpu.memory_space<vmem>>, vector<16xi32>,
    %gather3A_197 = tpu.vector_load_idx %arg12[%get3A_196] : memref<768xf32, #tpu.memory_space<vmem>>[vector<16xi32>], vector<16xf32>,
    %add3A_198 = arith.addf %add3A_194, %gather3A_197 : vector<16xf32>
    %get3A_199 = arith.constant 112 : index
    %get3A_200 = tpu.vector_load %arg7[%get3A_199] {strides = array<i32>} : memref<384xi32, #tpu.memory_space<vmem>>, vector<16xi32>,
    %gather3A_201 = tpu.vector_load_idx %arg12[%get3A_200] : memref<768xf32, #tpu.memory_space<vmem>>[vector<16xi32>], vector<16xf32>,
    %add3A_202 = arith.addf %add3A_198, %gather3A_201 : vector<16xf32>
    %get3A_203 = arith.constant 160 : index
    %get3A_204 = tpu.vector_load %arg7[%get3A_203] {strides = array<i32>} : memref<384xi32, #tpu.memory_space<vmem>>, vector<16xi32>,
    %gather3A_205 = tpu.vector_load_idx %arg12[%get3A_204] : memref<768xf32, #tpu.memory_space<vmem>>[vector<16xi32>], vector<16xf32>,
    %add3A_206 = arith.addf %add3A_202, %gather3A_205 : vector<16xf32>
    %get3A_207 = arith.constant 208 : index
    %get3A_208 = tpu.vector_load %arg7[%get3A_207] {strides = array<i32>} : memref<384xi32, #tpu.memory_space<vmem>>, vector<16xi32>,
    %gather3A_209 = tpu.vector_load_idx %arg12[%get3A_208] : memref<768xf32, #tpu.memory_space<vmem>>[vector<16xi32>], vector<16xf32>,
    %add3A_210 = arith.addf %add3A_206, %gather3A_209 : vector<16xf32>
    %get3A_211 = arith.constant 256 : index
    %get3A_212 = tpu.vector_load %arg7[%get3A_211] {strides = array<i32>} : memref<384xi32, #tpu.memory_space<vmem>>, vector<16xi32>,
    %gather3A_213 = tpu.vector_load_idx %arg12[%get3A_212] : memref<768xf32, #tpu.memory_space<vmem>>[vector<16xi32>], vector<16xf32>,
    %add3A_214 = arith.addf %add3A_210, %gather3A_213 : vector<16xf32>
    %get3A_215 = arith.constant 304 : index
    %get3A_216 = tpu.vector_load %arg7[%get3A_215] {strides = array<i32>} : memref<384xi32, #tpu.memory_space<vmem>>, vector<16xi32>,
    %gather3A_217 = tpu.vector_load_idx %arg12[%get3A_216] : memref<768xf32, #tpu.memory_space<vmem>>[vector<16xi32>], vector<16xf32>,
    %add3A_218 = arith.addf %add3A_214, %gather3A_217 : vector<16xf32>
    %get3A_219 = arith.constant 352 : index
    %get3A_220 = tpu.vector_load %arg7[%get3A_219] {strides = array<i32>} : memref<384xi32, #tpu.memory_space<vmem>>, vector<16xi32>,
    %gather3A_221 = tpu.vector_load_idx %arg12[%get3A_220] : memref<768xf32, #tpu.memory_space<vmem>>[vector<16xi32>], vector<16xf32>,
    %add3A_222 = arith.addf %add3A_218, %gather3A_221 : vector<16xf32>
    %mul3A_223 = arith.constant 1.250000e-01 : f32
    %mul3A_224 = vector.broadcast %mul3A_223 : f32 to vector<16xf32>
    %mul3A_225 = arith.mulf %add3A_222, %mul3A_224 : vector<16xf32>
    %swap3A_226 = arith.constant 16 : index
    %swap3A_227 = tpu.vector_load %arg13[%swap3A_226] {strides = array<i32>} : memref<48xf32, #tpu.memory_space<vmem>>, vector<16xf32>,
    tpu.vector_store %arg13[%swap3A_226], %mul3A_225 {strides = array<i32>} : memref<48xf32, #tpu.memory_space<vmem>>, vector<16xf32>,
    %broadcast_in_dim3A_228 = arith.constant 0.000000e+00 : f32
    %broadcast_in_dim3A_229 = vector.broadcast %broadcast_in_dim3A_228 : f32 to vector<16xf32>
    %get3A_230 = arith.constant 32 : index
    %get3A_231 = tpu.vector_load %arg7[%get3A_230] {strides = array<i32>} : memref<384xi32, #tpu.memory_space<vmem>>, vector<16xi32>,
    %gather3A_232 = tpu.vector_load_idx %arg12[%get3A_231] : memref<768xf32, #tpu.memory_space<vmem>>[vector<16xi32>], vector<16xf32>,
    %add3A_233 = arith.addf %broadcast_in_dim3A_229, %gather3A_232 : vector<16xf32>
    %get3A_234 = arith.constant 80 : index
    %get3A_235 = tpu.vector_load %arg7[%get3A_234] {strides = array<i32>} : memref<384xi32, #tpu.memory_space<vmem>>, vector<16xi32>,
    %gather3A_236 = tpu.vector_load_idx %arg12[%get3A_235] : memref<768xf32, #tpu.memory_space<vmem>>[vector<16xi32>], vector<16xf32>,
    %add3A_237 = arith.addf %add3A_233, %gather3A_236 : vector<16xf32>
    %get3A_238 = arith.constant 128 : index
    %get3A_239 = tpu.vector_load %arg7[%get3A_238] {strides = array<i32>} : memref<384xi32, #tpu.memory_space<vmem>>, vector<16xi32>,
    %gather3A_240 = tpu.vector_load_idx %arg12[%get3A_239] : memref<768xf32, #tpu.memory_space<vmem>>[vector<16xi32>], vector<16xf32>,
    %add3A_241 = arith.addf %add3A_237, %gather3A_240 : vector<16xf32>
    %get3A_242 = arith.constant 176 : index
    %get3A_243 = tpu.vector_load %arg7[%get3A_242] {strides = array<i32>} : memref<384xi32, #tpu.memory_space<vmem>>, vector<16xi32>,
    %gather3A_244 = tpu.vector_load_idx %arg12[%get3A_243] : memref<768xf32, #tpu.memory_space<vmem>>[vector<16xi32>], vector<16xf32>,
    %add3A_245 = arith.addf %add3A_241, %gather3A_244 : vector<16xf32>
    %get3A_246 = arith.constant 224 : index
    %get3A_247 = tpu.vector_load %arg7[%get3A_246] {strides = array<i32>} : memref<384xi32, #tpu.memory_space<vmem>>, vector<16xi32>,
    %gather3A_248 = tpu.vector_load_idx %arg12[%get3A_247] : memref<768xf32, #tpu.memory_space<vmem>>[vector<16xi32>], vector<16xf32>,
    %add3A_249 = arith.addf %add3A_245, %gather3A_248 : vector<16xf32>
    %get3A_250 = arith.constant 272 : index
    %get3A_251 = tpu.vector_load %arg7[%get3A_250] {strides = array<i32>} : memref<384xi32, #tpu.memory_space<vmem>>, vector<16xi32>,
    %gather3A_252 = tpu.vector_load_idx %arg12[%get3A_251] : memref<768xf32, #tpu.memory_space<vmem>>[vector<16xi32>], vector<16xf32>,
    %add3A_253 = arith.addf %add3A_249, %gather3A_252 : vector<16xf32>
    %get3A_254 = arith.constant 320 : index
    %get3A_255 = tpu.vector_load %arg7[%get3A_254] {strides = array<i32>} : memref<384xi32, #tpu.memory_space<vmem>>, vector<16xi32>,
    %gather3A_256 = tpu.vector_load_idx %arg12[%get3A_255] : memref<768xf32, #tpu.memory_space<vmem>>[vector<16xi32>], vector<16xf32>,
    %add3A_257 = arith.addf %add3A_253, %gather3A_256 : vector<16xf32>
    %get3A_258 = arith.constant 368 : index
    %get3A_259 = tpu.vector_load %arg7[%get3A_258] {strides = array<i32>} : memref<384xi32, #tpu.memory_space<vmem>>, vector<16xi32>,
    %gather3A_260 = tpu.vector_load_idx %arg12[%get3A_259] : memref<768xf32, #tpu.memory_space<vmem>>[vector<16xi32>], vector<16xf32>,
    %add3A_261 = arith.addf %add3A_257, %gather3A_260 : vector<16xf32>
    %mul3A_262 = arith.constant 1.250000e-01 : f32
    %mul3A_263 = vector.broadcast %mul3A_262 : f32 to vector<16xf32>
    %mul3A_264 = arith.mulf %add3A_261, %mul3A_263 : vector<16xf32>
    %swap3A_265 = arith.constant 32 : index
    %swap3A_266 = tpu.vector_load %arg13[%swap3A_265] {strides = array<i32>} : memref<48xf32, #tpu.memory_space<vmem>>, vector<16xf32>,
    tpu.vector_store %arg13[%swap3A_265], %mul3A_264 {strides = array<i32>} : memref<48xf32, #tpu.memory_space<vmem>>, vector<16xf32>,
    "tpu.region"() ({
      %run_scoped3A = tpu.sem_alloc : memref<!tpu.dma_semaphore, #tpu.memory_space<semaphore_mem>>
      %dma_start3A_267 = tpu.memref_slice %arg6[%mul3A_0] : memref<768xf32, #tpu.memory_space<hbm>> -> memref<48xf32, #tpu.memory_space<hbm>>
      %dma_start3A_268 = tpu.memref_slice %arg6[%mul3A_0] : memref<768xf32, #tpu.memory_space<hbm>> -> memref<48xf32, #tpu.memory_space<hbm>>
      tpu.enqueue_dma source(%arg13 : memref<48xf32, #tpu.memory_space<vmem>>) target(%dma_start3A_268 : memref<48xf32, #tpu.memory_space<hbm>>) target_semaphore(%run_scoped3A : memref<!tpu.dma_semaphore, #tpu.memory_space<semaphore_mem>>)
      %dma_wait3A_269 = tpu.memref_slice %arg6[%mul3A_0] : memref<768xf32, #tpu.memory_space<hbm>> -> memref<48xf32, #tpu.memory_space<hbm>>
      %dma_wait3A_270 = tpu.memref_slice %arg6[%mul3A_0] : memref<768xf32, #tpu.memory_space<hbm>> -> memref<48xf32, #tpu.memory_space<hbm>>
      tpu.wait_dma2 semaphore(%run_scoped3A : memref<!tpu.dma_semaphore, #tpu.memory_space<semaphore_mem>>) src(%arg13 : memref<48xf32, #tpu.memory_space<vmem>>) dst(%dma_wait3A_270 : memref<48xf32, #tpu.memory_space<hbm>>)
      tpu.yield
    }) : () -> ()
    return
  }
}

module attributes {stable_mosaic.version = 14 : i64} {
  func.func @_dense_body(%arg0: memref<768x128xf32, #tpu.memory_space<vmem>>, %arg1: memref<128x128xf32, #tpu.memory_space<vmem>>, %arg2: memref<128xf32, #tpu.memory_space<vmem>>, %arg3: memref<128x128xf32, #tpu.memory_space<vmem>>, %arg4: memref<128xf32, #tpu.memory_space<vmem>>, %arg5: memref<128x128xf32, #tpu.memory_space<vmem>>, %arg6: memref<128xf32, #tpu.memory_space<vmem>>, %arg7: memref<128x128xf32, #tpu.memory_space<vmem>>, %arg8: memref<128xf32, #tpu.memory_space<vmem>>, %arg9: memref<128x128xf32, #tpu.memory_space<vmem>>, %arg10: memref<128xf32, #tpu.memory_space<vmem>>, %arg11: memref<128x1xf32, #tpu.memory_space<vmem>>, %arg12: memref<1xf32, #tpu.memory_space<vmem>>, %arg13: memref<768x128xf32, #tpu.memory_space<vmem>>, %arg14: memref<6144xi32, #tpu.memory_space<vmem>>, %arg15: memref<128xf32, #tpu.memory_space<vmem>>, %arg16: memref<16xf32, #tpu.memory_space<vmem>>) attributes {dimension_semantics = [], scalar_prefetch = 0 : i64, scratch_operands = 0 : i64, tpu.core_type = #tpu.core_type<tc>} {
    %get3A = arith.constant 0 : index
    %get3A_0 = arith.constant 0 : index
    %get3A_1 = vector.load %arg0[%get3A, %get3A_0] : memref<768x128xf32, #tpu.memory_space<vmem>>, vector<768x128xf32>
    %get3A_2 = arith.constant 0 : index
    %get3A_3 = arith.constant 0 : index
    %get3A_4 = vector.load %arg1[%get3A_2, %get3A_3] : memref<128x128xf32, #tpu.memory_space<vmem>>, vector<128x128xf32>
    %dot_general3A = arith.constant dense<0.000000e+00> : vector<768x128xf32>
    %dot_general3A_5 = tpu.matmul %get3A_1, %get3A_4, %dot_general3A {dimension_numbers = #tpu.dot_dimension_numbers<[1], [0], [0], [1], [0, 0, 1, 1], [], []>, transpose_lhs_hint = false} : vector<768x128xf32>, vector<128x128xf32>, vector<768x128xf32> -> vector<768x128xf32>
    %get3A_6 = arith.constant 0 : index
    %get3A_7 = vector.load %arg2[%get3A_6] : memref<128xf32, #tpu.memory_space<vmem>>, vector<128xf32>
    %broadcast_in_dim3A = vector.shape_cast %get3A_7 : vector<128xf32> to vector<1x128xf32>
    %add3A = vector.broadcast %broadcast_in_dim3A : vector<1x128xf32> to vector<768x128xf32>
    %add3A_8 = arith.addf %dot_general3A_5, %add3A : vector<768x128xf32>
    %get3A_9 = arith.constant 0 : index
    %get3A_10 = arith.constant 0 : index
    %get3A_11 = vector.load %arg3[%get3A_9, %get3A_10] : memref<128x128xf32, #tpu.memory_space<vmem>>, vector<128x128xf32>
    %dot_general3A_12 = arith.constant dense<0.000000e+00> : vector<768x128xf32>
    %dot_general3A_13 = tpu.matmul %get3A_1, %get3A_11, %dot_general3A_12 {dimension_numbers = #tpu.dot_dimension_numbers<[1], [0], [0], [1], [0, 0, 1, 1], [], []>, transpose_lhs_hint = false} : vector<768x128xf32>, vector<128x128xf32>, vector<768x128xf32> -> vector<768x128xf32>
    %get3A_14 = arith.constant 0 : index
    %get3A_15 = vector.load %arg4[%get3A_14] : memref<128xf32, #tpu.memory_space<vmem>>, vector<128xf32>
    %broadcast_in_dim3A_16 = vector.shape_cast %get3A_15 : vector<128xf32> to vector<1x128xf32>
    %add3A_17 = vector.broadcast %broadcast_in_dim3A_16 : vector<1x128xf32> to vector<768x128xf32>
    %add3A_18 = arith.addf %dot_general3A_13, %add3A_17 : vector<768x128xf32>
    %get3A_19 = arith.constant 0 : index
    %get3A_20 = arith.constant 0 : index
    %get3A_21 = vector.load %arg5[%get3A_19, %get3A_20] : memref<128x128xf32, #tpu.memory_space<vmem>>, vector<128x128xf32>
    %dot_general3A_22 = arith.constant dense<0.000000e+00> : vector<768x128xf32>
    %dot_general3A_23 = tpu.matmul %get3A_1, %get3A_21, %dot_general3A_22 {dimension_numbers = #tpu.dot_dimension_numbers<[1], [0], [0], [1], [0, 0, 1, 1], [], []>, transpose_lhs_hint = false} : vector<768x128xf32>, vector<128x128xf32>, vector<768x128xf32> -> vector<768x128xf32>
    %get3A_24 = arith.constant 0 : index
    %get3A_25 = vector.load %arg6[%get3A_24] : memref<128xf32, #tpu.memory_space<vmem>>, vector<128xf32>
    %broadcast_in_dim3A_26 = vector.shape_cast %get3A_25 : vector<128xf32> to vector<1x128xf32>
    %add3A_27 = vector.broadcast %broadcast_in_dim3A_26 : vector<1x128xf32> to vector<768x128xf32>
    %add3A_28 = arith.addf %dot_general3A_23, %add3A_27 : vector<768x128xf32>
    %dot_general3A_29 = arith.constant dense<0.000000e+00> : vector<768x768xf32>
    %dot_general3A_30 = tpu.matmul %add3A_8, %add3A_18, %dot_general3A_29 {dimension_numbers = #tpu.dot_dimension_numbers<[1], [1], [0], [0], [0, 0, 1, 0], [], []>, transpose_lhs_hint = false} : vector<768x128xf32>, vector<768x128xf32>, vector<768x768xf32> -> vector<768x768xf32>
    %sqrt3A = arith.constant 1.280000e+02 : f32
    %sqrt3A_31 = math.sqrt %sqrt3A : f32
    %div3A = vector.broadcast %sqrt3A_31 : f32 to vector<768x768xf32>
    %div3A_32 = arith.divf %dot_general3A_30, %div3A : vector<768x768xf32>
    %iota3A = tpu.iota {dimensions = array<i32: 0>} : vector<768x768xi32>
    %iota3A_33 = tpu.iota {dimensions = array<i32: 1>} : vector<768x768xi32>
    %eq3A = arith.cmpi eq, %iota3A, %iota3A_33 : vector<768x768xi32>
    %jit3A = arith.constant -1.000000e+30 : f32
    %broadcast_in_dim3A_34 = vector.broadcast %jit3A : f32 to vector<768x768xf32>
    %select_n3A = arith.select %eq3A, %broadcast_in_dim3A_34, %div3A_32 : vector<768x768xi1>, vector<768x768xf32>
    %reduce_max3A = arith.constant dense<0xFF800000> : vector<768xf32>
    %reduce_max3A_35 = vector.multi_reduction <maximumf>, %select_n3A, %reduce_max3A [1] : vector<768x768xf32> to vector<768xf32>
    %broadcast_in_dim3A_36 = vector.shape_cast %reduce_max3A_35 : vector<768xf32> to vector<768x1xf32>
    %sub3A = vector.broadcast %broadcast_in_dim3A_36 : vector<768x1xf32> to vector<768x768xf32>
    %sub3A_37 = arith.subf %select_n3A, %sub3A : vector<768x768xf32>
    %exp3A = math.exp %sub3A_37 : vector<768x768xf32>
    %dot_general3A_38 = arith.constant dense<0.000000e+00> : vector<768x128xf32>
    %dot_general3A_39 = tpu.matmul %exp3A, %add3A_28, %dot_general3A_38 {dimension_numbers = #tpu.dot_dimension_numbers<[1], [0], [0], [1], [0, 0, 1, 1], [], []>, transpose_lhs_hint = false} : vector<768x768xf32>, vector<768x128xf32>, vector<768x128xf32> -> vector<768x128xf32>
    %reduce_sum3A = arith.constant dense<0.000000e+00> : vector<768xf32>
    %reduce_sum3A_40 = vector.multi_reduction <add>, %exp3A, %reduce_sum3A [1] : vector<768x768xf32> to vector<768xf32>
    %broadcast_in_dim3A_41 = vector.shape_cast %reduce_sum3A_40 : vector<768xf32> to vector<768x1xf32>
    %div3A_42 = vector.broadcast %broadcast_in_dim3A_41 : vector<768x1xf32> to vector<768x128xf32>
    %div3A_43 = arith.divf %dot_general3A_39, %div3A_42 : vector<768x128xf32>
    %get3A_44 = arith.constant 0 : index
    %get3A_45 = arith.constant 0 : index
    %get3A_46 = vector.load %arg7[%get3A_44, %get3A_45] : memref<128x128xf32, #tpu.memory_space<vmem>>, vector<128x128xf32>
    %dot_general3A_47 = arith.constant dense<0.000000e+00> : vector<768x128xf32>
    %dot_general3A_48 = tpu.matmul %get3A_1, %get3A_46, %dot_general3A_47 {dimension_numbers = #tpu.dot_dimension_numbers<[1], [0], [0], [1], [0, 0, 1, 1], [], []>, transpose_lhs_hint = false} : vector<768x128xf32>, vector<128x128xf32>, vector<768x128xf32> -> vector<768x128xf32>
    %get3A_49 = arith.constant 0 : index
    %get3A_50 = vector.load %arg8[%get3A_49] : memref<128xf32, #tpu.memory_space<vmem>>, vector<128xf32>
    %broadcast_in_dim3A_51 = vector.shape_cast %get3A_50 : vector<128xf32> to vector<1x128xf32>
    %add3A_52 = vector.broadcast %broadcast_in_dim3A_51 : vector<1x128xf32> to vector<768x128xf32>
    %add3A_53 = arith.addf %dot_general3A_48, %add3A_52 : vector<768x128xf32>
    %add3A_54 = arith.addf %div3A_43, %add3A_53 : vector<768x128xf32>
    %mul3A = arith.mulf %add3A_54, %add3A_54 : vector<768x128xf32>
    %reduce_sum3A_55 = arith.constant dense<0.000000e+00> : vector<768xf32>
    %reduce_sum3A_56 = vector.multi_reduction <add>, %mul3A, %reduce_sum3A_55 [1] : vector<768x128xf32> to vector<768xf32>
    %broadcast_in_dim3A_57 = vector.shape_cast %reduce_sum3A_56 : vector<768xf32> to vector<768x1xf32>
    %transpose3A = tpu.transpose %broadcast_in_dim3A_57, [1, 0] : vector<768x1xf32> -> vector<1x768xf32>
    %dot_general3A_58 = arith.constant dense<0.000000e+00> : vector<768x768xf32>
    %dot_general3A_59 = tpu.matmul %add3A_54, %add3A_54, %dot_general3A_58 {dimension_numbers = #tpu.dot_dimension_numbers<[1], [1], [0], [0], [0, 0, 1, 0], [], []>, transpose_lhs_hint = false} : vector<768x128xf32>, vector<768x128xf32>, vector<768x768xf32> -> vector<768x768xf32>
    %add3A_60 = vector.broadcast %broadcast_in_dim3A_57 : vector<768x1xf32> to vector<768x768xf32>
    %add3A_61 = vector.broadcast %transpose3A : vector<1x768xf32> to vector<768x768xf32>
    %add3A_62 = arith.addf %add3A_60, %add3A_61 : vector<768x768xf32>
    %mul3A_63 = arith.constant 2.000000e+00 : f32
    %mul3A_64 = vector.broadcast %mul3A_63 : f32 to vector<768x768xf32>
    %mul3A_65 = arith.mulf %mul3A_64, %dot_general3A_59 : vector<768x768xf32>
    %sub3A_66 = arith.subf %add3A_62, %mul3A_65 : vector<768x768xf32>
    %jit3A_67 = arith.constant 0x7F800000 : f32
    %broadcast_in_dim3A_68 = vector.broadcast %jit3A_67 : f32 to vector<768x768xf32>
    %select_n3A_69 = arith.select %eq3A, %broadcast_in_dim3A_68, %sub3A_66 : vector<768x768xi1>, vector<768x768xf32>
    %reduce_min3A = arith.constant dense<0x7F800000> : vector<768xf32>
    %reduce_min3A_70 = vector.multi_reduction <minimumf>, %select_n3A_69, %reduce_min3A [1] : vector<768x768xf32> to vector<768xf32>
    %broadcast_in_dim3A_71 = vector.shape_cast %reduce_min3A_70 : vector<768xf32> to vector<768x1xf32>
    %eq3A_72 = vector.broadcast %broadcast_in_dim3A_71 : vector<768x1xf32> to vector<768x768xf32>
    %eq3A_73 = arith.cmpf oeq, %select_n3A_69, %eq3A_72 : vector<768x768xf32>
    %jit3A_74 = arith.constant 1073741824 : i32
    %broadcast_in_dim3A_75 = vector.broadcast %jit3A_74 : i32 to vector<768x768xi32>
    %select_n3A_76 = arith.select %eq3A_73, %iota3A_33, %broadcast_in_dim3A_75 : vector<768x768xi1>, vector<768x768xi32>
    %reduce_min3A_77 = arith.constant dense<2147483647> : vector<768xi32>
    %reduce_min3A_78 = vector.multi_reduction <minsi>, %select_n3A_76, %reduce_min3A_77 [1] : vector<768x768xi32> to vector<768xi32>
    %broadcast_in_dim3A_79 = vector.shape_cast %reduce_min3A_78 : vector<768xi32> to vector<768x1xi32>
    %eq3A_80 = vector.broadcast %broadcast_in_dim3A_79 : vector<768x1xi32> to vector<768x768xi32>
    %eq3A_81 = arith.cmpi eq, %iota3A_33, %eq3A_80 : vector<768x768xi32>
    %jit3A_82 = arith.constant 0x7F800000 : f32
    %broadcast_in_dim3A_83 = vector.broadcast %jit3A_82 : f32 to vector<768x768xf32>
    %select_n3A_84 = arith.select %eq3A_81, %broadcast_in_dim3A_83, %select_n3A_69 : vector<768x768xi1>, vector<768x768xf32>
    %transpose3A_85 = tpu.transpose %broadcast_in_dim3A_79, [1, 0] : vector<768x1xi32> -> vector<1x768xi32>
    %squeeze3A = vector.shape_cast %transpose3A_85 : vector<1x768xi32> to vector<768xi32>
    %swap3A = arith.constant 0 : index
    %swap3A_86 = vector.load %arg14[%swap3A] : memref<6144xi32, #tpu.memory_space<vmem>>, vector<768xi32>
    tpu.vector_store %arg14[%swap3A], %squeeze3A {strides = array<i32>} : memref<6144xi32, #tpu.memory_space<vmem>>, vector<768xi32>,
    %reduce_min3A_87 = arith.constant dense<0x7F800000> : vector<768xf32>
    %reduce_min3A_88 = vector.multi_reduction <minimumf>, %select_n3A_84, %reduce_min3A_87 [1] : vector<768x768xf32> to vector<768xf32>
    %broadcast_in_dim3A_89 = vector.shape_cast %reduce_min3A_88 : vector<768xf32> to vector<768x1xf32>
    %eq3A_90 = vector.broadcast %broadcast_in_dim3A_89 : vector<768x1xf32> to vector<768x768xf32>
    %eq3A_91 = arith.cmpf oeq, %select_n3A_84, %eq3A_90 : vector<768x768xf32>
    %jit3A_92 = arith.constant 1073741824 : i32
    %broadcast_in_dim3A_93 = vector.broadcast %jit3A_92 : i32 to vector<768x768xi32>
    %select_n3A_94 = arith.select %eq3A_91, %iota3A_33, %broadcast_in_dim3A_93 : vector<768x768xi1>, vector<768x768xi32>
    %reduce_min3A_95 = arith.constant dense<2147483647> : vector<768xi32>
    %reduce_min3A_96 = vector.multi_reduction <minsi>, %select_n3A_94, %reduce_min3A_95 [1] : vector<768x768xi32> to vector<768xi32>
    %broadcast_in_dim3A_97 = vector.shape_cast %reduce_min3A_96 : vector<768xi32> to vector<768x1xi32>
    %eq3A_98 = vector.broadcast %broadcast_in_dim3A_97 : vector<768x1xi32> to vector<768x768xi32>
    %eq3A_99 = arith.cmpi eq, %iota3A_33, %eq3A_98 : vector<768x768xi32>
    %jit3A_100 = arith.constant 0x7F800000 : f32
    %broadcast_in_dim3A_101 = vector.broadcast %jit3A_100 : f32 to vector<768x768xf32>
    %select_n3A_102 = arith.select %eq3A_99, %broadcast_in_dim3A_101, %select_n3A_84 : vector<768x768xi1>, vector<768x768xf32>
    %transpose3A_103 = tpu.transpose %broadcast_in_dim3A_97, [1, 0] : vector<768x1xi32> -> vector<1x768xi32>
    %squeeze3A_104 = vector.shape_cast %transpose3A_103 : vector<1x768xi32> to vector<768xi32>
    %swap3A_105 = arith.constant 768 : index
    %swap3A_106 = vector.load %arg14[%swap3A_105] : memref<6144xi32, #tpu.memory_space<vmem>>, vector<768xi32>
    tpu.vector_store %arg14[%swap3A_105], %squeeze3A_104 {strides = array<i32>} : memref<6144xi32, #tpu.memory_space<vmem>>, vector<768xi32>,
    %reduce_min3A_107 = arith.constant dense<0x7F800000> : vector<768xf32>
    %reduce_min3A_108 = vector.multi_reduction <minimumf>, %select_n3A_102, %reduce_min3A_107 [1] : vector<768x768xf32> to vector<768xf32>
    %broadcast_in_dim3A_109 = vector.shape_cast %reduce_min3A_108 : vector<768xf32> to vector<768x1xf32>
    %eq3A_110 = vector.broadcast %broadcast_in_dim3A_109 : vector<768x1xf32> to vector<768x768xf32>
    %eq3A_111 = arith.cmpf oeq, %select_n3A_102, %eq3A_110 : vector<768x768xf32>
    %jit3A_112 = arith.constant 1073741824 : i32
    %broadcast_in_dim3A_113 = vector.broadcast %jit3A_112 : i32 to vector<768x768xi32>
    %select_n3A_114 = arith.select %eq3A_111, %iota3A_33, %broadcast_in_dim3A_113 : vector<768x768xi1>, vector<768x768xi32>
    %reduce_min3A_115 = arith.constant dense<2147483647> : vector<768xi32>
    %reduce_min3A_116 = vector.multi_reduction <minsi>, %select_n3A_114, %reduce_min3A_115 [1] : vector<768x768xi32> to vector<768xi32>
    %broadcast_in_dim3A_117 = vector.shape_cast %reduce_min3A_116 : vector<768xi32> to vector<768x1xi32>
    %eq3A_118 = vector.broadcast %broadcast_in_dim3A_117 : vector<768x1xi32> to vector<768x768xi32>
    %eq3A_119 = arith.cmpi eq, %iota3A_33, %eq3A_118 : vector<768x768xi32>
    %jit3A_120 = arith.constant 0x7F800000 : f32
    %broadcast_in_dim3A_121 = vector.broadcast %jit3A_120 : f32 to vector<768x768xf32>
    %select_n3A_122 = arith.select %eq3A_119, %broadcast_in_dim3A_121, %select_n3A_102 : vector<768x768xi1>, vector<768x768xf32>
    %transpose3A_123 = tpu.transpose %broadcast_in_dim3A_117, [1, 0] : vector<768x1xi32> -> vector<1x768xi32>
    %squeeze3A_124 = vector.shape_cast %transpose3A_123 : vector<1x768xi32> to vector<768xi32>
    %swap3A_125 = arith.constant 1536 : index
    %swap3A_126 = vector.load %arg14[%swap3A_125] : memref<6144xi32, #tpu.memory_space<vmem>>, vector<768xi32>
    tpu.vector_store %arg14[%swap3A_125], %squeeze3A_124 {strides = array<i32>} : memref<6144xi32, #tpu.memory_space<vmem>>, vector<768xi32>,
    %reduce_min3A_127 = arith.constant dense<0x7F800000> : vector<768xf32>
    %reduce_min3A_128 = vector.multi_reduction <minimumf>, %select_n3A_122, %reduce_min3A_127 [1] : vector<768x768xf32> to vector<768xf32>
    %broadcast_in_dim3A_129 = vector.shape_cast %reduce_min3A_128 : vector<768xf32> to vector<768x1xf32>
    %eq3A_130 = vector.broadcast %broadcast_in_dim3A_129 : vector<768x1xf32> to vector<768x768xf32>
    %eq3A_131 = arith.cmpf oeq, %select_n3A_122, %eq3A_130 : vector<768x768xf32>
    %jit3A_132 = arith.constant 1073741824 : i32
    %broadcast_in_dim3A_133 = vector.broadcast %jit3A_132 : i32 to vector<768x768xi32>
    %select_n3A_134 = arith.select %eq3A_131, %iota3A_33, %broadcast_in_dim3A_133 : vector<768x768xi1>, vector<768x768xi32>
    %reduce_min3A_135 = arith.constant dense<2147483647> : vector<768xi32>
    %reduce_min3A_136 = vector.multi_reduction <minsi>, %select_n3A_134, %reduce_min3A_135 [1] : vector<768x768xi32> to vector<768xi32>
    %broadcast_in_dim3A_137 = vector.shape_cast %reduce_min3A_136 : vector<768xi32> to vector<768x1xi32>
    %eq3A_138 = vector.broadcast %broadcast_in_dim3A_137 : vector<768x1xi32> to vector<768x768xi32>
    %eq3A_139 = arith.cmpi eq, %iota3A_33, %eq3A_138 : vector<768x768xi32>
    %jit3A_140 = arith.constant 0x7F800000 : f32
    %broadcast_in_dim3A_141 = vector.broadcast %jit3A_140 : f32 to vector<768x768xf32>
    %select_n3A_142 = arith.select %eq3A_139, %broadcast_in_dim3A_141, %select_n3A_122 : vector<768x768xi1>, vector<768x768xf32>
    %transpose3A_143 = tpu.transpose %broadcast_in_dim3A_137, [1, 0] : vector<768x1xi32> -> vector<1x768xi32>
    %squeeze3A_144 = vector.shape_cast %transpose3A_143 : vector<1x768xi32> to vector<768xi32>
    %swap3A_145 = arith.constant 2304 : index
    %swap3A_146 = vector.load %arg14[%swap3A_145] : memref<6144xi32, #tpu.memory_space<vmem>>, vector<768xi32>
    tpu.vector_store %arg14[%swap3A_145], %squeeze3A_144 {strides = array<i32>} : memref<6144xi32, #tpu.memory_space<vmem>>, vector<768xi32>,
    %reduce_min3A_147 = arith.constant dense<0x7F800000> : vector<768xf32>
    %reduce_min3A_148 = vector.multi_reduction <minimumf>, %select_n3A_142, %reduce_min3A_147 [1] : vector<768x768xf32> to vector<768xf32>
    %broadcast_in_dim3A_149 = vector.shape_cast %reduce_min3A_148 : vector<768xf32> to vector<768x1xf32>
    %eq3A_150 = vector.broadcast %broadcast_in_dim3A_149 : vector<768x1xf32> to vector<768x768xf32>
    %eq3A_151 = arith.cmpf oeq, %select_n3A_142, %eq3A_150 : vector<768x768xf32>
    %jit3A_152 = arith.constant 1073741824 : i32
    %broadcast_in_dim3A_153 = vector.broadcast %jit3A_152 : i32 to vector<768x768xi32>
    %select_n3A_154 = arith.select %eq3A_151, %iota3A_33, %broadcast_in_dim3A_153 : vector<768x768xi1>, vector<768x768xi32>
    %reduce_min3A_155 = arith.constant dense<2147483647> : vector<768xi32>
    %reduce_min3A_156 = vector.multi_reduction <minsi>, %select_n3A_154, %reduce_min3A_155 [1] : vector<768x768xi32> to vector<768xi32>
    %broadcast_in_dim3A_157 = vector.shape_cast %reduce_min3A_156 : vector<768xi32> to vector<768x1xi32>
    %eq3A_158 = vector.broadcast %broadcast_in_dim3A_157 : vector<768x1xi32> to vector<768x768xi32>
    %eq3A_159 = arith.cmpi eq, %iota3A_33, %eq3A_158 : vector<768x768xi32>
    %jit3A_160 = arith.constant 0x7F800000 : f32
    %broadcast_in_dim3A_161 = vector.broadcast %jit3A_160 : f32 to vector<768x768xf32>
    %select_n3A_162 = arith.select %eq3A_159, %broadcast_in_dim3A_161, %select_n3A_142 : vector<768x768xi1>, vector<768x768xf32>
    %transpose3A_163 = tpu.transpose %broadcast_in_dim3A_157, [1, 0] : vector<768x1xi32> -> vector<1x768xi32>
    %squeeze3A_164 = vector.shape_cast %transpose3A_163 : vector<1x768xi32> to vector<768xi32>
    %swap3A_165 = arith.constant 3072 : index
    %swap3A_166 = vector.load %arg14[%swap3A_165] : memref<6144xi32, #tpu.memory_space<vmem>>, vector<768xi32>
    tpu.vector_store %arg14[%swap3A_165], %squeeze3A_164 {strides = array<i32>} : memref<6144xi32, #tpu.memory_space<vmem>>, vector<768xi32>,
    %reduce_min3A_167 = arith.constant dense<0x7F800000> : vector<768xf32>
    %reduce_min3A_168 = vector.multi_reduction <minimumf>, %select_n3A_162, %reduce_min3A_167 [1] : vector<768x768xf32> to vector<768xf32>
    %broadcast_in_dim3A_169 = vector.shape_cast %reduce_min3A_168 : vector<768xf32> to vector<768x1xf32>
    %eq3A_170 = vector.broadcast %broadcast_in_dim3A_169 : vector<768x1xf32> to vector<768x768xf32>
    %eq3A_171 = arith.cmpf oeq, %select_n3A_162, %eq3A_170 : vector<768x768xf32>
    %jit3A_172 = arith.constant 1073741824 : i32
    %broadcast_in_dim3A_173 = vector.broadcast %jit3A_172 : i32 to vector<768x768xi32>
    %select_n3A_174 = arith.select %eq3A_171, %iota3A_33, %broadcast_in_dim3A_173 : vector<768x768xi1>, vector<768x768xi32>
    %reduce_min3A_175 = arith.constant dense<2147483647> : vector<768xi32>
    %reduce_min3A_176 = vector.multi_reduction <minsi>, %select_n3A_174, %reduce_min3A_175 [1] : vector<768x768xi32> to vector<768xi32>
    %broadcast_in_dim3A_177 = vector.shape_cast %reduce_min3A_176 : vector<768xi32> to vector<768x1xi32>
    %eq3A_178 = vector.broadcast %broadcast_in_dim3A_177 : vector<768x1xi32> to vector<768x768xi32>
    %eq3A_179 = arith.cmpi eq, %iota3A_33, %eq3A_178 : vector<768x768xi32>
    %jit3A_180 = arith.constant 0x7F800000 : f32
    %broadcast_in_dim3A_181 = vector.broadcast %jit3A_180 : f32 to vector<768x768xf32>
    %select_n3A_182 = arith.select %eq3A_179, %broadcast_in_dim3A_181, %select_n3A_162 : vector<768x768xi1>, vector<768x768xf32>
    %transpose3A_183 = tpu.transpose %broadcast_in_dim3A_177, [1, 0] : vector<768x1xi32> -> vector<1x768xi32>
    %squeeze3A_184 = vector.shape_cast %transpose3A_183 : vector<1x768xi32> to vector<768xi32>
    %swap3A_185 = arith.constant 3840 : index
    %swap3A_186 = vector.load %arg14[%swap3A_185] : memref<6144xi32, #tpu.memory_space<vmem>>, vector<768xi32>
    tpu.vector_store %arg14[%swap3A_185], %squeeze3A_184 {strides = array<i32>} : memref<6144xi32, #tpu.memory_space<vmem>>, vector<768xi32>,
    %reduce_min3A_187 = arith.constant dense<0x7F800000> : vector<768xf32>
    %reduce_min3A_188 = vector.multi_reduction <minimumf>, %select_n3A_182, %reduce_min3A_187 [1] : vector<768x768xf32> to vector<768xf32>
    %broadcast_in_dim3A_189 = vector.shape_cast %reduce_min3A_188 : vector<768xf32> to vector<768x1xf32>
    %eq3A_190 = vector.broadcast %broadcast_in_dim3A_189 : vector<768x1xf32> to vector<768x768xf32>
    %eq3A_191 = arith.cmpf oeq, %select_n3A_182, %eq3A_190 : vector<768x768xf32>
    %jit3A_192 = arith.constant 1073741824 : i32
    %broadcast_in_dim3A_193 = vector.broadcast %jit3A_192 : i32 to vector<768x768xi32>
    %select_n3A_194 = arith.select %eq3A_191, %iota3A_33, %broadcast_in_dim3A_193 : vector<768x768xi1>, vector<768x768xi32>
    %reduce_min3A_195 = arith.constant dense<2147483647> : vector<768xi32>
    %reduce_min3A_196 = vector.multi_reduction <minsi>, %select_n3A_194, %reduce_min3A_195 [1] : vector<768x768xi32> to vector<768xi32>
    %broadcast_in_dim3A_197 = vector.shape_cast %reduce_min3A_196 : vector<768xi32> to vector<768x1xi32>
    %transpose3A_198 = tpu.transpose %broadcast_in_dim3A_197, [1, 0] : vector<768x1xi32> -> vector<1x768xi32>
    %squeeze3A_199 = vector.shape_cast %transpose3A_198 : vector<1x768xi32> to vector<768xi32>
    %swap3A_200 = arith.constant 4608 : index
    %swap3A_201 = vector.load %arg14[%swap3A_200] : memref<6144xi32, #tpu.memory_space<vmem>>, vector<768xi32>
    tpu.vector_store %arg14[%swap3A_200], %squeeze3A_199 {strides = array<i32>} : memref<6144xi32, #tpu.memory_space<vmem>>, vector<768xi32>,
    %iota3A_202 = tpu.iota {dimensions = array<i32: 1>} : vector<1x768xi32>
    %squeeze3A_203 = vector.shape_cast %iota3A_202 : vector<1x768xi32> to vector<768xi32>
    %swap3A_204 = arith.constant 5376 : index
    %swap3A_205 = vector.load %arg14[%swap3A_204] : memref<6144xi32, #tpu.memory_space<vmem>>, vector<768xi32>
    tpu.vector_store %arg14[%swap3A_204], %squeeze3A_203 {strides = array<i32>} : memref<6144xi32, #tpu.memory_space<vmem>>, vector<768xi32>,
    %get3A_206 = arith.constant 0 : index
    %get3A_207 = arith.constant 0 : index
    %get3A_208 = vector.load %arg9[%get3A_206, %get3A_207] : memref<128x128xf32, #tpu.memory_space<vmem>>, vector<128x128xf32>
    %dot_general3A_209 = arith.constant dense<0.000000e+00> : vector<768x128xf32>
    %dot_general3A_210 = tpu.matmul %add3A_54, %get3A_208, %dot_general3A_209 {dimension_numbers = #tpu.dot_dimension_numbers<[1], [0], [0], [1], [0, 0, 1, 1], [], []>, transpose_lhs_hint = false} : vector<768x128xf32>, vector<128x128xf32>, vector<768x128xf32> -> vector<768x128xf32>
    %get3A_211 = arith.constant 0 : index
    %get3A_212 = vector.load %arg10[%get3A_211] : memref<128xf32, #tpu.memory_space<vmem>>, vector<128xf32>
    %broadcast_in_dim3A_213 = vector.shape_cast %get3A_212 : vector<128xf32> to vector<1x128xf32>
    %add3A_214 = vector.broadcast %broadcast_in_dim3A_213 : vector<1x128xf32> to vector<768x128xf32>
    %add3A_215 = arith.addf %dot_general3A_210, %add3A_214 : vector<768x128xf32>
    %swap3A_216 = arith.constant 0 : index
    %swap3A_217 = arith.constant 0 : index
    %swap3A_218 = vector.load %arg13[%swap3A_216, %swap3A_217] : memref<768x128xf32, #tpu.memory_space<vmem>>, vector<768x128xf32>
    tpu.vector_store %arg13[%swap3A_216, %swap3A_217], %add3A_215 {strides = array<i32>} : memref<768x128xf32, #tpu.memory_space<vmem>>, vector<768x128xf32>,
    %get3A_219 = arith.constant 0 : index
    %get3A_220 = arith.constant 0 : index
    %get3A_221 = vector.load %arg11[%get3A_219, %get3A_220] : memref<128x1xf32, #tpu.memory_space<vmem>>, vector<128x1xf32>
    %transpose3A_222 = tpu.transpose %get3A_221, [1, 0] : vector<128x1xf32> -> vector<1x128xf32>
    %squeeze3A_223 = vector.shape_cast %transpose3A_222 : vector<1x128xf32> to vector<128xf32>
    %swap3A_224 = arith.constant 0 : index
    %swap3A_225 = vector.load %arg15[%swap3A_224] : memref<128xf32, #tpu.memory_space<vmem>>, vector<128xf32>
    tpu.vector_store %arg15[%swap3A_224], %squeeze3A_223 {strides = array<i32>} : memref<128xf32, #tpu.memory_space<vmem>>, vector<128xf32>,
    %get3A_226 = arith.constant 0 : index
    %get3A_227 = vector.load %arg12[%get3A_226] : memref<1xf32, #tpu.memory_space<vmem>>, vector<1xf32>
    %broadcast_in_dim3A_228 = vector.shape_cast %get3A_227 : vector<1xf32> to vector<1xf32>
    %broadcast_in_dim3A_229 = vector.broadcast %broadcast_in_dim3A_228 : vector<1xf32> to vector<16xf32>
    %swap3A_230 = arith.constant 0 : index
    %swap3A_231 = vector.load %arg16[%swap3A_230] : memref<16xf32, #tpu.memory_space<vmem>>, vector<16xf32>
    tpu.vector_store %arg16[%swap3A_230], %broadcast_in_dim3A_229 {strides = array<i32>} : memref<16xf32, #tpu.memory_space<vmem>>, vector<16xf32>,
    return
  }
}

</mosaic_0001>

<sc_bundles>
// kernel: kernel.4.cloned.1.call-start
scs
__scs_entry_jumppad:
0x0: {  	(pc) =	sbr.rel $0x88, $3  }
0x1: {  	(tag) =	ssettag $0x0;
	lr =	simm.s32 $0x1  }
0x2: {  	[smem:$0x3F94] =	sst lr;
	_ =	strace $0xD0000000  }
0x3: {  	_ = 	snop  }
0x4: {  	_ = 	snop  }
0x5: {  	_ = 	snop  }
0x6: {  	_ = 	snop  }
0x7: {  	_ = 	snop  }
__scs_overlays_trampoline_lowered:
0x8: {  	[smem:$0x3FA3] =	sst s0  }
0x9: {  	[smem:$0x3FA4] =	sst s1  }
0xa: {  	[smem:$0x3FA5] =	sst s2  }
0xb: {  	[smem:$0x3FA6] =	sst s3  }
0xc: {  	[smem:$0x3FA7] =	sst s4  }
0xd: {  	[smem:$0x3FA8] =	sst s5  }
0xe: {  	[smem:$0x3FA9] =	sst s6  }
0xf: {  	[smem:$0x3FAA] =	sst s7  }
0x10: {  	[smem:$0x3FAB] =	sst s8  }
0x11: {  	[smem:$0x3FAC] =	sst s9;
	s0 =	simm.s32 @!p0 $0x0  }
0x12: {  	s1 =	sld [smem:$0x3F92];
	s0 =	simm.s32 @p0 $0x1  }
0x13: {  	[smem:$0x3FAD] =	sst s0;
	s0 =	simm.s32 @!p1 $0x0  }
0x14: {  	s2 =	sld [smem:$0x3F91];
	s0 =	simm.s32 @p1 $0x1  }
0x15: {  	[smem:$0x3FAE] =	sst s0;
	s0 =	simm.s32 @!p2 $0x0  }
0x16: {  	s3 =	sld [smem:$0x3FDB];
	s0 =	simm.s32 @p2 $0x1  }
0x17: {  	s4 =	simm.s32 $0x1BF5;
	[smem:$0x3FB0] =	sst s0  }
0x18: {  	s0 =	sld [smem:$0x3F93];
	_ =	swait.ge [sflag:s4], $0x0  }
0x19: {  	s7 =	sld [smem:$0x3F94]  }
0x1a: {  	s8 =	sadd.s32 $0xFFFFE003, lr  }
0x1b: {  	s9 =	sadd.s32 $0xFFFFFEF7, lr;
	s5 =	simm.s32 $0xFFFFFFFF;
	p2 =	slt.u32 s8, $0xFFFFF086  }
0x1c: {  	p1 =	slt.u32 s9, $0xF7A;
	s5 =	simm.s32 @!p2 $0x0  }
0x1d: {  	s5 =	simm.s32 @p1 $0x1;
	p0 =	seq.s32 s7, s2  }
0x1e: {  	s7 =	smul.u32 @!p0 $0xF7A, s2;
	p2 =	seq.s32 @!p0 s5, $0x0  }
0x1f: {  	s9 =	smul.u32 $0xF7A, s1;
	s8 =	simm.s32 @!p0 $0x1BF5;
	p2 =	por !p2, p0  }
0x20: {  	[sflag:s8] =	ssyncset.s32 @!p0 $0xFFFFF086;
	s6 =	sadd.s32 @!p0 s3, s7;
	s7 =	simm.s32 @!p0 $0x108  }
0x21: {  	s3 =	sadd.s32 s3, s9;
	s6 =	sadd.s32 @!p0 $0x88, s6;
	s7 =	simm.s32 @p2 $0x1082  }
0x22: {  	[simem:s7], [sflag:s8] =	dma.local @!p0 [hbm:s6], $0xF7A  }
0x23: {  	s9 =	sor.u32 $0xD0000000, s2;
	s6 =	simm.s32 $0x108;
	_ =	swait.ge @!p0 [sflag:s8], $0x0  }
0x24: {  	s3 =	sadd.s32 $0x88, s3;
	s6 =	simm.s32 @!p1 $0x1082;
	[sflag:s4] =	ssyncset.s32 $0xFFFFF086  }
0x25: {  	[simem:s6], [sflag:s4] =	dma.local [hbm:s3], $0xF7A  }
0x26: {  	[smem:$0x3F94] =	sst s1;
	(tag) =	ssettag s2;
	_ =	strace s9  }
0x27: {  	s1 =	sld [smem:$0x3FA4]  }
0x28: {  	s2 =	sld [smem:$0x3FA5]  }
0x29: {  	s4 =	sld [smem:$0x3FA7]  }
0x2a: {  	p0 =	seq.s32 s5, $0x0;
	s5 =	sld [smem:$0x3FA8]  }
0x2b: {  	s6 =	sld [smem:$0x3FA9]  }
0x2c: {  	s7 =	sld [smem:$0x3FAA]  }
0x2d: {  	s3 =	simm.s32 $0x108;
	s8 =	sld [smem:$0x3FAB]  }
0x2e: {  	s3 =	simm.s32 @!p0 $0x1082;
	s9 =	sld [smem:$0x3FAC]  }
0x2f: {  	lr =	sadd.s32 s0, s3;
	s0 =	sld [smem:$0x3FA3]  }
0x30: {  	s3 =	sld [smem:$0x3FA6]  }
0x31: {  	[smem:$0x3FAF] =	sst s10  }
0x32: {  	s10 =	sld [smem:$0x3FAD];
	_ =	sdelay $0x3  }
0x33: {  	p0 =	seq.s32 s10, $0x1;
	s10 =	sld [smem:$0x3FAF];
	_ =	sdelay $0x3  }
0x34: {  	[smem:$0x3FAF] =	sst s10  }
0x35: {  	s10 =	sld [smem:$0x3FAE];
	_ =	sdelay $0x3  }
0x36: {  	p1 =	seq.s32 s10, $0x1;
	s10 =	sld [smem:$0x3FAF];
	_ =	sdelay $0x3  }
0x37: {  	[smem:$0x3FAF] =	sst s10  }
0x38: {  	s10 =	sld [smem:$0x3FB0]  }
0x39: {  	_ = 	snop;
	(pc) =	sbr.ind lr, $3  }
0x3a: {  	_ = 	snop  }
0x3b: {  	_ = 	snop  }
0x3c: {  	p2 =	seq.s32 s10, $0x1;
	s10 =	sld [smem:$0x3FAF]  }
0x3d: {  	_ =	shalt  }
0x3e: {  	_ =	shalt  }
0x3f: {  	_ =	shalt  }
0x40: {  	_ =	shalt  }
0x41: {  	_ =	shalt  }
0x42: {  	_ =	shalt  }
0x43: {  	_ =	shalt  }
0x44: {  	_ =	shalt  }
0x45: {  	_ =	shalt  }
0x46: {  	_ =	shalt  }
0x47: {  	_ =	shalt  }
0x48: {  	_ =	shalt  }
0x49: {  	_ =	shalt  }
0x4a: {  	_ =	shalt  }
0x4b: {  	_ =	shalt  }
0x4c: {  	_ =	shalt  }
0x4d: {  	_ =	shalt  }
0x4e: {  	_ =	shalt  }
0x4f: {  	_ =	shalt  }
0x50: {  	_ =	shalt  }
0x51: {  	_ =	shalt  }
0x52: {  	_ =	shalt  }
0x53: {  	_ =	shalt  }
0x54: {  	_ =	shalt  }
0x55: {  	_ =	shalt  }
0x56: {  	_ =	shalt  }
0x57: {  	_ =	shalt  }
0x58: {  	_ =	shalt  }
0x59: {  	_ =	shalt  }
0x5a: {  	_ =	shalt  }
0x5b: {  	_ =	shalt  }
0x5c: {  	_ =	shalt  }
0x5d: {  	_ =	shalt  }
0x5e: {  	_ =	shalt  }
0x5f: {  	_ =	shalt  }
0x60: {  	_ =	shalt  }
0x61: {  	_ =	shalt  }
0x62: {  	_ =	shalt  }
0x63: {  	_ =	shalt  }
0x64: {  	_ =	shalt  }
0x65: {  	_ =	shalt  }
0x66: {  	_ =	shalt  }
0x67: {  	_ =	shalt  }
0x68: {  	_ =	shalt  }
0x69: {  	_ =	shalt  }
0x6a: {  	_ =	shalt  }
0x6b: {  	_ =	shalt  }
0x6c: {  	_ =	shalt  }
0x6d: {  	_ =	shalt  }
0x6e: {  	_ =	shalt  }
0x6f: {  	_ =	shalt  }
0x70: {  	_ =	shalt  }
0x71: {  	_ =	shalt  }
0x72: {  	_ =	shalt  }
0x73: {  	_ =	shalt  }
0x74: {  	_ =	shalt  }
0x75: {  	_ =	shalt  }
0x76: {  	_ =	shalt  }
0x77: {  	_ =	shalt  }
0x78: {  	_ =	shalt  }
0x79: {  	_ =	shalt  }
0x7a: {  	_ =	shalt  }
0x7b: {  	_ =	shalt  }
0x7c: {  	_ =	shalt  }
0x7d: {  	_ =	shalt  }
0x7e: {  	_ =	shalt  }
0x7f: {  	_ =	shalt  }
0x80: {  	_ =	shalt  }
0x81: {  	_ =	shalt  }
0x82: {  	_ =	shalt  }
0x83: {  	_ =	shalt  }
0x84: {  	_ =	shalt  }
0x85: {  	_ =	shalt  }
0x86: {  	_ =	shalt  }
0x87: {  	_ =	shalt  }
.Lfunc_end0:
.L_simem_size_0:
called_computation_lowered:
.L_overlay_start_0:
0x88: {  	s0 =	sld [smem:$0x3FD9]  }
0x89: {  	s1 =	sld [smem:$0x3FFE];
	_ =	sdelay $0x3  }
0x8a: {  	s0 =	sadd.s32 s1, s0  }
0x8b: {  	[smem:$0x3FBB] =	sst s0  }
0x8c: {  	_ = 	snop  }
0x8d: {  	s0 =	sld [smem:$0x3FD0];
	(tm) =	ssettm $0x1  }
0x8e: {  	s16 =	sld [smem:$0x3FFB];
	_ =	sdelay $0x3  }
0x8f: {  	_ =	strace s16  }
0x90: {  	s1 =	sld [smem:$0x3FFC];
	_ =	sdelay $0x3  }
0x91: {  	_ =	strace s1  }
0x92: {  	s1 =	sld [smem:$0x3FFD];
	_ =	sdelay $0x3  }
0x93: {  	_ =	strace s1  }
0x94: {  	_ =	strace $0x8FFFFFFF  }
0x95: {  	s17 =	sld [smem:$0x3FDB];
	_ =	sdelay $0x1  }
0x96: {  	s2 =	simm.s32 $_scs_section_size  }
0x97: {  	s3 =	simm.s32 $_size__tile_overlayer_lowered;
	s4 =	simm.s32 $_tile_overlayer_lowered  }
0x98: {  	s20 =	simm.s32 $0x1BFF;
	s19 =	sshll.u32 s4, $0x1;
	s1 =	sadd.s32 s2, s17  }
0x99: {  	s5 =	simm.s32 $0x0;
	s18 =	sshll.u32 s3, $0x1;
	s3 =	sadd.s32 s19, s1  }
0x9a: {  	[timem:s5], [sflag:s20] =	dma.local [hbm:s3], s18  }
0x9b: {  	_ =	swait.ge [sflag:s20], s18  }
0x9c: {  	s2 =	ssub.s32 $0x0, s18;
	[sflag:s20] =	ssyncset.done $0x0  }
0x9d: {  	[sflag:s20] =	ssyncadd.s32 s2;
	_ =	sdelay $0x1  }
0x9e: {  	s21 =	simm.s32 $0x1B8B  }
0x9f: {  	_ =	swait.ge [sflag:s21], $0x1  }
0xa0: {  	[sflag:s21] =	ssyncset.done $0x0  }
0xa1: {  	s23 =	simm.s32 $0x1B8E;
	s22 =	sld [smem:$0x3FFE];
	[sflag:s21] =	ssyncadd.s32 $0xFFFFFFFF  }
0xa2: {  	s24 =	simm.s32 $execute0_lowered;
	[smem:$0x3FD2] =	sst s23  }
0xa3: {  	s3 =	sshll.u32 s24, $0x1;
	_ =	strace $0x80000046;
	[dreg:$0x1] =	wrdreg $0xFFFFFFFF  }
0xa4: {  	s25 =	simm.s32 $_size_execute0_lowered;
	s1 =	sadd.s32 s1, s3;
	[dreg:$0x0] =	wrdreg $0x0  }
0xa5: {  	s3 =	sshll.u32 s25, $0x1;
	[dreg:$0x2] =	wrdreg s1  }
0xa6: {  	[dreg:$0x3] =	wrdreg s3  }
0xa7: {  	[dreg:$0x4] =	wrdreg $0xC0  }
0xa8: {  	_ =	task [dreg:s5], $0x5FFFF  }
0xa9: {  	[dreg:$0x1] =	wrdreg $0xFFFFFFFF  }
0xaa: {  	[dreg:$0x0] =	wrdreg $0x60  }
0xab: {  	[dreg:$0x2] =	wrdreg s22  }
0xac: {  	[dreg:$0x3] =	wrdreg s0  }
0xad: {  	[dreg:$0x4] =	wrdreg $0xC6800  }
0xae: {  	[dreg:$0x5] =	wrdreg $0x9  }
0xaf: {  	_ =	task.clear_ibuf [dreg:s5], $0x6FFFF;
	_ =	strace $0x90000046  }
0xb0: {  	s26 =	simm.s32 $0x9;
	_ =	strace $0x80000048  }
0xb1: {  	_ =	swait.ge [sflag:s26], $0x1  }
0xb2: {  	[sflag:s26] =	ssyncadd.s32 $0xFFFFFFFF  }
0xb3: {  	_ =	strace $0x90000048  }
0xb4: {  	_ =	sfence  }
0xb5: {  	s28 =	sld [smem:$0x0];
	_ =	sdelay $0x1  }
0xb6: {  	s29 =	srdreg.scid  }
0xb7: {  	s30 =	sshll.u32 s29, $0xD;
	s31 =	sshrl.u32 s29, $0x2  }
0xb8: {  	s2 =	sand.u32 $0x4000, s30;
	s1 =	sand.u32 $0x1, s29;
	s0 =	sadd.s32 s31, s28  }
0xb9: {  	s1 =	sor.u32 s2, s1;
	s0 =	sshll.u32 s0, $0x11  }
0xba: {  	s0 =	sor.u32 s0, s1  }
0xbb: {  	s0 =	sadd.s32 $0x8F2B, s0  }
0xbc: {  	[sflag:s0] =	ssyncadd.remote.s32 $0x1  }
0xbd: {  	_ =	sfence.sel $0xFFFF  }
0xbe: {  	[dreg:$0x0] =	wrdreg $0xFFFFFFFF;
	(pc) =	sbr.abs _section_cstart, $3  }
0xbf: {  	[dreg:$0x1] =	wrdreg $0xFFFFFFFF  }
0xc0: {  	_ =	task.clear_ibuf [dreg:s5], $0x2FFFF;
	_ =	strace $0x9FFFFFFF  }
0xc1: {  	(tm) =	ssettm $0x7FFFFFFF  }
tec
execute0_lowered:
.L_overlay_start_1:
0x0: {  	(tag) =	ssettag $0x1  }
0x1: {  	s0 =	stileid.u32  }
0x2: {  	s5 =	rddreg [dreg:$0x0];
	s4 =	smul.u32 $0x30, s0  }
0x3: {  	s7 =	rddreg [dreg:$0x1]  }
0x4: {  	s3 =	rddreg [dreg:$0x2];
	s6 =	simm.s32 $0x0;
	s2 =	sshrl.u32 s4, $0x3  }
0x5: {  	[smem:$0x7FF] =	sst s6;
	s8 =	sadd.s32 s2, s5  }
0x6: {  	s1 =	rddreg [dreg:$0x3];
	_ =	strace $0x80000047;
	s9 =	sadd.s32 $0x5400, s8  }
0x7: {  	[tilespmem:s6], [sflag:$0x1] =	stream.linear.gather [hbm4b:s9+s6], $0x30, $0x38;
	[tilespmem:$0xC6B0] =	vst v63  }
0x8: {  	s10 =	simm.s32 $0x30;
	s12 =	sadd.s32 $0x5460, s8  }
0x9: {  	[tilespmem:s10], [sflag:$0x1] =	stream.linear.gather [hbm4b:s12+s6], $0x30, $0x38;
	[tilespmem:$0xC6B0] =	vst v63  }
0xa: {  	s14 =	simm.s32 $0x60;
	s13 =	sadd.s32 $0x54C0, s8  }
0xb: {  	[tilespmem:s14], [sflag:$0x1] =	stream.linear.gather [hbm4b:s13+s6], $0x30, $0x38;
	[tilespmem:$0xC6B0] =	vst v63  }
0xc: {  	s16 =	simm.s32 $0x90;
	s15 =	sadd.s32 $0x5520, s8  }
0xd: {  	[tilespmem:s16], [sflag:$0x1] =	stream.linear.gather [hbm4b:s15+s6], $0x30, $0x38;
	[tilespmem:$0xC6B0] =	vst v63  }
0xe: {  	s18 =	simm.s32 $0xC0;
	s17 =	sadd.s32 $0x5580, s8  }
0xf: {  	[tilespmem:s18], [sflag:$0x1] =	stream.linear.gather [hbm4b:s17+s6], $0x30, $0x38;
	[tilespmem:$0xC6B0] =	vst v63  }
0x10: {  	s20 =	simm.s32 $0xF0;
	s19 =	sadd.s32 $0x55E0, s8  }
0x11: {  	[tilespmem:s20], [sflag:$0x1] =	stream.linear.gather [hbm4b:s19+s6], $0x30, $0x38;
	[tilespmem:$0xC6B0] =	vst v63  }
0x12: {  	s22 =	simm.s32 $0x120;
	s21 =	sadd.s32 $0x5640, s8  }
0x13: {  	[tilespmem:s22], [sflag:$0x1] =	stream.linear.gather [hbm4b:s21+s6], $0x30, $0x38;
	[tilespmem:$0xC6B0] =	vst v63  }
0x14: {  	s23 =	simm.s32 $0x150;
	s8 =	sadd.s32 $0x56A0, s8  }
0x15: {  	[tilespmem:s23], [sflag:$0x1] =	stream.linear.gather [hbm4b:s8+s6], $0x30, $0x38;
	[tilespmem:$0xC6B0] =	vst v63  }
0x16: {  	s24 =	simm.s32 $0xC180  }
0x17: {  	[tilespmem:s24], [sflag:$0x1] =	stream.linear.gather [hbm4b:s7+s6], $0x80, $0x38;
	[tilespmem:$0xC6B0] =	vst v63  }
0x18: {  	s26 =	simm.s32 $0xC200;
	s28 =	simm.s32 $0x1;
	s25 =	sadd.s32 $0x5800, s5  }
0x19: {  	[tilespmem:s26], [sflag:$0x1] =	stream.linear.gather [hbm4b:s25+s6], $0x80, $0x38;
	[tilespmem:$0xC6B0] =	vst v63  }
0x1a: {  	_ =	swait.ge [sflag:s28], $0x30  }
0x1b: {  	[sflag:s28] =	ssyncset.done $0x0  }
0x1c: {  	[sflag:s28] =	ssyncadd.s32 $0xFFFFFFD0  }
0x1d: {  	_ =	swait.ge [sflag:s28], $0x30  }
0x1e: {  	[sflag:s28] =	ssyncset.done $0x0  }
0x1f: {  	[sflag:s28] =	ssyncadd.s32 $0xFFFFFFD0  }
0x20: {  	_ =	swait.ge [sflag:s28], $0x30  }
0x21: {  	[sflag:s28] =	ssyncset.done $0x0  }
0x22: {  	[sflag:s28] =	ssyncadd.s32 $0xFFFFFFD0  }
0x23: {  	_ =	swait.ge [sflag:s28], $0x30  }
0x24: {  	[sflag:s28] =	ssyncset.done $0x0  }
0x25: {  	[sflag:s28] =	ssyncadd.s32 $0xFFFFFFD0  }
0x26: {  	_ =	swait.ge [sflag:s28], $0x30  }
0x27: {  	[sflag:s28] =	ssyncset.done $0x0  }
0x28: {  	[sflag:s28] =	ssyncadd.s32 $0xFFFFFFD0  }
0x29: {  	_ =	swait.ge [sflag:s28], $0x30  }
0x2a: {  	[sflag:s28] =	ssyncset.done $0x0  }
0x2b: {  	[sflag:s28] =	ssyncadd.s32 $0xFFFFFFD0  }
0x2c: {  	_ =	swait.ge [sflag:s28], $0x30  }
0x2d: {  	[sflag:s28] =	ssyncset.done $0x0  }
0x2e: {  	[sflag:s28] =	ssyncadd.s32 $0xFFFFFFD0  }
0x2f: {  	_ =	swait.ge [sflag:s28], $0x30  }
0x30: {  	[sflag:s28] =	ssyncset.done $0x0  }
0x31: {  	[sflag:s28] =	ssyncadd.s32 $0xFFFFFFD0  }
0x32: {  	_ =	swait.ge [sflag:s28], $0x80  }
0x33: {  	[sflag:s28] =	ssyncset.done $0x0  }
0x34: {  	[sflag:s28] =	ssyncadd.s32 $0xFFFFFF80  }
0x35: {  	_ =	swait.ge [sflag:s28], $0x80  }
0x36: {  	[sflag:s28] =	ssyncset.done $0x0  }
0x37: {  	s30 =	simm.s32 $0x180;
	s29 =	sadd.s32 $0x2400, s5;
	[sflag:s28] =	ssyncadd.s32 $0xFFFFFF80  }
0x38: {  	[tilespmem:s30], [sflag:$0x1] =	stream.indirect.gather [hbm4b:s29+s30], $0x80, s6, s30, $0xb8;
	[tilespmem:$0xC6B0] =	vst v63  }
0x39: {  	_ =	swait.ge [sflag:s28], $0xC000  }
0x3a: {  	[sflag:s28] =	ssyncset.done $0x0  }
0x3b: {  	[sflag:s28] =	ssyncadd.s32 $0xFFFF4000  }
0x3c: {  	v7 =	vld [tilespmem:$0xC180]  }
0x3d: {  	v6 =	vld [tilespmem:$0xC190]  }
0x3e: {  	v5 =	vld [tilespmem:$0xC1A0]  }
0x3f: {  	v4 =	vld [tilespmem:$0xC1B0]  }
0x40: {  	v3 =	vld [tilespmem:$0xC1C0]  }
0x41: {  	v2 =	vld [tilespmem:$0xC1D0]  }
0x42: {  	v1 =	vld [tilespmem:$0xC1E0]  }
0x43: {  	s31 =	simm.s32 $0x0;
	v0 =	vld [tilespmem:$0xC1F0]  }
0x44: {  	v8 =	vld [tilespmem:s31+$0x79F0]  }
0x45: {  	v9 =	vld [tilespmem:s31+$0x79E0]  }
0x46: {  	v10 =	vld [tilespmem:s31+$0x61F0]  }
0x47: {  	v13 =	vld [tilespmem:s31+$0x91C0]  }
0x48: {  	v11 =	vld [tilespmem:s31+$0x61E0]  }
0x49: {  	v12 =	vld [tilespmem:s31+$0x49F0]  }
0x4a: {  	v15 =	vld [tilespmem:s31+$0x91B0]  }
0x4b: {  	v14 =	vld [tilespmem:s31+$0x61D0]  }
0x4c: {  	v16 =	vld [tilespmem:s31+$0x49E0]  }
0x4d: {  	v17 =	vld [tilespmem:s31+$0x31F0]  }
0x4e: {  	v18 =	vld [tilespmem:s31+$0xA990]  }
0x4f: {  	v19 =	vld [tilespmem:s31+$0x61C0]  }
0x50: {  	v20 =	vld [tilespmem:s31+$0x49D0]  }
0x51: {  	v21 =	vld [tilespmem:s31+$0x31E0]  }
0x52: {  	v22 =	vld [tilespmem:s31+$0x1F0]  }
0x53: {  	v23 =	vld [tilespmem:s31+$0x19F0]  }
0x54: {  	v24 =	vld [tilespmem:s31+$0xA980]  }
0x55: {  	v25 =	vld [tilespmem:s31+$0x61B0]  }
0x56: {  	v26 =	vld [tilespmem:s31+$0x49C0]  }
0x57: {  	v27 =	vld [tilespmem:s31+$0x31D0]  }
0x58: {  	v28 =	vld [tilespmem:s31+$0x1E0]  }
0x59: {  	v29 =	vld [tilespmem:s31+$0x19E0]  }
0x5a: {  	v30 =	vld [tilespmem:s31+$0x9180]  }
0x5b: {  	v31 =	vld [tilespmem:s31+$0x31C0]  }
0x5c: {  	v32 =	vld [tilespmem:s31+$0x1D0]  }
0x5d: {  	v33 =	vld [tilespmem:s31+$0x19D0]  }
0x5e: {  	v34 =	vld [tilespmem:s31+$0x1C0]  }
0x5f: {  	v35 =	vld [tilespmem:s31+$0x19C0]  }
0x60: {  	v36 =	vld [tilespmem:s31+$0x1B0]  }
0x61: {  	v37 =	vld [tilespmem:s31+$0x19B0]  }
0x62: {  	v38 =	vld [tilespmem:s31+$0x1A0]  }
0x63: {  	v39 =	vld [tilespmem:s31+$0x19A0]  }
0x64: {  	v40 =	vld [tilespmem:s31+$0x190]  }
0x65: {  	v41 =	vld [tilespmem:s31+$0x1990]  }
0x66: {  	v42 =	vld [tilespmem:s31+$0x180]  }
0x67: {  	v43 =	vld [tilespmem:s31+$0x1980]  }
0x68: {  	v44 =	vld [tilespmem:s31+$0x31B0]  }
0x69: {  	v45 =	vld [tilespmem:s31+$0x31A0]  }
0x6a: {  	v46 =	vld [tilespmem:s31+$0x3190]  }
0x6b: {  	v47 =	vld [tilespmem:s31+$0x3180]  }
0x6c: {  	v48 =	vld [tilespmem:s31+$0x49B0]  }
0x6d: {  	v49 =	vld [tilespmem:s31+$0x49A0]  }
0x6e: {  	v50 =	vld [tilespmem:s31+$0x4980]  }
0x6f: {  	v51 =	vld [tilespmem:s31+$0x4990]  }
0x70: {  	v52 =	vld [tilespmem:s31+$0x6180]  }
0x71: {  	v53 =	vld [tilespmem:s31+$0x7980]  }
0x72: {  	v57 =	vld [tilespmem:s31+$0x7990];
	v22 =	vadd.f32 v23, v22  }
0x73: {  	v60 =	vld [tilespmem:s31+$0x79A0];
	v32 =	vadd.f32 v33, v32;
	v28 =	vadd.f32 v29, v28  }
0x74: {  	v63 =	vld [tilespmem:s31+$0x91A0];
	v56 =	vadd.f32 v37, v36;
	v34 =	vadd.f32 v35, v34  }
0x75: {  	v54 =	vld [tilespmem:s31+$0x91E0];
	v58 =	vadd.f32 v41, v40;
	v59 =	vadd.f32 v39, v38  }
0x76: {  	v23 =	vld [tilespmem:s31+$0x6190];
	v61 =	vadd.f32 v43, v42;
	v17 =	vadd.f32 v17, v22  }
0x77: {  	s7 =	simm.s32 $0x80;
	v29 =	vld [tilespmem:s31+$0x61A0];
	v27 =	vadd.f32 v27, v32;
	v21 =	vadd.f32 v21, v28  }
0x78: {  	v33 =	vld [tilespmem:s7+$0x1B0];
	v62 =	vadd.f32 v44, v56;
	v31 =	vadd.f32 v31, v34  }
0x79: {  	v38 =	vld [tilespmem:s7+$0x190];
	v44 =	vadd.f32 v46, v58;
	v45 =	vadd.f32 v45, v59  }
0x7a: {  	v40 =	vld [tilespmem:s7+$0x1990];
	v39 =	vadd.f32 v47, v61;
	v12 =	vadd.f32 v12, v17  }
0x7b: {  	v41 =	vld [tilespmem:s7+$0x1980];
	v20 =	vadd.f32 v20, v27;
	v16 =	vadd.f32 v16, v21  }
0x7c: {  	v37 =	vld [tilespmem:s7+$0x31B0];
	v27 =	vadd.f32 v48, v62;
	v26 =	vadd.f32 v26, v31  }
0x7d: {  	v35 =	vld [tilespmem:s7+$0x31A0];
	v48 =	vadd.f32 v50, v39;
	v36 =	vadd.f32 v49, v45  }
0x7e: {  	v22 =	vld [tilespmem:s31+$0x9190];
	v34 =	vadd.f32 v51, v44;
	v10 =	vadd.f32 v10, v12  }
0x7f: {  	v28 =	vld [tilespmem:s31+$0x79B0];
	v12 =	vadd.f32 v52, v48;
	v16 =	vadd.f32 v11, v16  }
0x80: {  	v46 =	vld [tilespmem:s31+$0x79C0];
	v19 =	vadd.f32 v19, v26;
	v20 =	vadd.f32 v14, v20  }
0x81: {  	v56 =	vld [tilespmem:s7+$0x1F0];
	v11 =	vadd.f32 v53, v12;
	v12 =	vadd.f32 v23, v34  }
0x82: {  	v58 =	vld [tilespmem:s7+$0x1E0];
	v14 =	vadd.f32 v29, v36;
	v25 =	vadd.f32 v25, v27  }
0x83: {  	v59 =	vld [tilespmem:s7+$0x19E0];
	v11 =	vadd.f32 v30, v11;
	v29 =	vadd.f32 v57, v12  }
0x84: {  	v17 =	vld [tilespmem:s31+$0xA9A0];
	v55 =	vadd.f32 v60, v14;
	v8 =	vadd.f32 v8, v10  }
0x85: {  	v21 =	vld [tilespmem:s31+$0x79D0];
	v10 =	vadd.f32 v24, v11;
	v22 =	vadd.f32 v22, v29  }
0x86: {  	v31 =	vld [tilespmem:s31+$0xA9B0];
	v9 =	vadd.f32 v9, v16;
	v24 =	vadd.f32 v28, v25  }
0x87: {  	v50 =	vld [tilespmem:s31+$0x91D0];
	v25 =	vmul.f32 $1.250000000e-01, v10;
	v18 =	vadd.f32 v18, v22;
	v22 =	vadd.f32 v63, v55  }
0x88: {  	v51 =	vld [tilespmem:s31+$0xA9C0];
	v19 =	vadd.f32 v46, v19;
	v15 =	vadd.f32 v15, v24  }
0x89: {  	v61 =	vld [tilespmem:s7+$0x19D0];
	v24 =	vmax.f32 v25, $0.0e+00;
	v25 =	vmul.f32 $1.250000000e-01, v18;
	v17 =	vadd.f32 v17, v22  }
0x8a: {  	v26 =	vld [tilespmem:s31+$0xA9D0];
	v20 =	vadd.f32 v21, v20;
	v19 =	vadd.f32 v13, v19;
	v22 =	vmul.f32 v24, v7  }
0x8b: {  	v27 =	vld [tilespmem:s31+$0xA9E0];
	v15 =	vadd.f32 v31, v15;
	v21 =	vmax.f32 v25, $0.0e+00;
	v24 =	vmul.f32 $1.250000000e-01, v17  }
0x8c: {  	v23 =	vld [tilespmem:s31+$0x91F0];
	v20 =	vadd.f32 v50, v20;
	v22 =	vadd.f32 $0.0e+00, v22;
	v28 =	vmul.f32 v21, v6  }
0x8d: {  	v32 =	vld [tilespmem:s7+$0x1A0];
	v19 =	vadd.f32 v51, v19;
	v29 =	vmul.f32 $1.250000000e-01, v15;
	v24 =	vmax.f32 v24, $0.0e+00  }
0x8e: {  	v30 =	vld [tilespmem:s31+$0xA9F0];
	v9 =	vadd.f32 v54, v9;
	v22 =	vadd.f32 v28, v22;
	v24 =	vmul.f32 v24, v5  }
0x8f: {  	v39 =	vld [tilespmem:s7+$0x180];
	v26 =	vadd.f32 v26, v20;
	v19 =	vmul.f32 $1.250000000e-01, v19;
	v28 =	vmax.f32 v29, $0.0e+00  }
0x90: {  	v36 =	vld [tilespmem:s7+$0x19B0];
	v9 =	vadd.f32 v27, v9;
	v28 =	vmul.f32 v28, v4;
	v22 =	vadd.f32 v24, v22  }
0x91: {  	v14 =	vld [tilespmem:s7+$0x61F0];
	v8 =	vadd.f32 v23, v8;
	v23 =	vmul.f32 $1.250000000e-01, v26;
	v19 =	vmax.f32 v19, $0.0e+00  }
0x92: {  	v16 =	vld [tilespmem:s7+$0x61E0];
	v19 =	vmul.f32 v19, v3;
	v22 =	vadd.f32 v28, v22  }
0x93: {  	v60 =	vld [tilespmem:s7+$0x1D0];
	v9 =	vmul.f32 $1.250000000e-01, v9;
	v8 =	vadd.f32 v30, v8;
	v23 =	vmax.f32 v23, $0.0e+00  }
0x94: {  	v34 =	vld [tilespmem:s7+$0x19A0];
	v23 =	vmul.f32 v23, v2;
	v26 =	vadd.f32 v19, v22  }
0x95: {  	v12 =	vld [tilespmem:s7+$0x79F0];
	v9 =	vmax.f32 v9, $0.0e+00;
	v8 =	vmul.f32 $1.250000000e-01, v8  }
0x96: {  	v13 =	vld [tilespmem:s7+$0x91B0];
	v9 =	vmul.f32 v9, v1;
	v23 =	vadd.f32 v23, v26  }
0x97: {  	v57 =	vld [tilespmem:s7+$0x19F0];
	v8 =	vmax.f32 v8, $0.0e+00  }
0x98: {  	v11 =	vld [tilespmem:s7+$0x79E0];
	v8 =	vmul.f32 v8, v0;
	v9 =	vadd.f32 v9, v23  }
0x99: {  	v27 =	vld [tilespmem:s7+$0x31E0]  }
0x9a: {  	v20 =	vld [tilespmem:s7+$0x61C0];
	v8 =	vadd.f32 v8, v9  }
0x9b: {  	v10 =	vld [tilespmem:s7+$0x91C0]  }
0x9c: {  	v30 =	vld [tilespmem:s7+$0x1C0];
	(xrf2) =	vadd.scan.msk.f32 $0xffff, v8  }
0x9d: {  	v18 =	vld [tilespmem:s7+$0x49F0]  }
0x9e: {  	v31 =	vld [tilespmem:s7+$0x19C0]  }
0x9f: {  	v17 =	vld [tilespmem:s7+$0x61D0]  }
0xa0: {  	v25 =	vld [tilespmem:s7+$0x31F0]  }
0xa1: {  	v15 =	vld [tilespmem:s7+$0xA990]  }
0xa2: {  	v21 =	vld [tilespmem:s7+$0x49E0]  }
0xa3: {  	v29 =	vld [tilespmem:s7+$0x31C0]  }
0xa4: {  	v24 =	vld [tilespmem:s7+$0x49D0]  }
0xa5: {  	v28 =	vld [tilespmem:s7+$0x31D0]  }
0xa6: {  	v19 =	vld [tilespmem:s7+$0xA980];
	v9, _, _ =	vpop (xrf2)  }
0xa7: {  	v62 =	vmov s6;
	v22 =	vld [tilespmem:s7+$0x61B0];
	v8 =	vlaneseq.u32;
	v9 =	vbroadcast v9, $0xF  }
0xa8: {  	v44 =	vadd.f32 v59, v58;
	v63 =	vimm.f32 $0.0e+00;
	v26 =	vld [tilespmem:s7+$0x49C0];
	vm0 =	veq.s32 v62, v8  }
0xa9: {  	s5 =	sadd.s32 $0x5A00, s5;
	s8 =	simm.s32 $0x400;
	v43 =	vadd.f32 v61, v60;
	v42 =	vadd.f32 v57, v56;
	v23 =	vld [tilespmem:s7+$0x9180];
	v9 =	vsel vm0, v9, v63  }
.LBB2_1:
0xaa: {  	p0 =	sne.s32 s8, $0x1E00;
	v45 =	vld [tilespmem:s7+$0x3190];
	v33 =	vadd.f32 v36, v33;
	v30 =	vadd.f32 v31, v30  }
0xab: {  	v36 =	vadd.f32 v40, v38;
	v32 =	vadd.f32 v34, v32;
	v31 =	vld [tilespmem:s7+$0x3180]  }
0xac: {  	v25 =	vadd.f32 v25, v42;
	v34 =	vadd.f32 v41, v39;
	v38 =	vld [tilespmem:s7+$0x49B0]  }
0xad: {  	v28 =	vadd.f32 v28, v43;
	v27 =	vadd.f32 v27, v44;
	v39 =	vld [tilespmem:s7+$0x49A0]  }
0xae: {  	v29 =	vadd.f32 v29, v30;
	v33 =	vadd.f32 v37, v33;
	v40 =	vld [tilespmem:s7+$0x4980]  }
0xaf: {  	v32 =	vadd.f32 v35, v32;
	v30 =	vadd.f32 v45, v36;
	v36 =	vld [tilespmem:s7+$0x4990]  }
0xb0: {  	v18 =	vadd.f32 v18, v25;
	v31 =	vadd.f32 v31, v34;
	v34 =	vld [tilespmem:s7+$0x6180]  }
0xb1: {  	v24 =	vadd.f32 v24, v28;
	v21 =	vadd.f32 v21, v27;
	v25 =	vld [tilespmem:s7+$0x7980]  }
0xb2: {  	v26 =	vadd.f32 v26, v29;
	v28 =	vadd.f32 v38, v33;
	v27 =	vld [tilespmem:s7+$0x6190]  }
0xb3: {  	v29 =	vadd.f32 v40, v31;
	v31 =	vadd.f32 v39, v32;
	v32 =	vld [tilespmem:s7+$0x61A0]  }
0xb4: {  	v14 =	vadd.f32 v14, v18;
	v30 =	vadd.f32 v36, v30;
	v33 =	vld [tilespmem:s7+$0x7990]  }
0xb5: {  	v16 =	vadd.f32 v16, v21;
	v18 =	vadd.f32 v34, v29;
	v29 =	vld [tilespmem:s7+$0x79A0]  }
0xb6: {  	v17 =	vadd.f32 v17, v24;
	v20 =	vadd.f32 v20, v26;
	v21 =	vld [tilespmem:s7+$0x9190]  }
0xb7: {  	v18 =	vadd.f32 v25, v18;
	v24 =	vadd.f32 v27, v30;
	v25 =	vld [tilespmem:s7+$0x79B0]  }
0xb8: {  	v22 =	vadd.f32 v22, v28;
	v26 =	vadd.f32 v32, v31;
	v27 =	vld [tilespmem:s7+$0x91A0]  }
0xb9: {  	v18 =	vadd.f32 v23, v18;
	v23 =	vadd.f32 v33, v24;
	v24 =	vld [tilespmem:s7+$0x79C0]  }
0xba: {  	v26 =	vadd.f32 v29, v26;
	v28 =	vld [tilespmem:s7+$0xA9A0];
	v29 =	vadd.f32 v12, v14  }
0xbb: {  	v12 =	vadd.f32 v19, v18;
	v14 =	vadd.f32 v21, v23;
	v18 =	vld [tilespmem:s7+$0x79D0]  }
0xbc: {  	v11 =	vadd.f32 v11, v16;
	v19 =	vadd.f32 v25, v22;
	v21 =	vld [tilespmem:s7+$0xA9B0]  }
0xbd: {  	v12 =	vmul.f32 $1.250000000e-01, v12;
	v14 =	vadd.f32 v15, v14;
	v15 =	vadd.f32 v27, v26;
	v16 =	vld [tilespmem:s7+$0x91D0]  }
0xbe: {  	v13 =	vadd.f32 v13, v19;
	v19 =	vadd.f32 v24, v20;
	v20 =	vld [tilespmem:s7+$0xA9C0]  }
0xbf: {  	v12 =	vmax.f32 v12, $0.0e+00;
	v14 =	vmul.f32 $1.250000000e-01, v14;
	v15 =	vadd.f32 v28, v15;
	v22 =	vld [tilespmem:s7+$0x91E0]  }
0xc0: {  	v12 =	vmul.f32 v12, v7;
	v10 =	vadd.f32 v10, v19;
	v17 =	vadd.f32 v18, v17;
	v18 =	vld [tilespmem:s7+$0xA9D0]  }
0xc1: {  	v14 =	vmax.f32 v14, $0.0e+00;
	v15 =	vmul.f32 $1.250000000e-01, v15;
	v13 =	vadd.f32 v21, v13;
	v19 =	vld [tilespmem:s7+$0x91F0]  }
0xc2: {  	v21 =	vadd.f32 $0.0e+00, v12;
	v14 =	vmul.f32 v14, v6;
	v16 =	vadd.f32 v16, v17;
	v17 =	vld [tilespmem:s7+$0xA9E0]  }
0xc3: {  	v15 =	vmax.f32 v15, $0.0e+00;
	v13 =	vmul.f32 $1.250000000e-01, v13;
	v10 =	vadd.f32 v20, v10;
	v20 =	vld [tilespmem:s7+$0xA9F0];
	s7 =	sshra.s32 s8, $0x2  }
0xc4: {  	v12 =	vld [tilespmem:s7+$0x79F0];
	v21 =	vadd.f32 v14, v21;
	v15 =	vmul.f32 v15, v5;
	v22 =	vadd.f32 v22, v11  }
0xc5: {  	v11 =	vld [tilespmem:s7+$0x79E0];
	v13 =	vmax.f32 v13, $0.0e+00;
	v23 =	vmul.f32 $1.250000000e-01, v10;
	v16 =	vadd.f32 v18, v16  }
0xc6: {  	v14 =	vld [tilespmem:s7+$0x61F0];
	v15 =	vadd.f32 v15, v21;
	v13 =	vmul.f32 v13, v4;
	v19 =	vadd.f32 v19, v29  }
0xc7: {  	v10 =	vld [tilespmem:s7+$0x91C0];
	v18 =	vmax.f32 v23, $0.0e+00;
	v21 =	vmul.f32 $1.250000000e-01, v16;
	v17 =	vadd.f32 v17, v22  }
0xc8: {  	v16 =	vld [tilespmem:s7+$0x61E0];
	v15 =	vadd.f32 v13, v15;
	v22 =	vmul.f32 v18, v3  }
0xc9: {  	v19 =	vadd.f32 v20, v19;
	v18 =	vld [tilespmem:s7+$0x49F0];
	v21 =	vmax.f32 v21, $0.0e+00;
	v23 =	vmul.f32 $1.250000000e-01, v17  }
0xca: {  	v13 =	vld [tilespmem:s7+$0x91B0];
	v15 =	vadd.f32 v22, v15;
	v20 =	vmul.f32 v21, v2  }
0xcb: {  	v19 =	vmul.f32 $1.250000000e-01, v19;
	v17 =	vld [tilespmem:s7+$0x61D0];
	v22 =	vmax.f32 v23, $0.0e+00  }
0xcc: {  	v21 =	vld [tilespmem:s7+$0x49E0];
	v20 =	vadd.f32 v20, v15;
	v22 =	vmul.f32 v22, v1  }
0xcd: {  	v19 =	vmax.f32 v19, $0.0e+00;
	v25 =	vld [tilespmem:s7+$0x31F0]  }
0xce: {  	v19 =	vmul.f32 v19, v0;
	v15 =	vld [tilespmem:s7+$0xA990];
	v22 =	vadd.f32 v22, v20  }
0xcf: {  	v20 =	vld [tilespmem:s7+$0x61C0]  }
0xd0: {  	v24 =	vld [tilespmem:s7+$0x49D0];
	v19 =	vadd.f32 v19, v22  }
0xd1: {  	v27 =	vld [tilespmem:s7+$0x31E0]  }
0xd2: {  	v35 =	vld [tilespmem:s7+$0x1F0];
	(xrf2) =	vadd.scan.msk.f32 $0xffff, v19  }
0xd3: {  	v42 =	vld [tilespmem:s7+$0x19F0]  }
0xd4: {  	v19 =	vld [tilespmem:s7+$0xA980]  }
0xd5: {  	v22 =	vld [tilespmem:s7+$0x61B0]  }
0xd6: {  	v26 =	vld [tilespmem:s7+$0x49C0]  }
0xd7: {  	v28 =	vld [tilespmem:s7+$0x31D0]  }
0xd8: {  	v44 =	vld [tilespmem:s7+$0x1E0]  }
0xd9: {  	v45 =	vld [tilespmem:s7+$0x19E0]  }
0xda: {  	v23 =	vld [tilespmem:s7+$0x9180]  }
0xdb: {  	v29 =	vld [tilespmem:s7+$0x31C0]  }
0xdc: {  	s6 =	sadd.s32 $0x1, s6;
	v43 =	vld [tilespmem:s7+$0x1D0];
	v30, _, _ =	vpop (xrf2)  }
0xdd: {  	v31 =	vmov s6;
	v46 =	vld [tilespmem:s7+$0x19D0];
	v32 =	vbroadcast v30, $0xF  }
0xde: {  	vm0 =	veq.s32 v31, v8;
	v30 =	vld [tilespmem:s7+$0x1C0]  }
0xdf: {  	v31 =	vld [tilespmem:s7+$0x19C0];
	v9 =	vsel vm0, v32, v9  }
0xe0: {  	v33 =	vld [tilespmem:s7+$0x1B0]  }
0xe1: {  	v36 =	vld [tilespmem:s7+$0x19B0]  }
0xe2: {  	v32 =	vld [tilespmem:s7+$0x1A0]  }
0xe3: {  	v34 =	vld [tilespmem:s7+$0x19A0]  }
0xe4: {  	v38 =	vld [tilespmem:s7+$0x190]  }
.Ltmp0:
0xe5: {  	v40 =	vld [tilespmem:s7+$0x1990];
	(pc) =	sbr.rel @p0 .LBB2_1-.Ltmp0, $4  }
0xe6: {  	v39 =	vld [tilespmem:s7+$0x180]  }
0xe7: {  	v41 =	vld [tilespmem:s7+$0x1980]  }
0xe8: {  	v42 =	vadd.f32 v42, v35;
	v37 =	vld [tilespmem:s7+$0x31B0]  }
0xe9: {  	s8 =	sadd.s32 $0x200, s8;
	v44 =	vadd.f32 v45, v44;
	v43 =	vadd.f32 v46, v43;
	v35 =	vld [tilespmem:s7+$0x31A0]  }
0xea: {  	v45 =	vld [tilespmem:s7+$0x3190];
	v33 =	vadd.f32 v36, v33;
	v30 =	vadd.f32 v31, v30  }
0xeb: {  	v31 =	vld [tilespmem:s7+$0x3180];
	v47 =	vadd.f32 v40, v38;
	v32 =	vadd.f32 v34, v32  }
0xec: {  	v49 =	vld [tilespmem:s7+$0x49B0];
	v25 =	vadd.f32 v25, v42;
	v28 =	vadd.f32 v28, v43  }
0xed: {  	v50 =	vld [tilespmem:s7+$0x49A0];
	v27 =	vadd.f32 v27, v44;
	v48 =	vadd.f32 v41, v39  }
0xee: {  	v51 =	vld [tilespmem:s7+$0x4980];
	v29 =	vadd.f32 v29, v30;
	v18 =	vadd.f32 v18, v25  }
0xef: {  	v52 =	vld [tilespmem:s7+$0x4990];
	v33 =	vadd.f32 v37, v33;
	v24 =	vadd.f32 v24, v28  }
0xf0: {  	v53 =	vld [tilespmem:s7+$0x6180];
	v21 =	vadd.f32 v21, v27;
	v32 =	vadd.f32 v35, v32  }
0xf1: {  	v25 =	vld [tilespmem:s7+$0x7980];
	v26 =	vadd.f32 v26, v29;
	v31 =	vadd.f32 v31, v48  }
0xf2: {  	v27 =	vld [tilespmem:s7+$0x6190];
	v14 =	vadd.f32 v14, v18;
	v30 =	vadd.f32 v45, v47  }
0xf3: {  	v54 =	vld [tilespmem:s7+$0x61A0];
	v28 =	vadd.f32 v49, v33;
	v29 =	vadd.f32 v51, v31  }
0xf4: {  	v55 =	vld [tilespmem:s7+$0x7990];
	v16 =	vadd.f32 v16, v21;
	v17 =	vadd.f32 v17, v24  }
0xf5: {  	v30 =	vadd.f32 v52, v30;
	v18 =	vadd.f32 v53, v29;
	v29 =	vld [tilespmem:s7+$0x79A0]  }
0xf6: {  	v21 =	vld [tilespmem:s7+$0x9190];
	v20 =	vadd.f32 v20, v26;
	v31 =	vadd.f32 v50, v32  }
0xf7: {  	v24 =	vadd.f32 v27, v30;
	v18 =	vadd.f32 v25, v18;
	v25 =	vld [tilespmem:s7+$0x79B0]  }
0xf8: {  	v12 =	vadd.f32 v12, v14;
	v26 =	vadd.f32 v54, v31;
	v27 =	vld [tilespmem:s7+$0x91A0]  }
0xf9: {  	v18 =	vadd.f32 v23, v18;
	v23 =	vadd.f32 v55, v24;
	v24 =	vld [tilespmem:s7+$0x79C0]  }
0xfa: {  	v22 =	vadd.f32 v22, v28;
	v28 =	vld [tilespmem:s7+$0xA9A0];
	v26 =	vadd.f32 v29, v26  }
0xfb: {  	v14 =	vadd.f32 v19, v18;
	v18 =	vadd.f32 v21, v23;
	v19 =	vld [tilespmem:s7+$0x79D0]  }
0xfc: {  	v11 =	vadd.f32 v11, v16;
	v21 =	vadd.f32 v25, v22;
	v22 =	vld [tilespmem:s7+$0xA9B0]  }
0xfd: {  	v16 =	vadd.f32 v27, v26;
	v14 =	vmul.f32 $1.250000000e-01, v14;
	v15 =	vadd.f32 v15, v18;
	v18 =	vld [tilespmem:s7+$0x91D0]  }
0xfe: {  	v13 =	vadd.f32 v13, v21;
	v20 =	vadd.f32 v24, v20;
	v21 =	vld [tilespmem:s7+$0xA9C0]  }
0xff: {  	v23 =	vld [tilespmem:s7+$0x91E0];
	v16 =	vadd.f32 v28, v16;
	v14 =	vmax.f32 v14, $0.0e+00;
	v15 =	vmul.f32 $1.250000000e-01, v15  }
0x100: {  	v7 =	vmul.f32 v14, v7;
	v10 =	vadd.f32 v10, v20;
	v14 =	vadd.f32 v19, v17;
	v17 =	vld [tilespmem:s7+$0xA9D0]  }
0x101: {  	v16 =	vmul.f32 $1.250000000e-01, v16;
	v19 =	vld [tilespmem:s7+$0x91F0];
	v15 =	vmax.f32 v15, $0.0e+00;
	v13 =	vadd.f32 v22, v13  }
0x102: {  	v7 =	vadd.f32 $0.0e+00, v7;
	v6 =	vmul.f32 v15, v6;
	v14 =	vadd.f32 v18, v14;
	v15 =	vld [tilespmem:s7+$0xA9E0]  }
0x103: {  	v16 =	vmax.f32 v16, $0.0e+00;
	v13 =	vmul.f32 $1.250000000e-01, v13;
	v10 =	vadd.f32 v21, v10  }
0x104: {  	v18 =	vld [tilespmem:s7+$0xA9F0];
	v5 =	vmul.f32 v16, v5;
	v6 =	vadd.f32 v6, v7;
	v7 =	vadd.f32 v23, v11  }
0x105: {  	v11 =	vmax.f32 v13, $0.0e+00;
	v10 =	vmul.f32 $1.250000000e-01, v10;
	v13 =	vadd.f32 v17, v14  }
0x106: {  	v5 =	vadd.f32 v5, v6;
	v4 =	vmul.f32 v11, v4;
	v6 =	vadd.f32 v19, v12  }
0x107: {  	v10 =	vmax.f32 v10, $0.0e+00;
	v11 =	vmul.f32 $1.250000000e-01, v13;
	v7 =	vadd.f32 v15, v7  }
0x108: {  	v4 =	vadd.f32 v4, v5;
	v3 =	vmul.f32 v10, v3  }
0x109: {  	v6 =	vadd.f32 v18, v6;
	v5 =	vmax.f32 v11, $0.0e+00;
	v7 =	vmul.f32 $1.250000000e-01, v7  }
0x10a: {  	v3 =	vadd.f32 v3, v4;
	v2 =	vmul.f32 v5, v2  }
0x10b: {  	v5 =	vmul.f32 $1.250000000e-01, v6;
	v4 =	vmax.f32 v7, $0.0e+00  }
0x10c: {  	v2 =	vadd.f32 v2, v3;
	v1 =	vmul.f32 v4, v1  }
0x10d: {  	v3 =	vmax.f32 v5, $0.0e+00  }
0x10e: {  	v0 =	vmul.f32 v3, v0;
	v1 =	vadd.f32 v1, v2;
	_ =	sdelay $0x1  }
0x10f: {  	v0 =	vadd.f32 v0, v1;
	_ =	sdelay $0x1  }
0x110: {  	(xrf2) =	vadd.scan.msk.f32 $0xffff, v0;
	_ =	sdelay $0x7  }
0x111: {  	v6 =	vld [tilespmem:$0xC190]  }
0x112: {  	v0 =	vld [tilespmem:$0xC200]  }
0x113: {  	s6 =	sadd.s32 $0x1, s6;
	v7 =	vld [tilespmem:$0xC180];
	v1, _, _ =	vpop (xrf2)  }
0x114: {  	v5 =	vld [tilespmem:$0xC1A0];
	v2 =	vmov s6;
	v1 =	vbroadcast v1, $0xF  }
0x115: {  	v4 =	vld [tilespmem:$0xC1B0];
	vm0 =	veq.s32 v2, v8  }
0x116: {  	v3 =	vld [tilespmem:$0xC1C0];
	v1 =	vsel vm0, v1, v9  }
0x117: {  	v2 =	vld [tilespmem:$0xC1D0];
	v0 =	vadd.f32 v0, v1  }
0x118: {  	v1 =	vld [tilespmem:$0xC1E0]  }
0x119: {  	s31 =	simm.s32 $0x0;
	[tilespmem:$0xC280] =	vst v0;
	v0 =	vld [tilespmem:$0xC1F0]  }
0x11a: {  	v8 =	vld [tilespmem:s31+$0x81F0]  }
0x11b: {  	v9 =	vld [tilespmem:s31+$0x81E0]  }
0x11c: {  	v10 =	vld [tilespmem:s31+$0x69F0]  }
0x11d: {  	v13 =	vld [tilespmem:s31+$0x99C0]  }
0x11e: {  	v11 =	vld [tilespmem:s31+$0x69E0]  }
0x11f: {  	v12 =	vld [tilespmem:s31+$0x51F0]  }
0x120: {  	v15 =	vld [tilespmem:s31+$0x99B0]  }
0x121: {  	v14 =	vld [tilespmem:s31+$0x69D0]  }
0x122: {  	v16 =	vld [tilespmem:s31+$0x51E0]  }
0x123: {  	v17 =	vld [tilespmem:s31+$0x39F0]  }
0x124: {  	v18 =	vld [tilespmem:s31+$0xB190]  }
0x125: {  	v19 =	vld [tilespmem:s31+$0x69C0]  }
0x126: {  	v20 =	vld [tilespmem:s31+$0x51D0]  }
0x127: {  	v21 =	vld [tilespmem:s31+$0x39E0]  }
0x128: {  	v22 =	vld [tilespmem:s31+$0x9F0]  }
0x129: {  	v23 =	vld [tilespmem:s31+$0x21F0]  }
0x12a: {  	v24 =	vld [tilespmem:s31+$0xB180]  }
0x12b: {  	v25 =	vld [tilespmem:s31+$0x69B0]  }
0x12c: {  	v26 =	vld [tilespmem:s31+$0x51C0]  }
0x12d: {  	v27 =	vld [tilespmem:s31+$0x39D0]  }
0x12e: {  	v28 =	vld [tilespmem:s31+$0x9E0]  }
0x12f: {  	v29 =	vld [tilespmem:s31+$0x21E0]  }
0x130: {  	v30 =	vld [tilespmem:s31+$0x9980]  }
0x131: {  	v31 =	vld [tilespmem:s31+$0x39C0]  }
0x132: {  	v32 =	vld [tilespmem:s31+$0x9D0]  }
0x133: {  	v56 =	vld [tilespmem:s31+$0x21D0]  }
0x134: {  	v34 =	vld [tilespmem:s31+$0x9C0]  }
0x135: {  	v35 =	vld [tilespmem:s31+$0x21C0]  }
0x136: {  	v57 =	vld [tilespmem:s31+$0x9B0]  }
0x137: {  	v58 =	vld [tilespmem:s31+$0x21B0]  }
0x138: {  	v38 =	vld [tilespmem:s31+$0x9A0]  }
0x139: {  	v39 =	vld [tilespmem:s31+$0x21A0]  }
0x13a: {  	v59 =	vld [tilespmem:s31+$0x990]  }
0x13b: {  	v60 =	vld [tilespmem:s31+$0x2190]  }
0x13c: {  	v61 =	vld [tilespmem:s31+$0x980]  }
0x13d: {  	v62 =	vld [tilespmem:s31+$0x2180]  }
0x13e: {  	v63 =	vld [tilespmem:s31+$0x39B0]  }
0x13f: {  	v45 =	vld [tilespmem:s31+$0x39A0]  }
0x140: {  	v46 =	vld [tilespmem:s31+$0x3990]  }
0x141: {  	v47 =	vld [tilespmem:s31+$0x3980]  }
0x142: {  	v48 =	vld [tilespmem:s31+$0x51B0]  }
0x143: {  	v49 =	vld [tilespmem:s31+$0x51A0]  }
0x144: {  	v50 =	vld [tilespmem:s31+$0x5180]  }
0x145: {  	v51 =	vld [tilespmem:s31+$0x5190]  }
0x146: {  	v52 =	vld [tilespmem:s31+$0x6980]  }
0x147: {  	v53 =	vld [tilespmem:s31+$0x8180]  }
0x148: {  	s6 =	simm.s32 $0x80;
	v54 =	vld [tilespmem:s31+$0x99E0];
	v22 =	vadd.f32 v23, v22  }
0x149: {  	v33 =	vld [tilespmem:s6+$0x9B0];
	v32 =	vadd.f32 v56, v32;
	v28 =	vadd.f32 v29, v28  }
0x14a: {  	v40 =	vld [tilespmem:s6+$0x980];
	v56 =	vadd.f32 v58, v57;
	v34 =	vadd.f32 v35, v34  }
0x14b: {  	v41 =	vld [tilespmem:s6+$0x2180];
	v58 =	vadd.f32 v60, v59;
	v59 =	vadd.f32 v39, v38  }
0x14c: {  	v37 =	vld [tilespmem:s6+$0x39B0];
	v61 =	vadd.f32 v62, v61;
	v17 =	vadd.f32 v17, v22  }
0x14d: {  	v23 =	vld [tilespmem:s31+$0x6990];
	v27 =	vadd.f32 v27, v32;
	v21 =	vadd.f32 v21, v28  }
0x14e: {  	v29 =	vld [tilespmem:s31+$0x69A0];
	v62 =	vadd.f32 v63, v56;
	v31 =	vadd.f32 v31, v34  }
0x14f: {  	v57 =	vld [tilespmem:s31+$0x8190];
	v44 =	vadd.f32 v46, v58;
	v45 =	vadd.f32 v45, v59  }
0x150: {  	v60 =	vld [tilespmem:s31+$0x81A0];
	v39 =	vadd.f32 v47, v61;
	v12 =	vadd.f32 v12, v17  }
0x151: {  	v38 =	vld [tilespmem:s6+$0x990];
	v20 =	vadd.f32 v20, v27;
	v16 =	vadd.f32 v16, v21  }
0x152: {  	v35 =	vld [tilespmem:s6+$0x39A0];
	v27 =	vadd.f32 v48, v62;
	v26 =	vadd.f32 v26, v31  }
0x153: {  	v22 =	vld [tilespmem:s31+$0x9990];
	v48 =	vadd.f32 v50, v39;
	v36 =	vadd.f32 v49, v45  }
0x154: {  	v28 =	vld [tilespmem:s31+$0x81B0];
	v34 =	vadd.f32 v51, v44;
	v10 =	vadd.f32 v10, v12  }
0x155: {  	v63 =	vld [tilespmem:s31+$0x99A0];
	v12 =	vadd.f32 v52, v48;
	v16 =	vadd.f32 v11, v16  }
0x156: {  	v46 =	vld [tilespmem:s31+$0x81C0];
	v19 =	vadd.f32 v19, v26;
	v20 =	vadd.f32 v14, v20  }
0x157: {  	v56 =	vld [tilespmem:s6+$0x9F0];
	v11 =	vadd.f32 v53, v12;
	v12 =	vadd.f32 v23, v34  }
0x158: {  	v58 =	vld [tilespmem:s6+$0x9E0];
	v14 =	vadd.f32 v29, v36;
	v25 =	vadd.f32 v25, v27  }
0x159: {  	v59 =	vld [tilespmem:s6+$0x21E0];
	v11 =	vadd.f32 v30, v11;
	v29 =	vadd.f32 v57, v12  }
0x15a: {  	v17 =	vld [tilespmem:s31+$0xB1A0];
	v55 =	vadd.f32 v60, v14;
	v8 =	vadd.f32 v8, v10  }
0x15b: {  	v21 =	vld [tilespmem:s31+$0x81D0];
	v10 =	vadd.f32 v24, v11;
	v22 =	vadd.f32 v22, v29  }
0x15c: {  	v31 =	vld [tilespmem:s31+$0xB1B0];
	v9 =	vadd.f32 v9, v16;
	v24 =	vadd.f32 v28, v25  }
0x15d: {  	v50 =	vld [tilespmem:s31+$0x99D0];
	v25 =	vmul.f32 $1.250000000e-01, v10;
	v18 =	vadd.f32 v18, v22;
	v22 =	vadd.f32 v63, v55  }
0x15e: {  	v51 =	vld [tilespmem:s31+$0xB1C0];
	v19 =	vadd.f32 v46, v19;
	v15 =	vadd.f32 v15, v24  }
0x15f: {  	v61 =	vld [tilespmem:s6+$0x21D0];
	v24 =	vmax.f32 v25, $0.0e+00;
	v25 =	vmul.f32 $1.250000000e-01, v18;
	v17 =	vadd.f32 v17, v22  }
0x160: {  	v26 =	vld [tilespmem:s31+$0xB1D0];
	v20 =	vadd.f32 v21, v20;
	v19 =	vadd.f32 v13, v19;
	v22 =	vmul.f32 v24, v7  }
0x161: {  	v27 =	vld [tilespmem:s31+$0xB1E0];
	v15 =	vadd.f32 v31, v15;
	v21 =	vmax.f32 v25, $0.0e+00;
	v24 =	vmul.f32 $1.250000000e-01, v17  }
0x162: {  	v23 =	vld [tilespmem:s31+$0x99F0];
	v20 =	vadd.f32 v50, v20;
	v22 =	vadd.f32 $0.0e+00, v22;
	v28 =	vmul.f32 v21, v6  }
0x163: {  	v32 =	vld [tilespmem:s6+$0x9A0];
	v19 =	vadd.f32 v51, v19;
	v29 =	vmul.f32 $1.250000000e-01, v15;
	v24 =	vmax.f32 v24, $0.0e+00  }
0x164: {  	v30 =	vld [tilespmem:s31+$0xB1F0];
	v9 =	vadd.f32 v54, v9;
	v22 =	vadd.f32 v28, v22;
	v24 =	vmul.f32 v24, v5  }
0x165: {  	v39 =	vld [tilespmem:s6+$0x2190];
	v26 =	vadd.f32 v26, v20;
	v19 =	vmul.f32 $1.250000000e-01, v19;
	v28 =	vmax.f32 v29, $0.0e+00  }
0x166: {  	v36 =	vld [tilespmem:s6+$0x21B0];
	v9 =	vadd.f32 v27, v9;
	v28 =	vmul.f32 v28, v4;
	v22 =	vadd.f32 v24, v22  }
0x167: {  	v14 =	vld [tilespmem:s6+$0x69F0];
	v8 =	vadd.f32 v23, v8;
	v23 =	vmul.f32 $1.250000000e-01, v26;
	v19 =	vmax.f32 v19, $0.0e+00  }
0x168: {  	v16 =	vld [tilespmem:s6+$0x69E0];
	v19 =	vmul.f32 v19, v3;
	v22 =	vadd.f32 v28, v22  }
0x169: {  	v60 =	vld [tilespmem:s6+$0x9D0];
	v9 =	vmul.f32 $1.250000000e-01, v9;
	v8 =	vadd.f32 v30, v8;
	v23 =	vmax.f32 v23, $0.0e+00  }
0x16a: {  	v34 =	vld [tilespmem:s6+$0x21A0];
	v23 =	vmul.f32 v23, v2;
	v26 =	vadd.f32 v19, v22  }
0x16b: {  	v12 =	vld [tilespmem:s6+$0x81F0];
	v9 =	vmax.f32 v9, $0.0e+00;
	v8 =	vmul.f32 $1.250000000e-01, v8  }
0x16c: {  	v13 =	vld [tilespmem:s6+$0x99B0];
	v9 =	vmul.f32 v9, v1;
	v23 =	vadd.f32 v23, v26  }
0x16d: {  	v57 =	vld [tilespmem:s6+$0x21F0];
	v8 =	vmax.f32 v8, $0.0e+00  }
0x16e: {  	v11 =	vld [tilespmem:s6+$0x81E0];
	v8 =	vmul.f32 v8, v0;
	v9 =	vadd.f32 v9, v23  }
0x16f: {  	v27 =	vld [tilespmem:s6+$0x39E0]  }
0x170: {  	v20 =	vld [tilespmem:s6+$0x69C0];
	v8 =	vadd.f32 v8, v9  }
0x171: {  	v10 =	vld [tilespmem:s6+$0x99C0]  }
0x172: {  	v30 =	vld [tilespmem:s6+$0x9C0];
	(xrf2) =	vadd.scan.msk.f32 $0xffff, v8  }
0x173: {  	v18 =	vld [tilespmem:s6+$0x51F0]  }
0x174: {  	v31 =	vld [tilespmem:s6+$0x21C0]  }
0x175: {  	v17 =	vld [tilespmem:s6+$0x69D0]  }
0x176: {  	v25 =	vld [tilespmem:s6+$0x39F0]  }
0x177: {  	v15 =	vld [tilespmem:s6+$0xB190]  }
0x178: {  	v21 =	vld [tilespmem:s6+$0x51E0]  }
0x179: {  	v29 =	vld [tilespmem:s6+$0x39C0]  }
0x17a: {  	v24 =	vld [tilespmem:s6+$0x51D0]  }
0x17b: {  	v28 =	vld [tilespmem:s6+$0x39D0]  }
0x17c: {  	s7 =	simm.s32 $0x0;
	v19 =	vld [tilespmem:s6+$0xB180];
	v9, _, _ =	vpop (xrf2)  }
0x17d: {  	v62 =	vmov s7;
	v22 =	vld [tilespmem:s6+$0x69B0];
	v8 =	vlaneseq.u32;
	v9 =	vbroadcast v9, $0xF  }
0x17e: {  	v44 =	vadd.f32 v59, v58;
	v63 =	vimm.f32 $0.0e+00;
	v26 =	vld [tilespmem:s6+$0x51C0];
	vm15 =	veq.s32 v62, v8  }
0x17f: {  	s8 =	simm.s32 $0x400;
	v43 =	vadd.f32 v61, v60;
	v42 =	vadd.f32 v57, v56;
	v23 =	vld [tilespmem:s6+$0x9980];
	v9 =	vsel vm15, v9, v63  }
.LBB2_3:
0x180: {  	p0 =	sne.s32 s8, $0x1E00;
	v45 =	vld [tilespmem:s6+$0x3990];
	v33 =	vadd.f32 v36, v33;
	v30 =	vadd.f32 v31, v30  }
0x181: {  	v36 =	vadd.f32 v39, v38;
	v32 =	vadd.f32 v34, v32;
	v31 =	vld [tilespmem:s6+$0x3980]  }
0x182: {  	v25 =	vadd.f32 v25, v42;
	v34 =	vadd.f32 v41, v40;
	v38 =	vld [tilespmem:s6+$0x51B0]  }
0x183: {  	v28 =	vadd.f32 v28, v43;
	v27 =	vadd.f32 v27, v44;
	v39 =	vld [tilespmem:s6+$0x51A0]  }
0x184: {  	v29 =	vadd.f32 v29, v30;
	v33 =	vadd.f32 v37, v33;
	v40 =	vld [tilespmem:s6+$0x5180]  }
0x185: {  	v32 =	vadd.f32 v35, v32;
	v30 =	vadd.f32 v45, v36;
	v36 =	vld [tilespmem:s6+$0x5190]  }
0x186: {  	v18 =	vadd.f32 v18, v25;
	v31 =	vadd.f32 v31, v34;
	v34 =	vld [tilespmem:s6+$0x6980]  }
0x187: {  	v24 =	vadd.f32 v24, v28;
	v21 =	vadd.f32 v21, v27;
	v25 =	vld [tilespmem:s6+$0x8180]  }
0x188: {  	v26 =	vadd.f32 v26, v29;
	v28 =	vadd.f32 v38, v33;
	v27 =	vld [tilespmem:s6+$0x6990]  }
0x189: {  	v29 =	vadd.f32 v40, v31;
	v31 =	vadd.f32 v39, v32;
	v32 =	vld [tilespmem:s6+$0x69A0]  }
0x18a: {  	v14 =	vadd.f32 v14, v18;
	v30 =	vadd.f32 v36, v30;
	v33 =	vld [tilespmem:s6+$0x8190]  }
0x18b: {  	v16 =	vadd.f32 v16, v21;
	v18 =	vadd.f32 v34, v29;
	v29 =	vld [tilespmem:s6+$0x81A0]  }
0x18c: {  	v17 =	vadd.f32 v17, v24;
	v20 =	vadd.f32 v20, v26;
	v21 =	vld [tilespmem:s6+$0x9990]  }
0x18d: {  	v18 =	vadd.f32 v25, v18;
	v24 =	vadd.f32 v27, v30;
	v25 =	vld [tilespmem:s6+$0x81B0]  }
0x18e: {  	v22 =	vadd.f32 v22, v28;
	v26 =	vadd.f32 v32, v31;
	v27 =	vld [tilespmem:s6+$0x99A0]  }
0x18f: {  	v18 =	vadd.f32 v23, v18;
	v23 =	vadd.f32 v33, v24;
	v24 =	vld [tilespmem:s6+$0x81C0]  }
0x190: {  	v26 =	vadd.f32 v29, v26;
	v28 =	vld [tilespmem:s6+$0xB1A0];
	v29 =	vadd.f32 v12, v14  }
0x191: {  	v12 =	vadd.f32 v19, v18;
	v14 =	vadd.f32 v21, v23;
	v18 =	vld [tilespmem:s6+$0x81D0]  }
0x192: {  	v11 =	vadd.f32 v11, v16;
	v19 =	vadd.f32 v25, v22;
	v21 =	vld [tilespmem:s6+$0xB1B0]  }
0x193: {  	v12 =	vmul.f32 $1.250000000e-01, v12;
	v14 =	vadd.f32 v15, v14;
	v15 =	vadd.f32 v27, v26;
	v16 =	vld [tilespmem:s6+$0x99D0]  }
0x194: {  	v13 =	vadd.f32 v13, v19;
	v19 =	vadd.f32 v24, v20;
	v20 =	vld [tilespmem:s6+$0xB1C0]  }
0x195: {  	v12 =	vmax.f32 v12, $0.0e+00;
	v14 =	vmul.f32 $1.250000000e-01, v14;
	v15 =	vadd.f32 v28, v15;
	v22 =	vld [tilespmem:s6+$0x99E0]  }
0x196: {  	v12 =	vmul.f32 v12, v7;
	v10 =	vadd.f32 v10, v19;
	v17 =	vadd.f32 v18, v17;
	v18 =	vld [tilespmem:s6+$0xB1D0]  }
0x197: {  	v14 =	vmax.f32 v14, $0.0e+00;
	v15 =	vmul.f32 $1.250000000e-01, v15;
	v13 =	vadd.f32 v21, v13;
	v19 =	vld [tilespmem:s6+$0x99F0]  }
0x198: {  	v21 =	vadd.f32 $0.0e+00, v12;
	v14 =	vmul.f32 v14, v6;
	v16 =	vadd.f32 v16, v17;
	v17 =	vld [tilespmem:s6+$0xB1E0]  }
0x199: {  	v15 =	vmax.f32 v15, $0.0e+00;
	v13 =	vmul.f32 $1.250000000e-01, v13;
	v10 =	vadd.f32 v20, v10;
	v20 =	vld [tilespmem:s6+$0xB1F0];
	s6 =	sshra.s32 s8, $0x2  }
0x19a: {  	v12 =	vld [tilespmem:s6+$0x81F0];
	v21 =	vadd.f32 v14, v21;
	v15 =	vmul.f32 v15, v5;
	v22 =	vadd.f32 v22, v11  }
0x19b: {  	v11 =	vld [tilespmem:s6+$0x81E0];
	v13 =	vmax.f32 v13, $0.0e+00;
	v23 =	vmul.f32 $1.250000000e-01, v10;
	v16 =	vadd.f32 v18, v16  }
0x19c: {  	v14 =	vld [tilespmem:s6+$0x69F0];
	v15 =	vadd.f32 v15, v21;
	v13 =	vmul.f32 v13, v4;
	v19 =	vadd.f32 v19, v29  }
0x19d: {  	v10 =	vld [tilespmem:s6+$0x99C0];
	v18 =	vmax.f32 v23, $0.0e+00;
	v21 =	vmul.f32 $1.250000000e-01, v16;
	v17 =	vadd.f32 v17, v22  }
0x19e: {  	v16 =	vld [tilespmem:s6+$0x69E0];
	v15 =	vadd.f32 v13, v15;
	v22 =	vmul.f32 v18, v3  }
0x19f: {  	v19 =	vadd.f32 v20, v19;
	v18 =	vld [tilespmem:s6+$0x51F0];
	v21 =	vmax.f32 v21, $0.0e+00;
	v23 =	vmul.f32 $1.250000000e-01, v17  }
0x1a0: {  	v13 =	vld [tilespmem:s6+$0x99B0];
	v15 =	vadd.f32 v22, v15;
	v20 =	vmul.f32 v21, v2  }
0x1a1: {  	v19 =	vmul.f32 $1.250000000e-01, v19;
	v17 =	vld [tilespmem:s6+$0x69D0];
	v22 =	vmax.f32 v23, $0.0e+00  }
0x1a2: {  	v21 =	vld [tilespmem:s6+$0x51E0];
	v20 =	vadd.f32 v20, v15;
	v22 =	vmul.f32 v22, v1  }
0x1a3: {  	v19 =	vmax.f32 v19, $0.0e+00;
	v25 =	vld [tilespmem:s6+$0x39F0]  }
0x1a4: {  	v19 =	vmul.f32 v19, v0;
	v15 =	vld [tilespmem:s6+$0xB190];
	v22 =	vadd.f32 v22, v20  }
0x1a5: {  	v20 =	vld [tilespmem:s6+$0x69C0]  }
0x1a6: {  	v24 =	vld [tilespmem:s6+$0x51D0];
	v19 =	vadd.f32 v19, v22  }
0x1a7: {  	v27 =	vld [tilespmem:s6+$0x39E0]  }
0x1a8: {  	v35 =	vld [tilespmem:s6+$0x9F0];
	(xrf2) =	vadd.scan.msk.f32 $0xffff, v19  }
0x1a9: {  	v42 =	vld [tilespmem:s6+$0x21F0]  }
0x1aa: {  	v19 =	vld [tilespmem:s6+$0xB180]  }
0x1ab: {  	v22 =	vld [tilespmem:s6+$0x69B0]  }
0x1ac: {  	v26 =	vld [tilespmem:s6+$0x51C0]  }
0x1ad: {  	v28 =	vld [tilespmem:s6+$0x39D0]  }
0x1ae: {  	v44 =	vld [tilespmem:s6+$0x9E0]  }
0x1af: {  	v45 =	vld [tilespmem:s6+$0x21E0]  }
0x1b0: {  	v23 =	vld [tilespmem:s6+$0x9980]  }
0x1b1: {  	v29 =	vld [tilespmem:s6+$0x39C0]  }
0x1b2: {  	s7 =	sadd.s32 $0x1, s7;
	v43 =	vld [tilespmem:s6+$0x9D0];
	v30, _, _ =	vpop (xrf2)  }
0x1b3: {  	v31 =	vmov s7;
	v46 =	vld [tilespmem:s6+$0x21D0];
	v32 =	vbroadcast v30, $0xF  }
0x1b4: {  	vm0 =	veq.s32 v31, v8;
	v30 =	vld [tilespmem:s6+$0x9C0]  }
0x1b5: {  	v31 =	vld [tilespmem:s6+$0x21C0];
	v9 =	vsel vm0, v32, v9  }
0x1b6: {  	v33 =	vld [tilespmem:s6+$0x9B0]  }
0x1b7: {  	v36 =	vld [tilespmem:s6+$0x21B0]  }
0x1b8: {  	v32 =	vld [tilespmem:s6+$0x9A0]  }
0x1b9: {  	v34 =	vld [tilespmem:s6+$0x21A0]  }
0x1ba: {  	v38 =	vld [tilespmem:s6+$0x990]  }
.Ltmp1:
0x1bb: {  	v39 =	vld [tilespmem:s6+$0x2190];
	(pc) =	sbr.rel @p0 .LBB2_3-.Ltmp1, $4  }
0x1bc: {  	v40 =	vld [tilespmem:s6+$0x980]  }
0x1bd: {  	v41 =	vld [tilespmem:s6+$0x2180]  }
0x1be: {  	v42 =	vadd.f32 v42, v35;
	v37 =	vld [tilespmem:s6+$0x39B0]  }
0x1bf: {  	s8 =	sadd.s32 $0x200, s8;
	v44 =	vadd.f32 v45, v44;
	v43 =	vadd.f32 v46, v43;
	v35 =	vld [tilespmem:s6+$0x39A0]  }
0x1c0: {  	v45 =	vld [tilespmem:s6+$0x3990];
	v33 =	vadd.f32 v36, v33;
	v30 =	vadd.f32 v31, v30  }
0x1c1: {  	v31 =	vld [tilespmem:s6+$0x3980];
	v47 =	vadd.f32 v39, v38;
	v32 =	vadd.f32 v34, v32  }
0x1c2: {  	v49 =	vld [tilespmem:s6+$0x51B0];
	v25 =	vadd.f32 v25, v42;
	v28 =	vadd.f32 v28, v43  }
0x1c3: {  	v50 =	vld [tilespmem:s6+$0x51A0];
	v27 =	vadd.f32 v27, v44;
	v48 =	vadd.f32 v41, v40  }
0x1c4: {  	v51 =	vld [tilespmem:s6+$0x5180];
	v29 =	vadd.f32 v29, v30;
	v18 =	vadd.f32 v18, v25  }
0x1c5: {  	v52 =	vld [tilespmem:s6+$0x5190];
	v33 =	vadd.f32 v37, v33;
	v24 =	vadd.f32 v24, v28  }
0x1c6: {  	v53 =	vld [tilespmem:s6+$0x6980];
	v21 =	vadd.f32 v21, v27;
	v32 =	vadd.f32 v35, v32  }
0x1c7: {  	v25 =	vld [tilespmem:s6+$0x8180];
	v26 =	vadd.f32 v26, v29;
	v31 =	vadd.f32 v31, v48  }
0x1c8: {  	v27 =	vld [tilespmem:s6+$0x6990];
	v14 =	vadd.f32 v14, v18;
	v30 =	vadd.f32 v45, v47  }
0x1c9: {  	v54 =	vld [tilespmem:s6+$0x69A0];
	v28 =	vadd.f32 v49, v33;
	v29 =	vadd.f32 v51, v31  }
0x1ca: {  	v55 =	vld [tilespmem:s6+$0x8190];
	v16 =	vadd.f32 v16, v21;
	v17 =	vadd.f32 v17, v24  }
0x1cb: {  	v30 =	vadd.f32 v52, v30;
	v18 =	vadd.f32 v53, v29;
	v29 =	vld [tilespmem:s6+$0x81A0]  }
0x1cc: {  	v21 =	vld [tilespmem:s6+$0x9990];
	v20 =	vadd.f32 v20, v26;
	v31 =	vadd.f32 v50, v32  }
0x1cd: {  	v24 =	vadd.f32 v27, v30;
	v18 =	vadd.f32 v25, v18;
	v25 =	vld [tilespmem:s6+$0x81B0]  }
0x1ce: {  	v12 =	vadd.f32 v12, v14;
	v26 =	vadd.f32 v54, v31;
	v27 =	vld [tilespmem:s6+$0x99A0]  }
0x1cf: {  	v18 =	vadd.f32 v23, v18;
	v23 =	vadd.f32 v55, v24;
	v24 =	vld [tilespmem:s6+$0x81C0]  }
0x1d0: {  	v22 =	vadd.f32 v22, v28;
	v28 =	vld [tilespmem:s6+$0xB1A0];
	v26 =	vadd.f32 v29, v26  }
0x1d1: {  	v14 =	vadd.f32 v19, v18;
	v18 =	vadd.f32 v21, v23;
	v19 =	vld [tilespmem:s6+$0x81D0]  }
0x1d2: {  	v11 =	vadd.f32 v11, v16;
	v21 =	vadd.f32 v25, v22;
	v22 =	vld [tilespmem:s6+$0xB1B0]  }
0x1d3: {  	v16 =	vadd.f32 v27, v26;
	v14 =	vmul.f32 $1.250000000e-01, v14;
	v15 =	vadd.f32 v15, v18;
	v18 =	vld [tilespmem:s6+$0x99D0]  }
0x1d4: {  	v13 =	vadd.f32 v13, v21;
	v20 =	vadd.f32 v24, v20;
	v21 =	vld [tilespmem:s6+$0xB1C0]  }
0x1d5: {  	v23 =	vld [tilespmem:s6+$0x99E0];
	v16 =	vadd.f32 v28, v16;
	v14 =	vmax.f32 v14, $0.0e+00;
	v15 =	vmul.f32 $1.250000000e-01, v15  }
0x1d6: {  	v7 =	vmul.f32 v14, v7;
	v10 =	vadd.f32 v10, v20;
	v14 =	vadd.f32 v19, v17;
	v17 =	vld [tilespmem:s6+$0xB1D0]  }
0x1d7: {  	v16 =	vmul.f32 $1.250000000e-01, v16;
	v19 =	vld [tilespmem:s6+$0x99F0];
	v15 =	vmax.f32 v15, $0.0e+00;
	v13 =	vadd.f32 v22, v13  }
0x1d8: {  	v7 =	vadd.f32 $0.0e+00, v7;
	v6 =	vmul.f32 v15, v6;
	v14 =	vadd.f32 v18, v14;
	v15 =	vld [tilespmem:s6+$0xB1E0]  }
0x1d9: {  	v16 =	vmax.f32 v16, $0.0e+00;
	v13 =	vmul.f32 $1.250000000e-01, v13;
	v10 =	vadd.f32 v21, v10  }
0x1da: {  	v18 =	vld [tilespmem:s6+$0xB1F0];
	v5 =	vmul.f32 v16, v5;
	v6 =	vadd.f32 v6, v7;
	v7 =	vadd.f32 v23, v11  }
0x1db: {  	v11 =	vmax.f32 v13, $0.0e+00;
	v10 =	vmul.f32 $1.250000000e-01, v10;
	v13 =	vadd.f32 v17, v14  }
0x1dc: {  	v5 =	vadd.f32 v5, v6;
	v4 =	vmul.f32 v11, v4;
	v6 =	vadd.f32 v19, v12  }
0x1dd: {  	v10 =	vmax.f32 v10, $0.0e+00;
	v11 =	vmul.f32 $1.250000000e-01, v13;
	v7 =	vadd.f32 v15, v7  }
0x1de: {  	v4 =	vadd.f32 v4, v5;
	v3 =	vmul.f32 v10, v3  }
0x1df: {  	v6 =	vadd.f32 v18, v6;
	v5 =	vmax.f32 v11, $0.0e+00;
	v7 =	vmul.f32 $1.250000000e-01, v7  }
0x1e0: {  	v3 =	vadd.f32 v3, v4;
	v2 =	vmul.f32 v5, v2  }
0x1e1: {  	v5 =	vmul.f32 $1.250000000e-01, v6;
	v4 =	vmax.f32 v7, $0.0e+00  }
0x1e2: {  	v2 =	vadd.f32 v2, v3;
	v1 =	vmul.f32 v4, v1  }
0x1e3: {  	v3 =	vmax.f32 v5, $0.0e+00  }
0x1e4: {  	v0 =	vmul.f32 v3, v0;
	v1 =	vadd.f32 v1, v2;
	_ =	sdelay $0x1  }
0x1e5: {  	v0 =	vadd.f32 v0, v1;
	_ =	sdelay $0x1  }
0x1e6: {  	(xrf2) =	vadd.scan.msk.f32 $0xffff, v0;
	_ =	sdelay $0x7  }
0x1e7: {  	v6 =	vld [tilespmem:$0xC190]  }
0x1e8: {  	v0 =	vld [tilespmem:$0xC200]  }
0x1e9: {  	s30 =	sadd.s32 $0x1, s7;
	v7 =	vld [tilespmem:$0xC180];
	v1, _, _ =	vpop (xrf2)  }
0x1ea: {  	v5 =	vld [tilespmem:$0xC1A0];
	v2 =	vmov s30;
	v1 =	vbroadcast v1, $0xF  }
0x1eb: {  	v4 =	vld [tilespmem:$0xC1B0];
	vm0 =	veq.s32 v2, v8  }
0x1ec: {  	v3 =	vld [tilespmem:$0xC1C0];
	v1 =	vsel vm0, v1, v9  }
0x1ed: {  	v2 =	vld [tilespmem:$0xC1D0];
	v0 =	vadd.f32 v0, v1  }
0x1ee: {  	v1 =	vld [tilespmem:$0xC1E0]  }
0x1ef: {  	s31 =	simm.s32 $0x0;
	[tilespmem:$0xC290] =	vst v0;
	v0 =	vld [tilespmem:$0xC1F0]  }
0x1f0: {  	v8 =	vld [tilespmem:s31+$0x89F0]  }
0x1f1: {  	v9 =	vld [tilespmem:s31+$0x89E0]  }
0x1f2: {  	v10 =	vld [tilespmem:s31+$0x71F0]  }
0x1f3: {  	v13 =	vld [tilespmem:s31+$0xA1C0]  }
0x1f4: {  	v11 =	vld [tilespmem:s31+$0x71E0]  }
0x1f5: {  	v12 =	vld [tilespmem:s31+$0x59F0]  }
0x1f6: {  	v15 =	vld [tilespmem:s31+$0xA1B0]  }
0x1f7: {  	v14 =	vld [tilespmem:s31+$0x71D0]  }
0x1f8: {  	v16 =	vld [tilespmem:s31+$0x59E0]  }
0x1f9: {  	v17 =	vld [tilespmem:s31+$0x41F0]  }
0x1fa: {  	v18 =	vld [tilespmem:s31+$0xB990]  }
0x1fb: {  	v19 =	vld [tilespmem:s31+$0x71C0]  }
0x1fc: {  	v20 =	vld [tilespmem:s31+$0x59D0]  }
0x1fd: {  	v21 =	vld [tilespmem:s31+$0x41E0]  }
0x1fe: {  	v22 =	vld [tilespmem:s31+$0x11F0]  }
0x1ff: {  	v23 =	vld [tilespmem:s31+$0x29F0]  }
0x200: {  	v24 =	vld [tilespmem:s31+$0xB980]  }
0x201: {  	v25 =	vld [tilespmem:s31+$0x71B0]  }
0x202: {  	v26 =	vld [tilespmem:s31+$0x59C0]  }
0x203: {  	v27 =	vld [tilespmem:s31+$0x41D0]  }
0x204: {  	v28 =	vld [tilespmem:s31+$0x11E0]  }
0x205: {  	v29 =	vld [tilespmem:s31+$0x29E0]  }
0x206: {  	v30 =	vld [tilespmem:s31+$0xA180]  }
0x207: {  	v31 =	vld [tilespmem:s31+$0x41C0]  }
0x208: {  	v32 =	vld [tilespmem:s31+$0x11D0]  }
0x209: {  	v56 =	vld [tilespmem:s31+$0x29D0]  }
0x20a: {  	v34 =	vld [tilespmem:s31+$0x11C0]  }
0x20b: {  	v35 =	vld [tilespmem:s31+$0x29C0]  }
0x20c: {  	v57 =	vld [tilespmem:s31+$0x11B0]  }
0x20d: {  	v58 =	vld [tilespmem:s31+$0x29B0]  }
0x20e: {  	v38 =	vld [tilespmem:s31+$0x11A0]  }
0x20f: {  	v39 =	vld [tilespmem:s31+$0x29A0]  }
0x210: {  	v59 =	vld [tilespmem:s31+$0x1190]  }
0x211: {  	v60 =	vld [tilespmem:s31+$0x2990]  }
0x212: {  	v61 =	vld [tilespmem:s31+$0x1180]  }
0x213: {  	v62 =	vld [tilespmem:s31+$0x2980]  }
0x214: {  	v63 =	vld [tilespmem:s31+$0x41B0]  }
0x215: {  	v45 =	vld [tilespmem:s31+$0x41A0]  }
0x216: {  	v46 =	vld [tilespmem:s31+$0x4190]  }
0x217: {  	v47 =	vld [tilespmem:s31+$0x4180]  }
0x218: {  	v48 =	vld [tilespmem:s31+$0x59B0]  }
0x219: {  	v49 =	vld [tilespmem:s31+$0x59A0]  }
0x21a: {  	v50 =	vld [tilespmem:s31+$0x5980]  }
0x21b: {  	v51 =	vld [tilespmem:s31+$0x5990]  }
0x21c: {  	v52 =	vld [tilespmem:s31+$0x7180]  }
0x21d: {  	v53 =	vld [tilespmem:s31+$0x8980]  }
0x21e: {  	s6 =	simm.s32 $0x80;
	v54 =	vld [tilespmem:s31+$0xA1E0];
	v22 =	vadd.f32 v23, v22  }
0x21f: {  	v33 =	vld [tilespmem:s6+$0x11B0];
	v32 =	vadd.f32 v56, v32;
	v28 =	vadd.f32 v29, v28  }
0x220: {  	v40 =	vld [tilespmem:s6+$0x1180];
	v56 =	vadd.f32 v58, v57;
	v34 =	vadd.f32 v35, v34  }
0x221: {  	v41 =	vld [tilespmem:s6+$0x2980];
	v58 =	vadd.f32 v60, v59;
	v59 =	vadd.f32 v39, v38  }
0x222: {  	v37 =	vld [tilespmem:s6+$0x41B0];
	v61 =	vadd.f32 v62, v61;
	v17 =	vadd.f32 v17, v22  }
0x223: {  	v23 =	vld [tilespmem:s31+$0x7190];
	v27 =	vadd.f32 v27, v32;
	v21 =	vadd.f32 v21, v28  }
0x224: {  	v29 =	vld [tilespmem:s31+$0x71A0];
	v62 =	vadd.f32 v63, v56;
	v31 =	vadd.f32 v31, v34  }
0x225: {  	v57 =	vld [tilespmem:s31+$0x8990];
	v44 =	vadd.f32 v46, v58;
	v45 =	vadd.f32 v45, v59  }
0x226: {  	v60 =	vld [tilespmem:s31+$0x89A0];
	v39 =	vadd.f32 v47, v61;
	v12 =	vadd.f32 v12, v17  }
0x227: {  	v38 =	vld [tilespmem:s6+$0x1190];
	v20 =	vadd.f32 v20, v27;
	v16 =	vadd.f32 v16, v21  }
0x228: {  	v35 =	vld [tilespmem:s6+$0x41A0];
	v27 =	vadd.f32 v48, v62;
	v26 =	vadd.f32 v26, v31  }
0x229: {  	v22 =	vld [tilespmem:s31+$0xA190];
	v48 =	vadd.f32 v50, v39;
	v36 =	vadd.f32 v49, v45  }
0x22a: {  	v28 =	vld [tilespmem:s31+$0x89B0];
	v34 =	vadd.f32 v51, v44;
	v10 =	vadd.f32 v10, v12  }
0x22b: {  	v63 =	vld [tilespmem:s31+$0xA1A0];
	v12 =	vadd.f32 v52, v48;
	v16 =	vadd.f32 v11, v16  }
0x22c: {  	v46 =	vld [tilespmem:s31+$0x89C0];
	v19 =	vadd.f32 v19, v26;
	v20 =	vadd.f32 v14, v20  }
0x22d: {  	v56 =	vld [tilespmem:s6+$0x11F0];
	v11 =	vadd.f32 v53, v12;
	v12 =	vadd.f32 v23, v34  }
0x22e: {  	v58 =	vld [tilespmem:s6+$0x11E0];
	v14 =	vadd.f32 v29, v36;
	v25 =	vadd.f32 v25, v27  }
0x22f: {  	v21 =	vld [tilespmem:s31+$0x89D0];
	v11 =	vadd.f32 v30, v11;
	v29 =	vadd.f32 v57, v12  }
0x230: {  	v17 =	vld [tilespmem:s31+$0xB9A0];
	v55 =	vadd.f32 v60, v14;
	v8 =	vadd.f32 v8, v10  }
0x231: {  	v50 =	vld [tilespmem:s31+$0xA1D0];
	v10 =	vadd.f32 v24, v11;
	v22 =	vadd.f32 v22, v29  }
0x232: {  	v31 =	vld [tilespmem:s31+$0xB9B0];
	v19 =	vadd.f32 v46, v19;
	v24 =	vadd.f32 v28, v25  }
0x233: {  	v59 =	vld [tilespmem:s6+$0x29E0];
	v10 =	vmul.f32 $1.250000000e-01, v10;
	v18 =	vadd.f32 v18, v22;
	v22 =	vadd.f32 v63, v55  }
0x234: {  	v51 =	vld [tilespmem:s31+$0xB9C0];
	v20 =	vadd.f32 v21, v20;
	v15 =	vadd.f32 v15, v24  }
0x235: {  	v26 =	vld [tilespmem:s31+$0xB9D0];
	v10 =	vmax.f32 v10, $0.0e+00;
	v24 =	vmul.f32 $1.250000000e-01, v18;
	v17 =	vadd.f32 v17, v22  }
0x236: {  	v61 =	vld [tilespmem:s6+$0x29D0];
	v19 =	vadd.f32 v13, v19;
	v20 =	vadd.f32 v50, v20;
	v10 =	vmul.f32 v10, v7  }
0x237: {  	v23 =	vld [tilespmem:s31+$0xA1F0];
	v15 =	vadd.f32 v31, v15;
	v21 =	vmax.f32 v24, $0.0e+00;
	v22 =	vmul.f32 $1.250000000e-01, v17  }
0x238: {  	v27 =	vld [tilespmem:s31+$0xB9E0];
	v28 =	vadd.f32 v9, v16;
	v10 =	vadd.f32 $0.0e+00, v10;
	v24 =	vmul.f32 v21, v6  }
0x239: {  	v32 =	vld [tilespmem:s6+$0x11A0];
	v19 =	vadd.f32 v51, v19;
	v29 =	vmul.f32 $1.250000000e-01, v15;
	v22 =	vmax.f32 v22, $0.0e+00  }
0x23a: {  	v30 =	vld [tilespmem:s31+$0xB9F0];
	v26 =	vadd.f32 v26, v20;
	v10 =	vadd.f32 v24, v10;
	v22 =	vmul.f32 v22, v5  }
0x23b: {  	v39 =	vld [tilespmem:s6+$0x2990];
	v28 =	vadd.f32 v54, v28;
	v19 =	vmul.f32 $1.250000000e-01, v19;
	v24 =	vmax.f32 v29, $0.0e+00  }
0x23c: {  	v36 =	vld [tilespmem:s6+$0x29B0];
	v8 =	vadd.f32 v23, v8;
	v10 =	vadd.f32 v22, v10;
	v22 =	vmul.f32 v24, v4  }
0x23d: {  	v14 =	vld [tilespmem:s6+$0x71F0];
	v23 =	vmul.f32 $1.250000000e-01, v26;
	v19 =	vmax.f32 v19, $0.0e+00;
	v26 =	vadd.f32 v27, v28  }
0x23e: {  	v60 =	vld [tilespmem:s6+$0x11D0];
	v19 =	vmul.f32 v19, v3;
	v10 =	vadd.f32 v22, v10  }
0x23f: {  	v34 =	vld [tilespmem:s6+$0x29A0];
	v8 =	vadd.f32 v30, v8;
	v22 =	vmax.f32 v23, $0.0e+00;
	v23 =	vmul.f32 $1.250000000e-01, v26  }
0x240: {  	v12 =	vld [tilespmem:s6+$0x89F0];
	v26 =	vmul.f32 v22, v2;
	v10 =	vadd.f32 v19, v10  }
0x241: {  	v13 =	vld [tilespmem:s6+$0xA1B0];
	v8 =	vmul.f32 $1.250000000e-01, v8;
	v23 =	vmax.f32 v23, $0.0e+00  }
0x242: {  	v57 =	vld [tilespmem:s6+$0x29F0];
	v23 =	vmul.f32 v23, v1;
	v10 =	vadd.f32 v26, v10  }
0x243: {  	v11 =	vld [tilespmem:s6+$0x89E0];
	v8 =	vmax.f32 v8, $0.0e+00  }
0x244: {  	v9 =	vld [tilespmem:s6+$0xA1C0];
	v8 =	vmul.f32 v8, v0;
	v10 =	vadd.f32 v23, v10  }
0x245: {  	v16 =	vld [tilespmem:s6+$0x71E0]  }
0x246: {  	v25 =	vld [tilespmem:s6+$0x41F0];
	v8 =	vadd.f32 v8, v10  }
0x247: {  	v20 =	vld [tilespmem:s6+$0x71C0]  }
0x248: {  	v30 =	vld [tilespmem:s6+$0x11C0];
	(xrf2) =	vadd.scan.msk.f32 $0xffff, v8  }
0x249: {  	v18 =	vld [tilespmem:s6+$0x59F0]  }
0x24a: {  	v27 =	vld [tilespmem:s6+$0x41E0]  }
0x24b: {  	v28 =	vld [tilespmem:s6+$0x41D0]  }
0x24c: {  	v31 =	vld [tilespmem:s6+$0x29C0]  }
0x24d: {  	v17 =	vld [tilespmem:s6+$0x71D0]  }
0x24e: {  	v15 =	vld [tilespmem:s6+$0xB990]  }
0x24f: {  	v21 =	vld [tilespmem:s6+$0x59E0]  }
0x250: {  	v29 =	vld [tilespmem:s6+$0x41C0]  }
0x251: {  	v24 =	vld [tilespmem:s6+$0x59D0]  }
0x252: {  	s7 =	simm.s32 $0x0;
	v22 =	vld [tilespmem:s6+$0x71B0];
	v10, _, _ =	vpop (xrf2)  }
0x253: {  	v62 =	vmov s7;
	v19 =	vld [tilespmem:s6+$0xB980];
	v8 =	vlaneseq.u32;
	v10 =	vbroadcast v10, $0xF  }
0x254: {  	v44 =	vadd.f32 v59, v58;
	v63 =	vimm.f32 $0.0e+00;
	v26 =	vld [tilespmem:s6+$0x59C0];
	vm15 =	veq.s32 v62, v8  }
0x255: {  	s8 =	simm.s32 $0x400;
	v43 =	vadd.f32 v61, v60;
	v42 =	vadd.f32 v57, v56;
	v23 =	vld [tilespmem:s6+$0xA180];
	v10 =	vsel vm15, v10, v63  }
.LBB2_5:
0x256: {  	p0 =	sne.s32 s8, $0x1E00;
	v45 =	vld [tilespmem:s6+$0x4190];
	v33 =	vadd.f32 v36, v33;
	v30 =	vadd.f32 v31, v30  }
0x257: {  	v36 =	vadd.f32 v39, v38;
	v32 =	vadd.f32 v34, v32;
	v31 =	vld [tilespmem:s6+$0x4180]  }
0x258: {  	v25 =	vadd.f32 v25, v42;
	v34 =	vadd.f32 v41, v40;
	v38 =	vld [tilespmem:s6+$0x59B0]  }
0x259: {  	v28 =	vadd.f32 v28, v43;
	v27 =	vadd.f32 v27, v44;
	v39 =	vld [tilespmem:s6+$0x59A0]  }
0x25a: {  	v29 =	vadd.f32 v29, v30;
	v33 =	vadd.f32 v37, v33;
	v40 =	vld [tilespmem:s6+$0x5980]  }
0x25b: {  	v32 =	vadd.f32 v35, v32;
	v30 =	vadd.f32 v45, v36;
	v36 =	vld [tilespmem:s6+$0x5990]  }
0x25c: {  	v18 =	vadd.f32 v18, v25;
	v31 =	vadd.f32 v31, v34;
	v34 =	vld [tilespmem:s6+$0x7180]  }
0x25d: {  	v24 =	vadd.f32 v24, v28;
	v21 =	vadd.f32 v21, v27;
	v25 =	vld [tilespmem:s6+$0x8980]  }
0x25e: {  	v26 =	vadd.f32 v26, v29;
	v28 =	vadd.f32 v38, v33;
	v27 =	vld [tilespmem:s6+$0x7190]  }
0x25f: {  	v29 =	vadd.f32 v40, v31;
	v31 =	vadd.f32 v39, v32;
	v32 =	vld [tilespmem:s6+$0x71A0]  }
0x260: {  	v14 =	vadd.f32 v14, v18;
	v30 =	vadd.f32 v36, v30;
	v33 =	vld [tilespmem:s6+$0x8990]  }
0x261: {  	v16 =	vadd.f32 v16, v21;
	v18 =	vadd.f32 v34, v29;
	v29 =	vld [tilespmem:s6+$0x89A0]  }
0x262: {  	v17 =	vadd.f32 v17, v24;
	v20 =	vadd.f32 v20, v26;
	v21 =	vld [tilespmem:s6+$0xA190]  }
0x263: {  	v18 =	vadd.f32 v25, v18;
	v24 =	vadd.f32 v27, v30;
	v25 =	vld [tilespmem:s6+$0x89B0]  }
0x264: {  	v22 =	vadd.f32 v22, v28;
	v26 =	vadd.f32 v32, v31;
	v27 =	vld [tilespmem:s6+$0xA1A0]  }
0x265: {  	v18 =	vadd.f32 v23, v18;
	v23 =	vadd.f32 v33, v24;
	v24 =	vld [tilespmem:s6+$0x89C0]  }
0x266: {  	v26 =	vadd.f32 v29, v26;
	v28 =	vld [tilespmem:s6+$0xB9A0];
	v29 =	vadd.f32 v12, v14  }
0x267: {  	v12 =	vadd.f32 v19, v18;
	v14 =	vadd.f32 v21, v23;
	v18 =	vld [tilespmem:s6+$0x89D0]  }
0x268: {  	v11 =	vadd.f32 v11, v16;
	v19 =	vadd.f32 v25, v22;
	v21 =	vld [tilespmem:s6+$0xB9B0]  }
0x269: {  	v12 =	vmul.f32 $1.250000000e-01, v12;
	v14 =	vadd.f32 v15, v14;
	v15 =	vadd.f32 v27, v26;
	v16 =	vld [tilespmem:s6+$0xA1D0]  }
0x26a: {  	v13 =	vadd.f32 v13, v19;
	v19 =	vadd.f32 v24, v20;
	v20 =	vld [tilespmem:s6+$0xB9C0]  }
0x26b: {  	v12 =	vmax.f32 v12, $0.0e+00;
	v14 =	vmul.f32 $1.250000000e-01, v14;
	v15 =	vadd.f32 v28, v15;
	v22 =	vld [tilespmem:s6+$0xA1E0]  }
0x26c: {  	v12 =	vmul.f32 v12, v7;
	v9 =	vadd.f32 v9, v19;
	v17 =	vadd.f32 v18, v17;
	v18 =	vld [tilespmem:s6+$0xB9D0]  }
0x26d: {  	v14 =	vmax.f32 v14, $0.0e+00;
	v15 =	vmul.f32 $1.250000000e-01, v15;
	v13 =	vadd.f32 v21, v13;
	v19 =	vld [tilespmem:s6+$0xA1F0]  }
0x26e: {  	v21 =	vadd.f32 $0.0e+00, v12;
	v14 =	vmul.f32 v14, v6;
	v16 =	vadd.f32 v16, v17;
	v17 =	vld [tilespmem:s6+$0xB9E0]  }
0x26f: {  	v15 =	vmax.f32 v15, $0.0e+00;
	v13 =	vmul.f32 $1.250000000e-01, v13;
	v9 =	vadd.f32 v20, v9;
	v20 =	vld [tilespmem:s6+$0xB9F0];
	s6 =	sshra.s32 s8, $0x2  }
0x270: {  	v12 =	vld [tilespmem:s6+$0x89F0];
	v21 =	vadd.f32 v14, v21;
	v15 =	vmul.f32 v15, v5;
	v22 =	vadd.f32 v22, v11  }
0x271: {  	v11 =	vld [tilespmem:s6+$0x89E0];
	v13 =	vmax.f32 v13, $0.0e+00;
	v23 =	vmul.f32 $1.250000000e-01, v9;
	v16 =	vadd.f32 v18, v16  }
0x272: {  	v14 =	vld [tilespmem:s6+$0x71F0];
	v15 =	vadd.f32 v15, v21;
	v13 =	vmul.f32 v13, v4;
	v19 =	vadd.f32 v19, v29  }
0x273: {  	v9 =	vld [tilespmem:s6+$0xA1C0];
	v18 =	vmax.f32 v23, $0.0e+00;
	v21 =	vmul.f32 $1.250000000e-01, v16;
	v17 =	vadd.f32 v17, v22  }
0x274: {  	v16 =	vld [tilespmem:s6+$0x71E0];
	v15 =	vadd.f32 v13, v15;
	v22 =	vmul.f32 v18, v3  }
0x275: {  	v19 =	vadd.f32 v20, v19;
	v18 =	vld [tilespmem:s6+$0x59F0];
	v21 =	vmax.f32 v21, $0.0e+00;
	v23 =	vmul.f32 $1.250000000e-01, v17  }
0x276: {  	v13 =	vld [tilespmem:s6+$0xA1B0];
	v15 =	vadd.f32 v22, v15;
	v20 =	vmul.f32 v21, v2  }
0x277: {  	v19 =	vmul.f32 $1.250000000e-01, v19;
	v17 =	vld [tilespmem:s6+$0x71D0];
	v22 =	vmax.f32 v23, $0.0e+00  }
0x278: {  	v21 =	vld [tilespmem:s6+$0x59E0];
	v20 =	vadd.f32 v20, v15;
	v22 =	vmul.f32 v22, v1  }
0x279: {  	v19 =	vmax.f32 v19, $0.0e+00;
	v25 =	vld [tilespmem:s6+$0x41F0]  }
0x27a: {  	v19 =	vmul.f32 v19, v0;
	v15 =	vld [tilespmem:s6+$0xB990];
	v22 =	vadd.f32 v22, v20  }
0x27b: {  	v20 =	vld [tilespmem:s6+$0x71C0]  }
0x27c: {  	v24 =	vld [tilespmem:s6+$0x59D0];
	v19 =	vadd.f32 v19, v22  }
0x27d: {  	v27 =	vld [tilespmem:s6+$0x41E0]  }
0x27e: {  	v35 =	vld [tilespmem:s6+$0x11F0];
	(xrf2) =	vadd.scan.msk.f32 $0xffff, v19  }
0x27f: {  	v42 =	vld [tilespmem:s6+$0x29F0]  }
0x280: {  	v19 =	vld [tilespmem:s6+$0xB980]  }
0x281: {  	v22 =	vld [tilespmem:s6+$0x71B0]  }
0x282: {  	v26 =	vld [tilespmem:s6+$0x59C0]  }
0x283: {  	v28 =	vld [tilespmem:s6+$0x41D0]  }
0x284: {  	v44 =	vld [tilespmem:s6+$0x11E0]  }
0x285: {  	v45 =	vld [tilespmem:s6+$0x29E0]  }
0x286: {  	v23 =	vld [tilespmem:s6+$0xA180]  }
0x287: {  	v29 =	vld [tilespmem:s6+$0x41C0]  }
0x288: {  	s7 =	sadd.s32 $0x1, s7;
	v43 =	vld [tilespmem:s6+$0x11D0];
	v30, _, _ =	vpop (xrf2)  }
0x289: {  	v31 =	vmov s7;
	v46 =	vld [tilespmem:s6+$0x29D0];
	v32 =	vbroadcast v30, $0xF  }
0x28a: {  	vm0 =	veq.s32 v31, v8;
	v30 =	vld [tilespmem:s6+$0x11C0]  }
0x28b: {  	v31 =	vld [tilespmem:s6+$0x29C0];
	v10 =	vsel vm0, v32, v10  }
0x28c: {  	v33 =	vld [tilespmem:s6+$0x11B0]  }
0x28d: {  	v36 =	vld [tilespmem:s6+$0x29B0]  }
0x28e: {  	v32 =	vld [tilespmem:s6+$0x11A0]  }
0x28f: {  	v34 =	vld [tilespmem:s6+$0x29A0]  }
0x290: {  	v38 =	vld [tilespmem:s6+$0x1190]  }
.Ltmp2:
0x291: {  	v39 =	vld [tilespmem:s6+$0x2990];
	(pc) =	sbr.rel @p0 .LBB2_5-.Ltmp2, $4  }
0x292: {  	v40 =	vld [tilespmem:s6+$0x1180]  }
0x293: {  	v41 =	vld [tilespmem:s6+$0x2980]  }
0x294: {  	v42 =	vadd.f32 v42, v35;
	v37 =	vld [tilespmem:s6+$0x41B0]  }
0x295: {  	s8 =	sadd.s32 $0x200, s8;
	v44 =	vadd.f32 v45, v44;
	v43 =	vadd.f32 v46, v43;
	v35 =	vld [tilespmem:s6+$0x41A0]  }
0x296: {  	v45 =	vld [tilespmem:s6+$0x4190];
	v33 =	vadd.f32 v36, v33;
	v30 =	vadd.f32 v31, v30  }
0x297: {  	v50 =	vld [tilespmem:s6+$0x4180];
	v51 =	vadd.f32 v39, v38;
	v32 =	vadd.f32 v34, v32  }
0x298: {  	v53 =	vld [tilespmem:s6+$0x59B0];
	v25 =	vadd.f32 v25, v42;
	v28 =	vadd.f32 v28, v43  }
0x299: {  	v54 =	vld [tilespmem:s6+$0x59A0];
	v27 =	vadd.f32 v27, v44;
	v52 =	vadd.f32 v41, v40  }
0x29a: {  	v55 =	vld [tilespmem:s6+$0x5980];
	v29 =	vadd.f32 v29, v30;
	v18 =	vadd.f32 v18, v25  }
0x29b: {  	v57 =	vld [tilespmem:s6+$0x5990];
	v33 =	vadd.f32 v37, v33;
	v24 =	vadd.f32 v24, v28  }
0x29c: {  	v58 =	vld [tilespmem:s6+$0x7180];
	v21 =	vadd.f32 v21, v27;
	v32 =	vadd.f32 v35, v32  }
0x29d: {  	v59 =	vld [tilespmem:s6+$0x8980];
	v26 =	vadd.f32 v26, v29;
	v31 =	vadd.f32 v50, v52  }
0x29e: {  	v60 =	vld [tilespmem:s6+$0x7190];
	v14 =	vadd.f32 v14, v18;
	v56 =	vadd.f32 v45, v51  }
0x29f: {  	v37 =	vld [tilespmem:s6+$0x71A0];
	v61 =	vadd.f32 v53, v33;
	v62 =	vadd.f32 v55, v31  }
0x2a0: {  	v38 =	vld [tilespmem:s6+$0x8990];
	v16 =	vadd.f32 v16, v21;
	v17 =	vadd.f32 v17, v24  }
0x2a1: {  	v40 =	vld [tilespmem:s6+$0x89A0];
	v30 =	vadd.f32 v57, v56;
	v39 =	vadd.f32 v58, v62  }
0x2a2: {  	v41 =	vld [tilespmem:s6+$0xA190];
	v63 =	vadd.f32 v54, v32;
	v20 =	vadd.f32 v20, v26  }
0x2a3: {  	v43 =	vld [tilespmem:s6+$0x89B0];
	v42 =	vadd.f32 v60, v30;
	v18 =	vadd.f32 v59, v39  }
0x2a4: {  	v45 =	vld [tilespmem:s6+$0xA1A0];
	v12 =	vadd.f32 v12, v14;
	v44 =	vadd.f32 v37, v63  }
0x2a5: {  	v47 =	vld [tilespmem:s6+$0x89C0];
	v46 =	vadd.f32 v38, v42;
	v18 =	vadd.f32 v23, v18  }
0x2a6: {  	v48 =	vld [tilespmem:s6+$0xB9A0];
	v22 =	vadd.f32 v22, v61;
	v26 =	vadd.f32 v40, v44  }
0x2a7: {  	v51 =	vld [tilespmem:s6+$0x89D0];
	v50 =	vadd.f32 v41, v46;
	v49 =	vadd.f32 v19, v18  }
0x2a8: {  	v53 =	vld [tilespmem:s6+$0xB9B0];
	v11 =	vadd.f32 v11, v16;
	v52 =	vadd.f32 v43, v22  }
0x2a9: {  	v56 =	vld [tilespmem:s6+$0xB9C0];
	v54 =	vadd.f32 v45, v26;
	v15 =	vadd.f32 v15, v50;
	v14 =	vmul.f32 $1.250000000e-01, v49  }
0x2aa: {  	v55 =	vld [tilespmem:s6+$0xA1D0];
	v20 =	vadd.f32 v47, v20;
	v13 =	vadd.f32 v13, v52  }
0x2ab: {  	v57 =	vld [tilespmem:s6+$0xA1E0];
	v16 =	vadd.f32 v48, v54;
	v15 =	vmul.f32 $1.250000000e-01, v15;
	v14 =	vmax.f32 v14, $0.0e+00  }
0x2ac: {  	v9 =	vadd.f32 v9, v20;
	v58 =	vadd.f32 v51, v17;
	v59 =	vld [tilespmem:s6+$0xB9D0];
	v7 =	vmul.f32 v14, v7  }
0x2ad: {  	v60 =	vld [tilespmem:s6+$0xA1F0];
	v13 =	vadd.f32 v53, v13;
	v16 =	vmul.f32 $1.250000000e-01, v16;
	v15 =	vmax.f32 v15, $0.0e+00  }
0x2ae: {  	v61 =	vld [tilespmem:s6+$0xB9E0];
	v9 =	vadd.f32 v56, v9;
	v6 =	vmul.f32 v15, v6;
	v7 =	vadd.f32 $0.0e+00, v7  }
0x2af: {  	v13 =	vmul.f32 $1.250000000e-01, v13;
	v16 =	vmax.f32 v16, $0.0e+00;
	v14 =	vadd.f32 v55, v58  }
0x2b0: {  	v62 =	vld [tilespmem:s6+$0xB9F0];
	v63 =	vadd.f32 v57, v11;
	v5 =	vmul.f32 v16, v5;
	v6 =	vadd.f32 v6, v7  }
0x2b1: {  	v9 =	vmul.f32 $1.250000000e-01, v9;
	v16 =	vmax.f32 v13, $0.0e+00;
	v20 =	vadd.f32 v59, v14  }
0x2b2: {  	v21 =	vadd.f32 v60, v12;
	v4 =	vmul.f32 v16, v4;
	v5 =	vadd.f32 v5, v6  }
0x2b3: {  	v9 =	vmax.f32 v9, $0.0e+00;
	v22 =	vmul.f32 $1.250000000e-01, v20;
	v7 =	vadd.f32 v61, v63  }
0x2b4: {  	v3 =	vmul.f32 v9, v3;
	v4 =	vadd.f32 v4, v5  }
0x2b5: {  	v23 =	vmax.f32 v22, $0.0e+00;
	v7 =	vmul.f32 $1.250000000e-01, v7;
	v6 =	vadd.f32 v62, v21  }
0x2b6: {  	v2 =	vmul.f32 v23, v2;
	v3 =	vadd.f32 v3, v4  }
0x2b7: {  	v24 =	vmax.f32 v7, $0.0e+00;
	v25 =	vmul.f32 $1.250000000e-01, v6  }
0x2b8: {  	v1 =	vmul.f32 v24, v1;
	v2 =	vadd.f32 v2, v3  }
0x2b9: {  	v26 =	vmax.f32 v25, $0.0e+00  }
0x2ba: {  	v0 =	vmul.f32 v26, v0;
	v1 =	vadd.f32 v1, v2;
	_ =	sdelay $0x1  }
0x2bb: {  	v0 =	vadd.f32 v0, v1;
	_ =	sdelay $0x1  }
0x2bc: {  	(xrf2) =	vadd.scan.msk.f32 $0xffff, v0;
	_ =	sdelay $0x8  }
0x2bd: {  	v27 =	vld [tilespmem:$0xC200]  }
0x2be: {  	s25 =	sadd.s32 $0x1, s7;
	v28, _, _ =	vpop (xrf2)  }
0x2bf: {  	v29 =	vmov s25;
	v1 =	vbroadcast v28, $0xF  }
0x2c0: {  	vm0 =	veq.s32 v29, v8  }
0x2c1: {  	v1 =	vsel vm0, v1, v10  }
0x2c2: {  	v0 =	vadd.f32 v27, v1;
	_ =	sdelay $0x1  }
0x2c3: {  	s4 =	sadd.s32 s4, s3;
	s26 =	simm.s32 $0xC280;
	s28 =	simm.s32 $0x2;
	[tilespmem:$0xC2A0] =	vst v0  }
0x2c4: {  	[spmem:s4] =	stream.linear.scatter [tilespmem:s26], [sflag:$0x2], $0x30, $0x38;
	[tilespmem:$0xC6B0] =	vst v63  }
0x2c5: {  	_ =	swait.ge [sflag:s28], $0x30  }
0x2c6: {  	[sflag:s28] =	ssyncset.done $0x0  }
0x2c7: {  	[sflag:s28] =	ssyncadd.s32 $0xFFFFFFD0  }
0x2c8: {  	s29 =	simm.s32 $0xC300;
	[bflag:$0x0] =	sbarrier.arrive $0xFFFF  }
0x2c9: {  	[tilespmem:s29], [sflag:$0x2] =	stream.linear.gather [spmem:s3], $0x300, $0x38;
	[tilespmem:$0xC6B0] =	vst v63  }
0x2ca: {  	_ =	swait.ge [sflag:s28], $0x300  }
0x2cb: {  	[sflag:s28] =	ssyncset.done $0x0  }
0x2cc: {  	[sflag:s28] =	ssyncadd.s32 $0xFFFFFD00  }
0x2cd: {  	v30 =	vld [tilespmem:$0x0];
	_ =	sdelay $0x1  }
0x2ce: {  	v31 =	vld [tilespmem:$0x30];
	_ =	sdelay $0x1  }
0x2cf: {  	v32 =	vld [tilespmem:$0x60];
	_ =	sdelay $0x1  }
0x2d0: {  	v33 =	vld [tilespmem:$0x90]  }
0x2d1: {  	v34 =	vld [tilespmem:$0xC0]  }
0x2d2: {  	v0 =	vld.idx.msk [tilespmem:v30+s29+$0x0], $0xffff  }
0x2d3: {  	v35 =	vld [tilespmem:$0xF0]  }
0x2d4: {  	v1 =	vld.idx.msk [tilespmem:v31+s29+$0x0], $0xffff  }
0x2d5: {  	v36 =	vld [tilespmem:$0x120]  }
0x2d6: {  	v2 =	vld.idx.msk [tilespmem:v32+s29+$0x0], $0xffff  }
0x2d7: {  	v37 =	vld [tilespmem:$0x150];
	v0 =	vadd.f32 $0.0e+00, v0  }
0x2d8: {  	v3 =	vld.idx.msk [tilespmem:v33+s29+$0x0], $0xffff  }
0x2d9: {  	v0 =	vadd.f32 v1, v0  }
0x2da: {  	v38 =	vld.idx.msk [tilespmem:v34+s29+$0x0], $0xffff  }
0x2db: {  	v0 =	vadd.f32 v2, v0  }
0x2dc: {  	v39 =	vld.idx.msk [tilespmem:v35+s29+$0x0], $0xffff  }
0x2dd: {  	v0 =	vadd.f32 v3, v0  }
0x2de: {  	v40 =	vld.idx.msk [tilespmem:v36+s29+$0x0], $0xffff  }
0x2df: {  	v0 =	vadd.f32 v38, v0  }
0x2e0: {  	v41 =	vld.idx.msk [tilespmem:v37+s29+$0x0], $0xffff  }
0x2e1: {  	v0 =	vadd.f32 v39, v0  }
0x2e2: {  	v42 =	vld [tilespmem:$0x10]  }
0x2e3: {  	v0 =	vadd.f32 v40, v0  }
0x2e4: {  	v43 =	vld [tilespmem:$0x40]  }
0x2e5: {  	v0 =	vadd.f32 v41, v0  }
0x2e6: {  	v44 =	vld [tilespmem:$0x70]  }
0x2e7: {  	v0 =	vmul.f32 $1.250000000e-01, v0  }
0x2e8: {  	v45 =	vld [tilespmem:$0xA0]  }
0x2e9: {  	v46 =	vld [tilespmem:$0xD0];
	[tilespmem:$0xC600] =	vst v0  }
0x2ea: {  	v0 =	vld.idx.msk [tilespmem:v42+s29+$0x0], $0xffff  }
0x2eb: {  	v47 =	vld [tilespmem:$0x100]  }
0x2ec: {  	v3 =	vld.idx.msk [tilespmem:v43+s29+$0x0], $0xffff  }
0x2ed: {  	v48 =	vld [tilespmem:$0x130]  }
0x2ee: {  	v1 =	vld.idx.msk [tilespmem:v44+s29+$0x0], $0xffff  }
0x2ef: {  	v49 =	vld [tilespmem:$0x160];
	v0 =	vadd.f32 $0.0e+00, v0  }
0x2f0: {  	v4 =	vld.idx.msk [tilespmem:v45+s29+$0x0], $0xffff  }
0x2f1: {  	v0 =	vadd.f32 v3, v0  }
0x2f2: {  	v2 =	vld.idx.msk [tilespmem:v46+s29+$0x0], $0xffff  }
0x2f3: {  	v0 =	vadd.f32 v1, v0  }
0x2f4: {  	v50 =	vld.idx.msk [tilespmem:v47+s29+$0x0], $0xffff  }
0x2f5: {  	v0 =	vadd.f32 v4, v0  }
0x2f6: {  	v51 =	vld.idx.msk [tilespmem:v48+s29+$0x0], $0xffff  }
0x2f7: {  	v0 =	vadd.f32 v2, v0  }
0x2f8: {  	v52 =	vld.idx.msk [tilespmem:v49+s29+$0x0], $0xffff  }
0x2f9: {  	v0 =	vadd.f32 v50, v0  }
0x2fa: {  	v53 =	vld [tilespmem:$0x20]  }
0x2fb: {  	v0 =	vadd.f32 v51, v0  }
0x2fc: {  	v54 =	vld [tilespmem:$0x50]  }
0x2fd: {  	v0 =	vadd.f32 v52, v0  }
0x2fe: {  	v55 =	vld [tilespmem:$0x80]  }
0x2ff: {  	v0 =	vmul.f32 $1.250000000e-01, v0  }
0x300: {  	v56 =	vld [tilespmem:$0xB0]  }
0x301: {  	v57 =	vld [tilespmem:$0xE0];
	[tilespmem:$0xC610] =	vst v0  }
0x302: {  	v0 =	vld.idx.msk [tilespmem:v53+s29+$0x0], $0xffff  }
0x303: {  	v58 =	vld [tilespmem:$0x110]  }
0x304: {  	v3 =	vld.idx.msk [tilespmem:v54+s29+$0x0], $0xffff  }
0x305: {  	v59 =	vld [tilespmem:$0x140]  }
0x306: {  	v2 =	vld.idx.msk [tilespmem:v55+s29+$0x0], $0xffff  }
0x307: {  	v60 =	vld [tilespmem:$0x170];
	v0 =	vadd.f32 $0.0e+00, v0  }
0x308: {  	v4 =	vld.idx.msk [tilespmem:v56+s29+$0x0], $0xffff  }
0x309: {  	v0 =	vadd.f32 v3, v0  }
0x30a: {  	v1 =	vld.idx.msk [tilespmem:v57+s29+$0x0], $0xffff  }
0x30b: {  	v0 =	vadd.f32 v2, v0  }
0x30c: {  	v61 =	vld.idx.msk [tilespmem:v58+s29+$0x0], $0xffff  }
0x30d: {  	v0 =	vadd.f32 v4, v0  }
0x30e: {  	v62 =	vld.idx.msk [tilespmem:v59+s29+$0x0], $0xffff  }
0x30f: {  	v0 =	vadd.f32 v1, v0  }
0x310: {  	v63 =	vld.idx.msk [tilespmem:v60+s29+$0x0], $0xffff  }
0x311: {  	v0 =	vadd.f32 v61, v0;
	_ =	sdelay $0x1  }
0x312: {  	v0 =	vadd.f32 v62, v0;
	_ =	sdelay $0x1  }
0x313: {  	v0 =	vadd.f32 v63, v0;
	_ =	sdelay $0x1  }
0x314: {  	v0 =	vmul.f32 $1.250000000e-01, v0;
	_ =	sdelay $0x1  }
0x315: {  	s2 =	sadd.s32 s5, s2;
	s30 =	simm.s32 $0x0;
	s31 =	simm.s32 $0xC600;
	[tilespmem:$0xC620] =	vst v0  }
0x316: {  	[hbm4b:s2+s30] =	stream.linear.scatter [tilespmem:s31], [sflag:$0x2], $0x30, $0x38;
	[tilespmem:$0xC6B0] =	vst v63  }
0x317: {  	_ =	swait.ge [sflag:s28], $0x30  }
0x318: {  	[sflag:s28] =	ssyncset.done $0x0  }
0x319: {  	[sflag:s28] =	ssyncadd.s32 $0xFFFFFFD0  }
0x31a: {  	_ =	sfence.sel $0x180000  }
0x31b: {  	[bflag:$0x0] =	sbarrier.arrive $0xFFFF  }
0x31c: {  	p0 =	sne.s32 s0, $0x0;
	_ =	strace $0x90000047  }
0x31d: {  	s0 =	sadd.s32 @!p0 $0x100000, s1;
	[bflag:$0x2] =	sbarrier.arrive $0xFFFF  }
0x31e: {  	[sflag:s0] =	ssyncadd.tile.s32 @!p0 $0x1;
	_ =	shalt  }
.Lfunc_end2:
_tile_overlayer_lowered:
.L_overlay_start_2:
0x31f: {  	(tag) =	ssettag $0x2  }
0x320: {  	s0 =	rddreg [dreg:$0x0];
	s2 =	stileid.u32  }
0x321: {  	s1 =	rddreg [dreg:$0x1];
	p0 =	sne.s32 s2, $0x0  }
0x322: {  	s3 =	rddreg [dreg:$0x2];
	[bflag:$0x3] =	sbarrier.arrive $0xFFFF;
	s2 =	simm.s32 @!p0 $0x1C02  }
0x323: {  	[timem:s3], [sflag:s2] =	dma.local @!p0 [hbm:s0], s1  }
0x324: {  	s0 =	simm.s32 @!p0 $0x2  }
0x325: {  	_ =	swait.ge @!p0 [sflag:s0], s1  }
0x326: {  	s1 =	ssub.s32 @!p0 $0x0, s1;
	[sflag:s0] =	ssyncset.done @!p0 $0x0  }
0x327: {  	[sflag:s0] =	ssyncadd.s32 @!p0 s1  }
0x328: {  	[bflag:$0x3] =	sbarrier.arrive $0xFFFF  }
0x329: {  	_ =	shalt  }

</sc_bundles>
